<compile_context>
chip_gen: v7x
topology: tpu7x:2x2x1
jax: 0.10.2.dev20260603
libtpu: 0.0.44.dev20260713+nightly
codegen_flags: <defaults>
</compile_context>

<pallas_src>
import functools

import jax
import jax.numpy as jnp
from jax import lax
from jax.experimental import pallas as pl
from jax.experimental.pallas import tpu as pltpu
from jax.experimental.pallas import tpu_sc as plsc

_ALPHA = 0.1
_BETA = 0.5

_NC = 2
_NS = 16
_NW = _NC * _NS
_C = 128


def _spmm_body(n_pad, n_groups, lanes,
               x_hbm, src_hbm, dst_hbm, w_hbm, zero_hbm, out_hbm,
               src_v, dst_v, w_v, rows_v, acc_sh, sem):
  cid = lax.axis_index("c")
  sid = lax.axis_index("s")
  wid = cid * _NS + sid
  stripe = n_pad // _NS

  pltpu.sync_copy(zero_hbm.at[pl.ds(sid * stripe, stripe)],
                  acc_sh.at[pl.ds(sid * stripe, stripe)])
  plsc.subcore_barrier()

  pltpu.sync_copy(src_hbm.at[wid], src_v)
  pltpu.sync_copy(dst_hbm.at[wid], dst_v)
  pltpu.sync_copy(w_hbm.at[wid], w_v)

  d = rows_v.shape[1]

  def group(g, carry):
    pltpu.async_copy(x_hbm.at[src_v.at[g]], rows_v, sem).wait()

    def subblock(sb, carry):
      wv = w_v[g, pl.ds(sb * lanes, lanes)]
      for i in range(lanes):
        e_row = sb * lanes + i
        w = wv[i]
        for j in range(d // lanes):
          sl = pl.ds(j * lanes, lanes)
          rows_v[e_row, sl] = rows_v[e_row, sl] * w
      return carry

    lax.fori_loop(0, _C // lanes, subblock, carry)

    pltpu.sync_copy(rows_v, acc_sh.at[dst_v.at[g]], add=True)
    return carry

  lax.fori_loop(0, n_groups, group, 0)
  plsc.subcore_barrier()

  pltpu.sync_copy(acc_sh.at[pl.ds(sid * stripe, stripe)],
                  out_hbm.at[cid, pl.ds(sid * stripe, stripe)])


def _dense_body(p0_ref, p1_ref, ix_ref, wt_ref, b_ref, o_ref):
  hid = (1.0 - _ALPHA) * (p0_ref[...] + p1_ref[...]) + _ALPHA * ix_ref[...]
  lin = jnp.dot(hid, wt_ref[...], preferred_element_type=jnp.float32)
  o_ref[...] = _BETA * (lin + b_ref[...]) + (1.0 - _BETA) * hid


def kernel(x, init_x, edge_index, edge_weight, W, b):
  n, d = x.shape
  e = edge_weight.shape[0]
  n_groups = -(-e // (_NW * _C))
  e_pad = _NW * n_groups * _C

  src = edge_index[0]
  dst = edge_index[1]
  ew = edge_weight
  if e_pad != e:
    pad = e_pad - e
    src = jnp.concatenate([src, jnp.zeros((pad,), src.dtype)])
    dst = jnp.concatenate([dst, jnp.zeros((pad,), dst.dtype)])
    ew = jnp.concatenate([ew, jnp.zeros((pad,), ew.dtype)])
  src = src.reshape(_NW, n_groups, _C)
  dst = dst.reshape(_NW, n_groups, _C)
  ew = ew.reshape(_NW, n_groups, _C)
  n_pad = -(-n // 128) * 128
  zero_nd = jnp.zeros((n_pad, d), x.dtype)

  info = plsc.get_sparse_core_info()
  lanes = info.num_lanes
  mesh = plsc.VectorSubcoreMesh(core_axis_name="c", subcore_axis_name="s")
  spmm = pl.kernel(
      functools.partial(_spmm_body, n_pad, n_groups, lanes),
      out_type=jax.ShapeDtypeStruct((_NC, n_pad, d), jnp.float32),
      mesh=mesh,
      scratch_types=[
          pltpu.VMEM((n_groups, _C), jnp.int32),
          pltpu.VMEM((n_groups, _C), jnp.int32),
          pltpu.VMEM((n_groups, _C), jnp.float32),
          pltpu.VMEM((_C, d), jnp.float32),
          pltpu.VMEM_SHARED((n_pad, d), jnp.float32),
          pltpu.SemaphoreType.DMA,
      ],
  )
  partial = spmm(x, src, dst, ew, zero_nd)

  bn = 1000
  wt = W.T
  b2 = b.reshape(1, d)
  return pl.pallas_call(
      _dense_body,
      grid=(n // bn,),
      in_specs=[
          pl.BlockSpec((bn, d), lambda i: (i, 0)),
          pl.BlockSpec((bn, d), lambda i: (i, 0)),
          pl.BlockSpec((bn, d), lambda i: (i, 0)),
          pl.BlockSpec((d, d), lambda i: (0, 0)),
          pl.BlockSpec((1, d), lambda i: (0, 0)),
      ],
      out_specs=pl.BlockSpec((bn, d), lambda i: (i, 0)),
      out_shape=jax.ShapeDtypeStruct((n, d), jnp.float32),
  )(partial[0, :n], partial[1, :n], init_x, wt, b2)

# --- scband reference (transcript-rebuilt; emitter-appended) ---
"""Pipeline reference for scband-gcniilayer-21852793602415 (READ-ONLY COPY).

The authoritative reference and input builder live on the scoring server;
editing this copy changes nothing except your own understanding.
"""

import jax, jax.numpy as jnp
import numpy as np

N = 10000
E = 320000
D = 128
ALPHA = 0.1
BETA = 0.5
RESIDUAL = False


def setup_inputs(seed: int = 0) -> dict:
    key = jax.random.key(seed)
    k1, k2, k3, k4, k5, k6 = jax.random.split(key, 6)
    x = jax.random.normal(k1, (N, D), dtype=jnp.float32)
    init_x = jax.random.normal(k2, (N, D), dtype=jnp.float32)
    edge_index = jax.random.randint(k3, (2, E), 0, N, dtype=jnp.int32)
    edge_weight = jax.random.uniform(k4, (E,), dtype=jnp.float32)
    stdv = 1.0 / np.sqrt(D)
    W = jax.random.uniform(k5, (D, D), dtype=jnp.float32, minval=-stdv, maxval=stdv)
    b = jax.random.uniform(k6, (D,), dtype=jnp.float32, minval=-stdv, maxval=stdv)
    return {"x": x, "init_x": init_x, "edge_index": edge_index, "edge_weight": edge_weight, "W": W, "b": b}


def reference(x, init_x, edge_index, edge_weight, W, b):
    # spmm(graph, x): symmetric-normalized sparse adjacency @ x
    src = edge_index[0]
    dst = edge_index[1]
    msgs = x[src] * edge_weight[:, None]            # gather
    hidden = jnp.zeros_like(x).at[dst].add(msgs)    # scatter-add
    # GCNII initial residual connection
    hidden = (1.0 - ALPHA) * hidden + ALPHA * init_x
    # identity mapping: beta * Linear(hidden) + (1 - beta) * hidden
    h = BETA * (hidden @ W.T + b) + (1.0 - BETA) * hidden
    if RESIDUAL:
        h = h + x
    return h

if __name__ == "__main__":
    import jax
    _d = setup_inputs()
    print(jax.jit(kernel)(*tuple(_d.values())))

</pallas_src>

<mosaic_0001>
#map = affine_map<(d0, d1) -> (0, 0)>
#map1 = affine_map<(d0, d1) -> (0, 0, 0)>
module attributes {stable_mosaic.version = 14 : i64} {
  func.func @_spmm_body(%arg0: i32, %arg1: i32, %arg2: memref<10000x128xf32, #tpu.memory_space<hbm>>, %arg3: memref<32x79x128xi32, #tpu.memory_space<hbm>>, %arg4: memref<32x79x128xi32, #tpu.memory_space<hbm>>, %arg5: memref<32x79x128xf32, #tpu.memory_space<hbm>>, %arg6: memref<10112x128xf32, #tpu.memory_space<hbm>>, %arg7: memref<2x10112x128xf32, #tpu.memory_space<hbm>>, %arg8: memref<79x128xi32, #tpu.memory_space<vmem>>, %arg9: memref<79x128xi32, #tpu.memory_space<vmem>>, %arg10: memref<79x128xf32, #tpu.memory_space<vmem>>, %arg11: memref<128x128xf32, #tpu.memory_space<vmem>>, %arg12: memref<10112x128xf32, #tpu.memory_space<vmem_shared>>, %arg13: memref<!tpu.dma_semaphore, #tpu.memory_space<semaphore_mem>>) attributes {dimension_semantics = [#tpu.dimension_semantics<core_parallel>, #tpu.dimension_semantics<subcore_parallel>], iteration_bounds = array<i64: 2, 16>, scalar_prefetch = 0 : i64, scratch_operands = 6 : i64, tpu.core_type = #tpu.core_type<sc_vector_subcore>, window_params = [{transform_indices = #map}, {transform_indices = #map1}, {transform_indices = #map1}, {transform_indices = #map1}, {transform_indices = #map}, {transform_indices = #map1}]} {
    %mul3A = arith.constant 16 : i32
    %mul3A_0 = arith.muli %arg0, %mul3A : i32
    %add3A = arith.addi %mul3A_0, %arg1 : i32
    %mul3A_1 = arith.constant 632 : i32
    %mul3A_2 = arith.muli %arg1, %mul3A_1 : i32
    %mul3A_3 = arith.constant 632 : i32
    %mul3A_4 = arith.muli %arg1, %mul3A_3 : i32
    "tpu.region"() ({
      %run_scoped3A = tpu.sem_alloc : memref<!tpu.dma_semaphore, #tpu.memory_space<semaphore_mem>>
      %dma_start3A = arith.constant 0 : i32
      %dma_start3A_15 = tpu.memref_slice %arg12[%mul3A_4, %dma_start3A] : memref<10112x128xf32, #tpu.memory_space<vmem_shared>> -> memref<632x128xf32, #tpu.memory_space<vmem_shared>>
      %dma_start3A_16 = arith.constant 0 : i32
      %dma_start3A_17 = tpu.memref_slice %arg6[%mul3A_2, %dma_start3A_16] : memref<10112x128xf32, #tpu.memory_space<hbm>> -> memref<632x128xf32, #tpu.memory_space<hbm>>
      tpu.enqueue_dma source(%dma_start3A_17 : memref<632x128xf32, #tpu.memory_space<hbm>>) target(%dma_start3A_15 : memref<632x128xf32, #tpu.memory_space<vmem_shared>>) target_semaphore(%run_scoped3A : memref<!tpu.dma_semaphore, #tpu.memory_space<semaphore_mem>>)
      %dma_wait3A = arith.constant 0 : i32
      %dma_wait3A_18 = tpu.memref_slice %arg12[%mul3A_4, %dma_wait3A] : memref<10112x128xf32, #tpu.memory_space<vmem_shared>> -> memref<632x128xf32, #tpu.memory_space<vmem_shared>>
      %dma_wait3A_19 = arith.constant 0 : i32
      %dma_wait3A_20 = tpu.memref_slice %arg6[%mul3A_2, %dma_wait3A_19] : memref<10112x128xf32, #tpu.memory_space<hbm>> -> memref<632x128xf32, #tpu.memory_space<hbm>>
      tpu.wait_dma2 semaphore(%run_scoped3A : memref<!tpu.dma_semaphore, #tpu.memory_space<semaphore_mem>>) src(%dma_wait3A_20 : memref<632x128xf32, #tpu.memory_space<hbm>>) dst(%dma_wait3A_18 : memref<632x128xf32, #tpu.memory_space<vmem_shared>>)
      tpu.yield
    }) : () -> ()
    %barrier3A = arith.constant 0 : index
    tpu.barrier barrier_id(%barrier3A)
    "tpu.region"() ({
      %run_scoped3A = tpu.sem_alloc : memref<!tpu.dma_semaphore, #tpu.memory_space<semaphore_mem>>
      %dma_start3A = arith.constant 0 : i32
      %dma_start3A_15 = arith.constant 0 : i32
      %dma_start3A_16 = tpu.memref_slice %arg3[%add3A, %dma_start3A, %dma_start3A_15] : memref<32x79x128xi32, #tpu.memory_space<hbm>> -> memref<1x79x128xi32, #tpu.memory_space<hbm>>
      %dma_start3A_17 = tpu.memref_squeeze %dma_start3A_16 : memref<1x79x128xi32, #tpu.memory_space<hbm>> -> memref<79x128xi32, #tpu.memory_space<hbm>>
      %dma_start3A_18 = arith.constant 0 : i32
      %dma_start3A_19 = arith.constant 0 : i32
      %dma_start3A_20 = tpu.memref_slice %arg3[%add3A, %dma_start3A_18, %dma_start3A_19] : memref<32x79x128xi32, #tpu.memory_space<hbm>> -> memref<1x79x128xi32, #tpu.memory_space<hbm>>
      %dma_start3A_21 = tpu.memref_squeeze %dma_start3A_20 : memref<1x79x128xi32, #tpu.memory_space<hbm>> -> memref<79x128xi32, #tpu.memory_space<hbm>>
      tpu.enqueue_dma source(%dma_start3A_21 : memref<79x128xi32, #tpu.memory_space<hbm>>) target(%arg8 : memref<79x128xi32, #tpu.memory_space<vmem>>) target_semaphore(%run_scoped3A : memref<!tpu.dma_semaphore, #tpu.memory_space<semaphore_mem>>)
      %dma_wait3A = arith.constant 0 : i32
      %dma_wait3A_22 = arith.constant 0 : i32
      %dma_wait3A_23 = tpu.memref_slice %arg3[%add3A, %dma_wait3A, %dma_wait3A_22] : memref<32x79x128xi32, #tpu.memory_space<hbm>> -> memref<1x79x128xi32, #tpu.memory_space<hbm>>
      %dma_wait3A_24 = tpu.memref_squeeze %dma_wait3A_23 : memref<1x79x128xi32, #tpu.memory_space<hbm>> -> memref<79x128xi32, #tpu.memory_space<hbm>>
      %dma_wait3A_25 = arith.constant 0 : i32
      %dma_wait3A_26 = arith.constant 0 : i32
      %dma_wait3A_27 = tpu.memref_slice %arg3[%add3A, %dma_wait3A_25, %dma_wait3A_26] : memref<32x79x128xi32, #tpu.memory_space<hbm>> -> memref<1x79x128xi32, #tpu.memory_space<hbm>>
      %dma_wait3A_28 = tpu.memref_squeeze %dma_wait3A_27 : memref<1x79x128xi32, #tpu.memory_space<hbm>> -> memref<79x128xi32, #tpu.memory_space<hbm>>
      tpu.wait_dma2 semaphore(%run_scoped3A : memref<!tpu.dma_semaphore, #tpu.memory_space<semaphore_mem>>) src(%dma_wait3A_28 : memref<79x128xi32, #tpu.memory_space<hbm>>) dst(%arg8 : memref<79x128xi32, #tpu.memory_space<vmem>>)
      tpu.yield
    }) : () -> ()
    "tpu.region"() ({
      %run_scoped3A = tpu.sem_alloc : memref<!tpu.dma_semaphore, #tpu.memory_space<semaphore_mem>>
      %dma_start3A = arith.constant 0 : i32
      %dma_start3A_15 = arith.constant 0 : i32
      %dma_start3A_16 = tpu.memref_slice %arg4[%add3A, %dma_start3A, %dma_start3A_15] : memref<32x79x128xi32, #tpu.memory_space<hbm>> -> memref<1x79x128xi32, #tpu.memory_space<hbm>>
      %dma_start3A_17 = tpu.memref_squeeze %dma_start3A_16 : memref<1x79x128xi32, #tpu.memory_space<hbm>> -> memref<79x128xi32, #tpu.memory_space<hbm>>
      %dma_start3A_18 = arith.constant 0 : i32
      %dma_start3A_19 = arith.constant 0 : i32
      %dma_start3A_20 = tpu.memref_slice %arg4[%add3A, %dma_start3A_18, %dma_start3A_19] : memref<32x79x128xi32, #tpu.memory_space<hbm>> -> memref<1x79x128xi32, #tpu.memory_space<hbm>>
      %dma_start3A_21 = tpu.memref_squeeze %dma_start3A_20 : memref<1x79x128xi32, #tpu.memory_space<hbm>> -> memref<79x128xi32, #tpu.memory_space<hbm>>
      tpu.enqueue_dma source(%dma_start3A_21 : memref<79x128xi32, #tpu.memory_space<hbm>>) target(%arg9 : memref<79x128xi32, #tpu.memory_space<vmem>>) target_semaphore(%run_scoped3A : memref<!tpu.dma_semaphore, #tpu.memory_space<semaphore_mem>>)
      %dma_wait3A = arith.constant 0 : i32
      %dma_wait3A_22 = arith.constant 0 : i32
      %dma_wait3A_23 = tpu.memref_slice %arg4[%add3A, %dma_wait3A, %dma_wait3A_22] : memref<32x79x128xi32, #tpu.memory_space<hbm>> -> memref<1x79x128xi32, #tpu.memory_space<hbm>>
      %dma_wait3A_24 = tpu.memref_squeeze %dma_wait3A_23 : memref<1x79x128xi32, #tpu.memory_space<hbm>> -> memref<79x128xi32, #tpu.memory_space<hbm>>
      %dma_wait3A_25 = arith.constant 0 : i32
      %dma_wait3A_26 = arith.constant 0 : i32
      %dma_wait3A_27 = tpu.memref_slice %arg4[%add3A, %dma_wait3A_25, %dma_wait3A_26] : memref<32x79x128xi32, #tpu.memory_space<hbm>> -> memref<1x79x128xi32, #tpu.memory_space<hbm>>
      %dma_wait3A_28 = tpu.memref_squeeze %dma_wait3A_27 : memref<1x79x128xi32, #tpu.memory_space<hbm>> -> memref<79x128xi32, #tpu.memory_space<hbm>>
      tpu.wait_dma2 semaphore(%run_scoped3A : memref<!tpu.dma_semaphore, #tpu.memory_space<semaphore_mem>>) src(%dma_wait3A_28 : memref<79x128xi32, #tpu.memory_space<hbm>>) dst(%arg9 : memref<79x128xi32, #tpu.memory_space<vmem>>)
      tpu.yield
    }) : () -> ()
    "tpu.region"() ({
      %run_scoped3A = tpu.sem_alloc : memref<!tpu.dma_semaphore, #tpu.memory_space<semaphore_mem>>
      %dma_start3A = arith.constant 0 : i32
      %dma_start3A_15 = arith.constant 0 : i32
      %dma_start3A_16 = tpu.memref_slice %arg5[%add3A, %dma_start3A, %dma_start3A_15] : memref<32x79x128xf32, #tpu.memory_space<hbm>> -> memref<1x79x128xf32, #tpu.memory_space<hbm>>
      %dma_start3A_17 = tpu.memref_squeeze %dma_start3A_16 : memref<1x79x128xf32, #tpu.memory_space<hbm>> -> memref<79x128xf32, #tpu.memory_space<hbm>>
      %dma_start3A_18 = arith.constant 0 : i32
      %dma_start3A_19 = arith.constant 0 : i32
      %dma_start3A_20 = tpu.memref_slice %arg5[%add3A, %dma_start3A_18, %dma_start3A_19] : memref<32x79x128xf32, #tpu.memory_space<hbm>> -> memref<1x79x128xf32, #tpu.memory_space<hbm>>
      %dma_start3A_21 = tpu.memref_squeeze %dma_start3A_20 : memref<1x79x128xf32, #tpu.memory_space<hbm>> -> memref<79x128xf32, #tpu.memory_space<hbm>>
      tpu.enqueue_dma source(%dma_start3A_21 : memref<79x128xf32, #tpu.memory_space<hbm>>) target(%arg10 : memref<79x128xf32, #tpu.memory_space<vmem>>) target_semaphore(%run_scoped3A : memref<!tpu.dma_semaphore, #tpu.memory_space<semaphore_mem>>)
      %dma_wait3A = arith.constant 0 : i32
      %dma_wait3A_22 = arith.constant 0 : i32
      %dma_wait3A_23 = tpu.memref_slice %arg5[%add3A, %dma_wait3A, %dma_wait3A_22] : memref<32x79x128xf32, #tpu.memory_space<hbm>> -> memref<1x79x128xf32, #tpu.memory_space<hbm>>
      %dma_wait3A_24 = tpu.memref_squeeze %dma_wait3A_23 : memref<1x79x128xf32, #tpu.memory_space<hbm>> -> memref<79x128xf32, #tpu.memory_space<hbm>>
      %dma_wait3A_25 = arith.constant 0 : i32
      %dma_wait3A_26 = arith.constant 0 : i32
      %dma_wait3A_27 = tpu.memref_slice %arg5[%add3A, %dma_wait3A_25, %dma_wait3A_26] : memref<32x79x128xf32, #tpu.memory_space<hbm>> -> memref<1x79x128xf32, #tpu.memory_space<hbm>>
      %dma_wait3A_28 = tpu.memref_squeeze %dma_wait3A_27 : memref<1x79x128xf32, #tpu.memory_space<hbm>> -> memref<79x128xf32, #tpu.memory_space<hbm>>
      tpu.wait_dma2 semaphore(%run_scoped3A : memref<!tpu.dma_semaphore, #tpu.memory_space<semaphore_mem>>) src(%dma_wait3A_28 : memref<79x128xf32, #tpu.memory_space<hbm>>) dst(%arg10 : memref<79x128xf32, #tpu.memory_space<vmem>>)
      tpu.yield
    }) : () -> ()
    %scan3A = arith.constant 0 : i32
    %scan3A_5 = arith.constant 0 : i32
    %scan3A_6 = arith.constant 79 : i32
    %scan3A_7 = arith.addi %scan3A_5, %scan3A_6 : i32
    %scan3A_8 = arith.constant 1 : i32
    scf.for %scan3A_15 = %scan3A_5 to %scan3A_7 step %scan3A_8  : i32 {
      %dma_start3A = arith.constant 0 : i32
      %dma_start3A_16 = tpu.memref_slice %arg8[%scan3A_15, %dma_start3A] : memref<79x128xi32, #tpu.memory_space<vmem>> -> memref<1x128xi32, #tpu.memory_space<vmem>>
      %dma_start3A_17 = tpu.memref_squeeze %dma_start3A_16 : memref<1x128xi32, #tpu.memory_space<vmem>> -> memref<128xi32, #tpu.memory_space<vmem>>
      %dma_start3A_18 = arith.constant 0 : i32
      %dma_start3A_19 = arith.constant 0 : i32
      %dma_start3A_20 = tpu.memref_slice %arg2[%dma_start3A_18, %dma_start3A_19] : memref<10000x128xf32, #tpu.memory_space<hbm>> -> memref<10000x128xf32, #tpu.memory_space<hbm>>
      tpu.enqueue_indirect_dma source(%dma_start3A_20 : memref<10000x128xf32, #tpu.memory_space<hbm>>) target(%arg11 : memref<128x128xf32, #tpu.memory_space<vmem>>) offsets(%dma_start3A_17 : memref<128xi32, #tpu.memory_space<vmem>>) semaphore(%arg13 : memref<!tpu.dma_semaphore, #tpu.memory_space<semaphore_mem>>)
      %dma_wait3A = arith.constant 0 : i32
      %dma_wait3A_21 = tpu.memref_slice %arg8[%scan3A_15, %dma_wait3A] : memref<79x128xi32, #tpu.memory_space<vmem>> -> memref<1x128xi32, #tpu.memory_space<vmem>>
      %dma_wait3A_22 = tpu.memref_squeeze %dma_wait3A_21 : memref<1x128xi32, #tpu.memory_space<vmem>> -> memref<128xi32, #tpu.memory_space<vmem>>
      %dma_wait3A_23 = arith.constant 0 : i32
      %dma_wait3A_24 = arith.constant 0 : i32
      %dma_wait3A_25 = tpu.memref_slice %arg2[%dma_wait3A_23, %dma_wait3A_24] : memref<10000x128xf32, #tpu.memory_space<hbm>> -> memref<10000x128xf32, #tpu.memory_space<hbm>>
      tpu.wait_indirect_dma semaphore(%arg13 : memref<!tpu.dma_semaphore, #tpu.memory_space<semaphore_mem>>) src(%dma_wait3A_25 : memref<10000x128xf32, #tpu.memory_space<hbm>>) dst(%arg11 : memref<128x128xf32, #tpu.memory_space<vmem>>)
      %scan3A_26 = arith.constant 0 : i32
      %scan3A_27 = arith.constant 8 : i32
      %scan3A_28 = arith.addi %scan3A_26, %scan3A_27 : i32
      %scan3A_29 = arith.constant 1 : i32
      scf.for %scan3A_31 = %scan3A_26 to %scan3A_28 step %scan3A_29  : i32 {
        %mul3A_32 = arith.constant 16 : i32
        %mul3A_33 = arith.muli %scan3A_31, %mul3A_32 : i32
        %get3A = arith.index_cast %scan3A_15 : i32 to index
        %get3A_34 = arith.index_cast %mul3A_33 : i32 to index
        %get3A_35 = tpu.vector_load %arg10[%get3A, %get3A_34] {strides = array<i32>} : memref<79x128xf32, #tpu.memory_space<vmem>>, vector<1x16xf32>,
        %get3A_36 = vector.shape_cast %get3A_35 : vector<1x16xf32> to vector<16xf32>
        %mul3A_37 = arith.constant 16 : i32
        %mul3A_38 = arith.muli %scan3A_31, %mul3A_37 : i32
        %add3A_39 = arith.constant 0 : i32
        %add3A_40 = arith.addi %mul3A_38, %add3A_39 : i32
        %slice3A = vector.extract_strided_slice %get3A_36 {offsets = [0], sizes = [1], strides = [1]} : vector<16xf32> to vector<1xf32>
        %squeeze3A = vector.extract %slice3A[0] : f32 from vector<1xf32>
        %get3A_41 = arith.index_cast %add3A_40 : i32 to index
        %get3A_42 = arith.constant 0 : index
        %get3A_43 = tpu.vector_load %arg11[%get3A_41, %get3A_42] {strides = array<i32>} : memref<128x128xf32, #tpu.memory_space<vmem>>, vector<1x16xf32>,
        %get3A_44 = vector.shape_cast %get3A_43 : vector<1x16xf32> to vector<16xf32>
        %mul3A_45 = vector.broadcast %squeeze3A : f32 to vector<16xf32>
        %mul3A_46 = arith.mulf %get3A_44, %mul3A_45 : vector<16xf32>
        %swap3A = arith.index_cast %add3A_40 : i32 to index
        %swap3A_47 = arith.constant 0 : index
        %swap3A_48 = tpu.vector_load %arg11[%swap3A, %swap3A_47] {strides = array<i32>} : memref<128x128xf32, #tpu.memory_space<vmem>>, vector<1x16xf32>,
        %swap3A_49 = vector.shape_cast %swap3A_48 : vector<1x16xf32> to vector<16xf32>
        %swap3A_50 = vector.shape_cast %mul3A_46 : vector<16xf32> to vector<1x16xf32>
        tpu.vector_store %arg11[%swap3A, %swap3A_47], %swap3A_50 {strides = array<i32>} : memref<128x128xf32, #tpu.memory_space<vmem>>, vector<1x16xf32>,
        %get3A_51 = arith.index_cast %add3A_40 : i32 to index
        %get3A_52 = arith.constant 16 : index
        %get3A_53 = tpu.vector_load %arg11[%get3A_51, %get3A_52] {strides = array<i32>} : memref<128x128xf32, #tpu.memory_space<vmem>>, vector<1x16xf32>,
        %get3A_54 = vector.shape_cast %get3A_53 : vector<1x16xf32> to vector<16xf32>
        %mul3A_55 = vector.broadcast %squeeze3A : f32 to vector<16xf32>
        %mul3A_56 = arith.mulf %get3A_54, %mul3A_55 : vector<16xf32>
        %swap3A_57 = arith.index_cast %add3A_40 : i32 to index
        %swap3A_58 = arith.constant 16 : index
        %swap3A_59 = tpu.vector_load %arg11[%swap3A_57, %swap3A_58] {strides = array<i32>} : memref<128x128xf32, #tpu.memory_space<vmem>>, vector<1x16xf32>,
        %swap3A_60 = vector.shape_cast %swap3A_59 : vector<1x16xf32> to vector<16xf32>
        %swap3A_61 = vector.shape_cast %mul3A_56 : vector<16xf32> to vector<1x16xf32>
        tpu.vector_store %arg11[%swap3A_57, %swap3A_58], %swap3A_61 {strides = array<i32>} : memref<128x128xf32, #tpu.memory_space<vmem>>, vector<1x16xf32>,
        %get3A_62 = arith.index_cast %add3A_40 : i32 to index
        %get3A_63 = arith.constant 32 : index
        %get3A_64 = tpu.vector_load %arg11[%get3A_62, %get3A_63] {strides = array<i32>} : memref<128x128xf32, #tpu.memory_space<vmem>>, vector<1x16xf32>,
        %get3A_65 = vector.shape_cast %get3A_64 : vector<1x16xf32> to vector<16xf32>
        %mul3A_66 = vector.broadcast %squeeze3A : f32 to vector<16xf32>
        %mul3A_67 = arith.mulf %get3A_65, %mul3A_66 : vector<16xf32>
        %swap3A_68 = arith.index_cast %add3A_40 : i32 to index
        %swap3A_69 = arith.constant 32 : index
        %swap3A_70 = tpu.vector_load %arg11[%swap3A_68, %swap3A_69] {strides = array<i32>} : memref<128x128xf32, #tpu.memory_space<vmem>>, vector<1x16xf32>,
        %swap3A_71 = vector.shape_cast %swap3A_70 : vector<1x16xf32> to vector<16xf32>
        %swap3A_72 = vector.shape_cast %mul3A_67 : vector<16xf32> to vector<1x16xf32>
        tpu.vector_store %arg11[%swap3A_68, %swap3A_69], %swap3A_72 {strides = array<i32>} : memref<128x128xf32, #tpu.memory_space<vmem>>, vector<1x16xf32>,
        %get3A_73 = arith.index_cast %add3A_40 : i32 to index
        %get3A_74 = arith.constant 48 : index
        %get3A_75 = tpu.vector_load %arg11[%get3A_73, %get3A_74] {strides = array<i32>} : memref<128x128xf32, #tpu.memory_space<vmem>>, vector<1x16xf32>,
        %get3A_76 = vector.shape_cast %get3A_75 : vector<1x16xf32> to vector<16xf32>
        %mul3A_77 = vector.broadcast %squeeze3A : f32 to vector<16xf32>
        %mul3A_78 = arith.mulf %get3A_76, %mul3A_77 : vector<16xf32>
        %swap3A_79 = arith.index_cast %add3A_40 : i32 to index
        %swap3A_80 = arith.constant 48 : index
        %swap3A_81 = tpu.vector_load %arg11[%swap3A_79, %swap3A_80] {strides = array<i32>} : memref<128x128xf32, #tpu.memory_space<vmem>>, vector<1x16xf32>,
        %swap3A_82 = vector.shape_cast %swap3A_81 : vector<1x16xf32> to vector<16xf32>
        %swap3A_83 = vector.shape_cast %mul3A_78 : vector<16xf32> to vector<1x16xf32>
        tpu.vector_store %arg11[%swap3A_79, %swap3A_80], %swap3A_83 {strides = array<i32>} : memref<128x128xf32, #tpu.memory_space<vmem>>, vector<1x16xf32>,
        %get3A_84 = arith.index_cast %add3A_40 : i32 to index
        %get3A_85 = arith.constant 64 : index
        %get3A_86 = tpu.vector_load %arg11[%get3A_84, %get3A_85] {strides = array<i32>} : memref<128x128xf32, #tpu.memory_space<vmem>>, vector<1x16xf32>,
        %get3A_87 = vector.shape_cast %get3A_86 : vector<1x16xf32> to vector<16xf32>
        %mul3A_88 = vector.broadcast %squeeze3A : f32 to vector<16xf32>
        %mul3A_89 = arith.mulf %get3A_87, %mul3A_88 : vector<16xf32>
        %swap3A_90 = arith.index_cast %add3A_40 : i32 to index
        %swap3A_91 = arith.constant 64 : index
        %swap3A_92 = tpu.vector_load %arg11[%swap3A_90, %swap3A_91] {strides = array<i32>} : memref<128x128xf32, #tpu.memory_space<vmem>>, vector<1x16xf32>,
        %swap3A_93 = vector.shape_cast %swap3A_92 : vector<1x16xf32> to vector<16xf32>
        %swap3A_94 = vector.shape_cast %mul3A_89 : vector<16xf32> to vector<1x16xf32>
        tpu.vector_store %arg11[%swap3A_90, %swap3A_91], %swap3A_94 {strides = array<i32>} : memref<128x128xf32, #tpu.memory_space<vmem>>, vector<1x16xf32>,
        %get3A_95 = arith.index_cast %add3A_40 : i32 to index
        %get3A_96 = arith.constant 80 : index
        %get3A_97 = tpu.vector_load %arg11[%get3A_95, %get3A_96] {strides = array<i32>} : memref<128x128xf32, #tpu.memory_space<vmem>>, vector<1x16xf32>,
        %get3A_98 = vector.shape_cast %get3A_97 : vector<1x16xf32> to vector<16xf32>
        %mul3A_99 = vector.broadcast %squeeze3A : f32 to vector<16xf32>
        %mul3A_100 = arith.mulf %get3A_98, %mul3A_99 : vector<16xf32>
        %swap3A_101 = arith.index_cast %add3A_40 : i32 to index
        %swap3A_102 = arith.constant 80 : index
        %swap3A_103 = tpu.vector_load %arg11[%swap3A_101, %swap3A_102] {strides = array<i32>} : memref<128x128xf32, #tpu.memory_space<vmem>>, vector<1x16xf32>,
        %swap3A_104 = vector.shape_cast %swap3A_103 : vector<1x16xf32> to vector<16xf32>
        %swap3A_105 = vector.shape_cast %mul3A_100 : vector<16xf32> to vector<1x16xf32>
        tpu.vector_store %arg11[%swap3A_101, %swap3A_102], %swap3A_105 {strides = array<i32>} : memref<128x128xf32, #tpu.memory_space<vmem>>, vector<1x16xf32>,
        %get3A_106 = arith.index_cast %add3A_40 : i32 to index
        %get3A_107 = arith.constant 96 : index
        %get3A_108 = tpu.vector_load %arg11[%get3A_106, %get3A_107] {strides = array<i32>} : memref<128x128xf32, #tpu.memory_space<vmem>>, vector<1x16xf32>,
        %get3A_109 = vector.shape_cast %get3A_108 : vector<1x16xf32> to vector<16xf32>
        %mul3A_110 = vector.broadcast %squeeze3A : f32 to vector<16xf32>
        %mul3A_111 = arith.mulf %get3A_109, %mul3A_110 : vector<16xf32>
        %swap3A_112 = arith.index_cast %add3A_40 : i32 to index
        %swap3A_113 = arith.constant 96 : index
        %swap3A_114 = tpu.vector_load %arg11[%swap3A_112, %swap3A_113] {strides = array<i32>} : memref<128x128xf32, #tpu.memory_space<vmem>>, vector<1x16xf32>,
        %swap3A_115 = vector.shape_cast %swap3A_114 : vector<1x16xf32> to vector<16xf32>
        %swap3A_116 = vector.shape_cast %mul3A_111 : vector<16xf32> to vector<1x16xf32>
        tpu.vector_store %arg11[%swap3A_112, %swap3A_113], %swap3A_116 {strides = array<i32>} : memref<128x128xf32, #tpu.memory_space<vmem>>, vector<1x16xf32>,
        %get3A_117 = arith.index_cast %add3A_40 : i32 to index
        %get3A_118 = arith.constant 112 : index
        %get3A_119 = tpu.vector_load %arg11[%get3A_117, %get3A_118] {strides = array<i32>} : memref<128x128xf32, #tpu.memory_space<vmem>>, vector<1x16xf32>,
        %get3A_120 = vector.shape_cast %get3A_119 : vector<1x16xf32> to vector<16xf32>
        %mul3A_121 = vector.broadcast %squeeze3A : f32 to vector<16xf32>
        %mul3A_122 = arith.mulf %get3A_120, %mul3A_121 : vector<16xf32>
        %swap3A_123 = arith.index_cast %add3A_40 : i32 to index
        %swap3A_124 = arith.constant 112 : index
        %swap3A_125 = tpu.vector_load %arg11[%swap3A_123, %swap3A_124] {strides = array<i32>} : memref<128x128xf32, #tpu.memory_space<vmem>>, vector<1x16xf32>,
        %swap3A_126 = vector.shape_cast %swap3A_125 : vector<1x16xf32> to vector<16xf32>
        %swap3A_127 = vector.shape_cast %mul3A_122 : vector<16xf32> to vector<1x16xf32>
        tpu.vector_store %arg11[%swap3A_123, %swap3A_124], %swap3A_127 {strides = array<i32>} : memref<128x128xf32, #tpu.memory_space<vmem>>, vector<1x16xf32>,
        %mul3A_128 = arith.constant 16 : i32
        %mul3A_129 = arith.muli %scan3A_31, %mul3A_128 : i32
        %add3A_130 = arith.constant 1 : i32
        %add3A_131 = arith.addi %mul3A_129, %add3A_130 : i32
        %slice3A_132 = vector.extract_strided_slice %get3A_36 {offsets = [1], sizes = [1], strides = [1]} : vector<16xf32> to vector<1xf32>
        %squeeze3A_133 = vector.extract %slice3A_132[0] : f32 from vector<1xf32>
        %get3A_134 = arith.index_cast %add3A_131 : i32 to index
        %get3A_135 = arith.constant 0 : index
        %get3A_136 = tpu.vector_load %arg11[%get3A_134, %get3A_135] {strides = array<i32>} : memref<128x128xf32, #tpu.memory_space<vmem>>, vector<1x16xf32>,
        %get3A_137 = vector.shape_cast %get3A_136 : vector<1x16xf32> to vector<16xf32>
        %mul3A_138 = vector.broadcast %squeeze3A_133 : f32 to vector<16xf32>
        %mul3A_139 = arith.mulf %get3A_137, %mul3A_138 : vector<16xf32>
        %swap3A_140 = arith.index_cast %add3A_131 : i32 to index
        %swap3A_141 = arith.constant 0 : index
        %swap3A_142 = tpu.vector_load %arg11[%swap3A_140, %swap3A_141] {strides = array<i32>} : memref<128x128xf32, #tpu.memory_space<vmem>>, vector<1x16xf32>,
        %swap3A_143 = vector.shape_cast %swap3A_142 : vector<1x16xf32> to vector<16xf32>
        %swap3A_144 = vector.shape_cast %mul3A_139 : vector<16xf32> to vector<1x16xf32>
        tpu.vector_store %arg11[%swap3A_140, %swap3A_141], %swap3A_144 {strides = array<i32>} : memref<128x128xf32, #tpu.memory_space<vmem>>, vector<1x16xf32>,
        %get3A_145 = arith.index_cast %add3A_131 : i32 to index
        %get3A_146 = arith.constant 16 : index
        %get3A_147 = tpu.vector_load %arg11[%get3A_145, %get3A_146] {strides = array<i32>} : memref<128x128xf32, #tpu.memory_space<vmem>>, vector<1x16xf32>,
        %get3A_148 = vector.shape_cast %get3A_147 : vector<1x16xf32> to vector<16xf32>
        %mul3A_149 = vector.broadcast %squeeze3A_133 : f32 to vector<16xf32>
        %mul3A_150 = arith.mulf %get3A_148, %mul3A_149 : vector<16xf32>
        %swap3A_151 = arith.index_cast %add3A_131 : i32 to index
        %swap3A_152 = arith.constant 16 : index
        %swap3A_153 = tpu.vector_load %arg11[%swap3A_151, %swap3A_152] {strides = array<i32>} : memref<128x128xf32, #tpu.memory_space<vmem>>, vector<1x16xf32>,
        %swap3A_154 = vector.shape_cast %swap3A_153 : vector<1x16xf32> to vector<16xf32>
        %swap3A_155 = vector.shape_cast %mul3A_150 : vector<16xf32> to vector<1x16xf32>
        tpu.vector_store %arg11[%swap3A_151, %swap3A_152], %swap3A_155 {strides = array<i32>} : memref<128x128xf32, #tpu.memory_space<vmem>>, vector<1x16xf32>,
        %get3A_156 = arith.index_cast %add3A_131 : i32 to index
        %get3A_157 = arith.constant 32 : index
        %get3A_158 = tpu.vector_load %arg11[%get3A_156, %get3A_157] {strides = array<i32>} : memref<128x128xf32, #tpu.memory_space<vmem>>, vector<1x16xf32>,
        %get3A_159 = vector.shape_cast %get3A_158 : vector<1x16xf32> to vector<16xf32>
        %mul3A_160 = vector.broadcast %squeeze3A_133 : f32 to vector<16xf32>
        %mul3A_161 = arith.mulf %get3A_159, %mul3A_160 : vector<16xf32>
        %swap3A_162 = arith.index_cast %add3A_131 : i32 to index
        %swap3A_163 = arith.constant 32 : index
        %swap3A_164 = tpu.vector_load %arg11[%swap3A_162, %swap3A_163] {strides = array<i32>} : memref<128x128xf32, #tpu.memory_space<vmem>>, vector<1x16xf32>,
        %swap3A_165 = vector.shape_cast %swap3A_164 : vector<1x16xf32> to vector<16xf32>
        %swap3A_166 = vector.shape_cast %mul3A_161 : vector<16xf32> to vector<1x16xf32>
        tpu.vector_store %arg11[%swap3A_162, %swap3A_163], %swap3A_166 {strides = array<i32>} : memref<128x128xf32, #tpu.memory_space<vmem>>, vector<1x16xf32>,
        %get3A_167 = arith.index_cast %add3A_131 : i32 to index
        %get3A_168 = arith.constant 48 : index
        %get3A_169 = tpu.vector_load %arg11[%get3A_167, %get3A_168] {strides = array<i32>} : memref<128x128xf32, #tpu.memory_space<vmem>>, vector<1x16xf32>,
        %get3A_170 = vector.shape_cast %get3A_169 : vector<1x16xf32> to vector<16xf32>
        %mul3A_171 = vector.broadcast %squeeze3A_133 : f32 to vector<16xf32>
        %mul3A_172 = arith.mulf %get3A_170, %mul3A_171 : vector<16xf32>
        %swap3A_173 = arith.index_cast %add3A_131 : i32 to index
        %swap3A_174 = arith.constant 48 : index
        %swap3A_175 = tpu.vector_load %arg11[%swap3A_173, %swap3A_174] {strides = array<i32>} : memref<128x128xf32, #tpu.memory_space<vmem>>, vector<1x16xf32>,
        %swap3A_176 = vector.shape_cast %swap3A_175 : vector<1x16xf32> to vector<16xf32>
        %swap3A_177 = vector.shape_cast %mul3A_172 : vector<16xf32> to vector<1x16xf32>
        tpu.vector_store %arg11[%swap3A_173, %swap3A_174], %swap3A_177 {strides = array<i32>} : memref<128x128xf32, #tpu.memory_space<vmem>>, vector<1x16xf32>,
        %get3A_178 = arith.index_cast %add3A_131 : i32 to index
        %get3A_179 = arith.constant 64 : index
        %get3A_180 = tpu.vector_load %arg11[%get3A_178, %get3A_179] {strides = array<i32>} : memref<128x128xf32, #tpu.memory_space<vmem>>, vector<1x16xf32>,
        %get3A_181 = vector.shape_cast %get3A_180 : vector<1x16xf32> to vector<16xf32>
        %mul3A_182 = vector.broadcast %squeeze3A_133 : f32 to vector<16xf32>
        %mul3A_183 = arith.mulf %get3A_181, %mul3A_182 : vector<16xf32>
        %swap3A_184 = arith.index_cast %add3A_131 : i32 to index
        %swap3A_185 = arith.constant 64 : index
        %swap3A_186 = tpu.vector_load %arg11[%swap3A_184, %swap3A_185] {strides = array<i32>} : memref<128x128xf32, #tpu.memory_space<vmem>>, vector<1x16xf32>,
        %swap3A_187 = vector.shape_cast %swap3A_186 : vector<1x16xf32> to vector<16xf32>
        %swap3A_188 = vector.shape_cast %mul3A_183 : vector<16xf32> to vector<1x16xf32>
        tpu.vector_store %arg11[%swap3A_184, %swap3A_185], %swap3A_188 {strides = array<i32>} : memref<128x128xf32, #tpu.memory_space<vmem>>, vector<1x16xf32>,
        %get3A_189 = arith.index_cast %add3A_131 : i32 to index
        %get3A_190 = arith.constant 80 : index
        %get3A_191 = tpu.vector_load %arg11[%get3A_189, %get3A_190] {strides = array<i32>} : memref<128x128xf32, #tpu.memory_space<vmem>>, vector<1x16xf32>,
        %get3A_192 = vector.shape_cast %get3A_191 : vector<1x16xf32> to vector<16xf32>
        %mul3A_193 = vector.broadcast %squeeze3A_133 : f32 to vector<16xf32>
        %mul3A_194 = arith.mulf %get3A_192, %mul3A_193 : vector<16xf32>
        %swap3A_195 = arith.index_cast %add3A_131 : i32 to index
        %swap3A_196 = arith.constant 80 : index
        %swap3A_197 = tpu.vector_load %arg11[%swap3A_195, %swap3A_196] {strides = array<i32>} : memref<128x128xf32, #tpu.memory_space<vmem>>, vector<1x16xf32>,
        %swap3A_198 = vector.shape_cast %swap3A_197 : vector<1x16xf32> to vector<16xf32>
        %swap3A_199 = vector.shape_cast %mul3A_194 : vector<16xf32> to vector<1x16xf32>
        tpu.vector_store %arg11[%swap3A_195, %swap3A_196], %swap3A_199 {strides = array<i32>} : memref<128x128xf32, #tpu.memory_space<vmem>>, vector<1x16xf32>,
        %get3A_200 = arith.index_cast %add3A_131 : i32 to index
        %get3A_201 = arith.constant 96 : index
        %get3A_202 = tpu.vector_load %arg11[%get3A_200, %get3A_201] {strides = array<i32>} : memref<128x128xf32, #tpu.memory_space<vmem>>, vector<1x16xf32>,
        %get3A_203 = vector.shape_cast %get3A_202 : vector<1x16xf32> to vector<16xf32>
        %mul3A_204 = vector.broadcast %squeeze3A_133 : f32 to vector<16xf32>
        %mul3A_205 = arith.mulf %get3A_203, %mul3A_204 : vector<16xf32>
        %swap3A_206 = arith.index_cast %add3A_131 : i32 to index
        %swap3A_207 = arith.constant 96 : index
        %swap3A_208 = tpu.vector_load %arg11[%swap3A_206, %swap3A_207] {strides = array<i32>} : memref<128x128xf32, #tpu.memory_space<vmem>>, vector<1x16xf32>,
        %swap3A_209 = vector.shape_cast %swap3A_208 : vector<1x16xf32> to vector<16xf32>
        %swap3A_210 = vector.shape_cast %mul3A_205 : vector<16xf32> to vector<1x16xf32>
        tpu.vector_store %arg11[%swap3A_206, %swap3A_207], %swap3A_210 {strides = array<i32>} : memref<128x128xf32, #tpu.memory_space<vmem>>, vector<1x16xf32>,
        %get3A_211 = arith.index_cast %add3A_131 : i32 to index
        %get3A_212 = arith.constant 112 : index
        %get3A_213 = tpu.vector_load %arg11[%get3A_211, %get3A_212] {strides = array<i32>} : memref<128x128xf32, #tpu.memory_space<vmem>>, vector<1x16xf32>,
        %get3A_214 = vector.shape_cast %get3A_213 : vector<1x16xf32> to vector<16xf32>
        %mul3A_215 = vector.broadcast %squeeze3A_133 : f32 to vector<16xf32>
        %mul3A_216 = arith.mulf %get3A_214, %mul3A_215 : vector<16xf32>
        %swap3A_217 = arith.index_cast %add3A_131 : i32 to index
        %swap3A_218 = arith.constant 112 : index
        %swap3A_219 = tpu.vector_load %arg11[%swap3A_217, %swap3A_218] {strides = array<i32>} : memref<128x128xf32, #tpu.memory_space<vmem>>, vector<1x16xf32>,
        %swap3A_220 = vector.shape_cast %swap3A_219 : vector<1x16xf32> to vector<16xf32>
        %swap3A_221 = vector.shape_cast %mul3A_216 : vector<16xf32> to vector<1x16xf32>
        tpu.vector_store %arg11[%swap3A_217, %swap3A_218], %swap3A_221 {strides = array<i32>} : memref<128x128xf32, #tpu.memory_space<vmem>>, vector<1x16xf32>,
        %mul3A_222 = arith.constant 16 : i32
        %mul3A_223 = arith.muli %scan3A_31, %mul3A_222 : i32
        %add3A_224 = arith.constant 2 : i32
        %add3A_225 = arith.addi %mul3A_223, %add3A_224 : i32
        %slice3A_226 = vector.extract_strided_slice %get3A_36 {offsets = [2], sizes = [1], strides = [1]} : vector<16xf32> to vector<1xf32>
        %squeeze3A_227 = vector.extract %slice3A_226[0] : f32 from vector<1xf32>
        %get3A_228 = arith.index_cast %add3A_225 : i32 to index
        %get3A_229 = arith.constant 0 : index
        %get3A_230 = tpu.vector_load %arg11[%get3A_228, %get3A_229] {strides = array<i32>} : memref<128x128xf32, #tpu.memory_space<vmem>>, vector<1x16xf32>,
        %get3A_231 = vector.shape_cast %get3A_230 : vector<1x16xf32> to vector<16xf32>
        %mul3A_232 = vector.broadcast %squeeze3A_227 : f32 to vector<16xf32>
        %mul3A_233 = arith.mulf %get3A_231, %mul3A_232 : vector<16xf32>
        %swap3A_234 = arith.index_cast %add3A_225 : i32 to index
        %swap3A_235 = arith.constant 0 : index
        %swap3A_236 = tpu.vector_load %arg11[%swap3A_234, %swap3A_235] {strides = array<i32>} : memref<128x128xf32, #tpu.memory_space<vmem>>, vector<1x16xf32>,
        %swap3A_237 = vector.shape_cast %swap3A_236 : vector<1x16xf32> to vector<16xf32>
        %swap3A_238 = vector.shape_cast %mul3A_233 : vector<16xf32> to vector<1x16xf32>
        tpu.vector_store %arg11[%swap3A_234, %swap3A_235], %swap3A_238 {strides = array<i32>} : memref<128x128xf32, #tpu.memory_space<vmem>>, vector<1x16xf32>,
        %get3A_239 = arith.index_cast %add3A_225 : i32 to index
        %get3A_240 = arith.constant 16 : index
        %get3A_241 = tpu.vector_load %arg11[%get3A_239, %get3A_240] {strides = array<i32>} : memref<128x128xf32, #tpu.memory_space<vmem>>, vector<1x16xf32>,
        %get3A_242 = vector.shape_cast %get3A_241 : vector<1x16xf32> to vector<16xf32>
        %mul3A_243 = vector.broadcast %squeeze3A_227 : f32 to vector<16xf32>
        %mul3A_244 = arith.mulf %get3A_242, %mul3A_243 : vector<16xf32>
        %swap3A_245 = arith.index_cast %add3A_225 : i32 to index
        %swap3A_246 = arith.constant 16 : index
        %swap3A_247 = tpu.vector_load %arg11[%swap3A_245, %swap3A_246] {strides = array<i32>} : memref<128x128xf32, #tpu.memory_space<vmem>>, vector<1x16xf32>,
        %swap3A_248 = vector.shape_cast %swap3A_247 : vector<1x16xf32> to vector<16xf32>
        %swap3A_249 = vector.shape_cast %mul3A_244 : vector<16xf32> to vector<1x16xf32>
        tpu.vector_store %arg11[%swap3A_245, %swap3A_246], %swap3A_249 {strides = array<i32>} : memref<128x128xf32, #tpu.memory_space<vmem>>, vector<1x16xf32>,
        %get3A_250 = arith.index_cast %add3A_225 : i32 to index
        %get3A_251 = arith.constant 32 : index
        %get3A_252 = tpu.vector_load %arg11[%get3A_250, %get3A_251] {strides = array<i32>} : memref<128x128xf32, #tpu.memory_space<vmem>>, vector<1x16xf32>,
        %get3A_253 = vector.shape_cast %get3A_252 : vector<1x16xf32> to vector<16xf32>
        %mul3A_254 = vector.broadcast %squeeze3A_227 : f32 to vector<16xf32>
        %mul3A_255 = arith.mulf %get3A_253, %mul3A_254 : vector<16xf32>
        %swap3A_256 = arith.index_cast %add3A_225 : i32 to index
        %swap3A_257 = arith.constant 32 : index
        %swap3A_258 = tpu.vector_load %arg11[%swap3A_256, %swap3A_257] {strides = array<i32>} : memref<128x128xf32, #tpu.memory_space<vmem>>, vector<1x16xf32>,
        %swap3A_259 = vector.shape_cast %swap3A_258 : vector<1x16xf32> to vector<16xf32>
        %swap3A_260 = vector.shape_cast %mul3A_255 : vector<16xf32> to vector<1x16xf32>
        tpu.vector_store %arg11[%swap3A_256, %swap3A_257], %swap3A_260 {strides = array<i32>} : memref<128x128xf32, #tpu.memory_space<vmem>>, vector<1x16xf32>,
        %get3A_261 = arith.index_cast %add3A_225 : i32 to index
        %get3A_262 = arith.constant 48 : index
        %get3A_263 = tpu.vector_load %arg11[%get3A_261, %get3A_262] {strides = array<i32>} : memref<128x128xf32, #tpu.memory_space<vmem>>, vector<1x16xf32>,
        %get3A_264 = vector.shape_cast %get3A_263 : vector<1x16xf32> to vector<16xf32>
        %mul3A_265 = vector.broadcast %squeeze3A_227 : f32 to vector<16xf32>
        %mul3A_266 = arith.mulf %get3A_264, %mul3A_265 : vector<16xf32>
        %swap3A_267 = arith.index_cast %add3A_225 : i32 to index
        %swap3A_268 = arith.constant 48 : index
        %swap3A_269 = tpu.vector_load %arg11[%swap3A_267, %swap3A_268] {strides = array<i32>} : memref<128x128xf32, #tpu.memory_space<vmem>>, vector<1x16xf32>,
        %swap3A_270 = vector.shape_cast %swap3A_269 : vector<1x16xf32> to vector<16xf32>
        %swap3A_271 = vector.shape_cast %mul3A_266 : vector<16xf32> to vector<1x16xf32>
        tpu.vector_store %arg11[%swap3A_267, %swap3A_268], %swap3A_271 {strides = array<i32>} : memref<128x128xf32, #tpu.memory_space<vmem>>, vector<1x16xf32>,
        %get3A_272 = arith.index_cast %add3A_225 : i32 to index
        %get3A_273 = arith.constant 64 : index
        %get3A_274 = tpu.vector_load %arg11[%get3A_272, %get3A_273] {strides = array<i32>} : memref<128x128xf32, #tpu.memory_space<vmem>>, vector<1x16xf32>,
        %get3A_275 = vector.shape_cast %get3A_274 : vector<1x16xf32> to vector<16xf32>
        %mul3A_276 = vector.broadcast %squeeze3A_227 : f32 to vector<16xf32>
        %mul3A_277 = arith.mulf %get3A_275, %mul3A_276 : vector<16xf32>
        %swap3A_278 = arith.index_cast %add3A_225 : i32 to index
        %swap3A_279 = arith.constant 64 : index
        %swap3A_280 = tpu.vector_load %arg11[%swap3A_278, %swap3A_279] {strides = array<i32>} : memref<128x128xf32, #tpu.memory_space<vmem>>, vector<1x16xf32>,
        %swap3A_281 = vector.shape_cast %swap3A_280 : vector<1x16xf32> to vector<16xf32>
        %swap3A_282 = vector.shape_cast %mul3A_277 : vector<16xf32> to vector<1x16xf32>
        tpu.vector_store %arg11[%swap3A_278, %swap3A_279], %swap3A_282 {strides = array<i32>} : memref<128x128xf32, #tpu.memory_space<vmem>>, vector<1x16xf32>,
        %get3A_283 = arith.index_cast %add3A_225 : i32 to index
        %get3A_284 = arith.constant 80 : index
        %get3A_285 = tpu.vector_load %arg11[%get3A_283, %get3A_284] {strides = array<i32>} : memref<128x128xf32, #tpu.memory_space<vmem>>, vector<1x16xf32>,
        %get3A_286 = vector.shape_cast %get3A_285 : vector<1x16xf32> to vector<16xf32>
        %mul3A_287 = vector.broadcast %squeeze3A_227 : f32 to vector<16xf32>
        %mul3A_288 = arith.mulf %get3A_286, %mul3A_287 : vector<16xf32>
        %swap3A_289 = arith.index_cast %add3A_225 : i32 to index
        %swap3A_290 = arith.constant 80 : index
        %swap3A_291 = tpu.vector_load %arg11[%swap3A_289, %swap3A_290] {strides = array<i32>} : memref<128x128xf32, #tpu.memory_space<vmem>>, vector<1x16xf32>,
        %swap3A_292 = vector.shape_cast %swap3A_291 : vector<1x16xf32> to vector<16xf32>
        %swap3A_293 = vector.shape_cast %mul3A_288 : vector<16xf32> to vector<1x16xf32>
        tpu.vector_store %arg11[%swap3A_289, %swap3A_290], %swap3A_293 {strides = array<i32>} : memref<128x128xf32, #tpu.memory_space<vmem>>, vector<1x16xf32>,
        %get3A_294 = arith.index_cast %add3A_225 : i32 to index
        %get3A_295 = arith.constant 96 : index
        %get3A_296 = tpu.vector_load %arg11[%get3A_294, %get3A_295] {strides = array<i32>} : memref<128x128xf32, #tpu.memory_space<vmem>>, vector<1x16xf32>,
        %get3A_297 = vector.shape_cast %get3A_296 : vector<1x16xf32> to vector<16xf32>
        %mul3A_298 = vector.broadcast %squeeze3A_227 : f32 to vector<16xf32>
        %mul3A_299 = arith.mulf %get3A_297, %mul3A_298 : vector<16xf32>
        %swap3A_300 = arith.index_cast %add3A_225 : i32 to index
        %swap3A_301 = arith.constant 96 : index
        %swap3A_302 = tpu.vector_load %arg11[%swap3A_300, %swap3A_301] {strides = array<i32>} : memref<128x128xf32, #tpu.memory_space<vmem>>, vector<1x16xf32>,
        %swap3A_303 = vector.shape_cast %swap3A_302 : vector<1x16xf32> to vector<16xf32>
        %swap3A_304 = vector.shape_cast %mul3A_299 : vector<16xf32> to vector<1x16xf32>
        tpu.vector_store %arg11[%swap3A_300, %swap3A_301], %swap3A_304 {strides = array<i32>} : memref<128x128xf32, #tpu.memory_space<vmem>>, vector<1x16xf32>,
        %get3A_305 = arith.index_cast %add3A_225 : i32 to index
        %get3A_306 = arith.constant 112 : index
        %get3A_307 = tpu.vector_load %arg11[%get3A_305, %get3A_306] {strides = array<i32>} : memref<128x128xf32, #tpu.memory_space<vmem>>, vector<1x16xf32>,
        %get3A_308 = vector.shape_cast %get3A_307 : vector<1x16xf32> to vector<16xf32>
        %mul3A_309 = vector.broadcast %squeeze3A_227 : f32 to vector<16xf32>
        %mul3A_310 = arith.mulf %get3A_308, %mul3A_309 : vector<16xf32>
        %swap3A_311 = arith.index_cast %add3A_225 : i32 to index
        %swap3A_312 = arith.constant 112 : index
        %swap3A_313 = tpu.vector_load %arg11[%swap3A_311, %swap3A_312] {strides = array<i32>} : memref<128x128xf32, #tpu.memory_space<vmem>>, vector<1x16xf32>,
        %swap3A_314 = vector.shape_cast %swap3A_313 : vector<1x16xf32> to vector<16xf32>
        %swap3A_315 = vector.shape_cast %mul3A_310 : vector<16xf32> to vector<1x16xf32>
        tpu.vector_store %arg11[%swap3A_311, %swap3A_312], %swap3A_315 {strides = array<i32>} : memref<128x128xf32, #tpu.memory_space<vmem>>, vector<1x16xf32>,
        %mul3A_316 = arith.constant 16 : i32
        %mul3A_317 = arith.muli %scan3A_31, %mul3A_316 : i32
        %add3A_318 = arith.constant 3 : i32
        %add3A_319 = arith.addi %mul3A_317, %add3A_318 : i32
        %slice3A_320 = vector.extract_strided_slice %get3A_36 {offsets = [3], sizes = [1], strides = [1]} : vector<16xf32> to vector<1xf32>
        %squeeze3A_321 = vector.extract %slice3A_320[0] : f32 from vector<1xf32>
        %get3A_322 = arith.index_cast %add3A_319 : i32 to index
        %get3A_323 = arith.constant 0 : index
        %get3A_324 = tpu.vector_load %arg11[%get3A_322, %get3A_323] {strides = array<i32>} : memref<128x128xf32, #tpu.memory_space<vmem>>, vector<1x16xf32>,
        %get3A_325 = vector.shape_cast %get3A_324 : vector<1x16xf32> to vector<16xf32>
        %mul3A_326 = vector.broadcast %squeeze3A_321 : f32 to vector<16xf32>
        %mul3A_327 = arith.mulf %get3A_325, %mul3A_326 : vector<16xf32>
        %swap3A_328 = arith.index_cast %add3A_319 : i32 to index
        %swap3A_329 = arith.constant 0 : index
        %swap3A_330 = tpu.vector_load %arg11[%swap3A_328, %swap3A_329] {strides = array<i32>} : memref<128x128xf32, #tpu.memory_space<vmem>>, vector<1x16xf32>,
        %swap3A_331 = vector.shape_cast %swap3A_330 : vector<1x16xf32> to vector<16xf32>
        %swap3A_332 = vector.shape_cast %mul3A_327 : vector<16xf32> to vector<1x16xf32>
        tpu.vector_store %arg11[%swap3A_328, %swap3A_329], %swap3A_332 {strides = array<i32>} : memref<128x128xf32, #tpu.memory_space<vmem>>, vector<1x16xf32>,
        %get3A_333 = arith.index_cast %add3A_319 : i32 to index
        %get3A_334 = arith.constant 16 : index
        %get3A_335 = tpu.vector_load %arg11[%get3A_333, %get3A_334] {strides = array<i32>} : memref<128x128xf32, #tpu.memory_space<vmem>>, vector<1x16xf32>,
        %get3A_336 = vector.shape_cast %get3A_335 : vector<1x16xf32> to vector<16xf32>
        %mul3A_337 = vector.broadcast %squeeze3A_321 : f32 to vector<16xf32>
        %mul3A_338 = arith.mulf %get3A_336, %mul3A_337 : vector<16xf32>
        %swap3A_339 = arith.index_cast %add3A_319 : i32 to index
        %swap3A_340 = arith.constant 16 : index
        %swap3A_341 = tpu.vector_load %arg11[%swap3A_339, %swap3A_340] {strides = array<i32>} : memref<128x128xf32, #tpu.memory_space<vmem>>, vector<1x16xf32>,
        %swap3A_342 = vector.shape_cast %swap3A_341 : vector<1x16xf32> to vector<16xf32>
        %swap3A_343 = vector.shape_cast %mul3A_338 : vector<16xf32> to vector<1x16xf32>
        tpu.vector_store %arg11[%swap3A_339, %swap3A_340], %swap3A_343 {strides = array<i32>} : memref<128x128xf32, #tpu.memory_space<vmem>>, vector<1x16xf32>,
        %get3A_344 = arith.index_cast %add3A_319 : i32 to index
        %get3A_345 = arith.constant 32 : index
        %get3A_346 = tpu.vector_load %arg11[%get3A_344, %get3A_345] {strides = array<i32>} : memref<128x128xf32, #tpu.memory_space<vmem>>, vector<1x16xf32>,
        %get3A_347 = vector.shape_cast %get3A_346 : vector<1x16xf32> to vector<16xf32>
        %mul3A_348 = vector.broadcast %squeeze3A_321 : f32 to vector<16xf32>
        %mul3A_349 = arith.mulf %get3A_347, %mul3A_348 : vector<16xf32>
        %swap3A_350 = arith.index_cast %add3A_319 : i32 to index
        %swap3A_351 = arith.constant 32 : index
        %swap3A_352 = tpu.vector_load %arg11[%swap3A_350, %swap3A_351] {strides = array<i32>} : memref<128x128xf32, #tpu.memory_space<vmem>>, vector<1x16xf32>,
        %swap3A_353 = vector.shape_cast %swap3A_352 : vector<1x16xf32> to vector<16xf32>
        %swap3A_354 = vector.shape_cast %mul3A_349 : vector<16xf32> to vector<1x16xf32>
        tpu.vector_store %arg11[%swap3A_350, %swap3A_351], %swap3A_354 {strides = array<i32>} : memref<128x128xf32, #tpu.memory_space<vmem>>, vector<1x16xf32>,
        %get3A_355 = arith.index_cast %add3A_319 : i32 to index
        %get3A_356 = arith.constant 48 : index
        %get3A_357 = tpu.vector_load %arg11[%get3A_355, %get3A_356] {strides = array<i32>} : memref<128x128xf32, #tpu.memory_space<vmem>>, vector<1x16xf32>,
        %get3A_358 = vector.shape_cast %get3A_357 : vector<1x16xf32> to vector<16xf32>
        %mul3A_359 = vector.broadcast %squeeze3A_321 : f32 to vector<16xf32>
        %mul3A_360 = arith.mulf %get3A_358, %mul3A_359 : vector<16xf32>
        %swap3A_361 = arith.index_cast %add3A_319 : i32 to index
        %swap3A_362 = arith.constant 48 : index
        %swap3A_363 = tpu.vector_load %arg11[%swap3A_361, %swap3A_362] {strides = array<i32>} : memref<128x128xf32, #tpu.memory_space<vmem>>, vector<1x16xf32>,
        %swap3A_364 = vector.shape_cast %swap3A_363 : vector<1x16xf32> to vector<16xf32>
        %swap3A_365 = vector.shape_cast %mul3A_360 : vector<16xf32> to vector<1x16xf32>
        tpu.vector_store %arg11[%swap3A_361, %swap3A_362], %swap3A_365 {strides = array<i32>} : memref<128x128xf32, #tpu.memory_space<vmem>>, vector<1x16xf32>,
        %get3A_366 = arith.index_cast %add3A_319 : i32 to index
        %get3A_367 = arith.constant 64 : index
        %get3A_368 = tpu.vector_load %arg11[%get3A_366, %get3A_367] {strides = array<i32>} : memref<128x128xf32, #tpu.memory_space<vmem>>, vector<1x16xf32>,
        %get3A_369 = vector.shape_cast %get3A_368 : vector<1x16xf32> to vector<16xf32>
        %mul3A_370 = vector.broadcast %squeeze3A_321 : f32 to vector<16xf32>
        %mul3A_371 = arith.mulf %get3A_369, %mul3A_370 : vector<16xf32>
        %swap3A_372 = arith.index_cast %add3A_319 : i32 to index
        %swap3A_373 = arith.constant 64 : index
        %swap3A_374 = tpu.vector_load %arg11[%swap3A_372, %swap3A_373] {strides = array<i32>} : memref<128x128xf32, #tpu.memory_space<vmem>>, vector<1x16xf32>,
        %swap3A_375 = vector.shape_cast %swap3A_374 : vector<1x16xf32> to vector<16xf32>
        %swap3A_376 = vector.shape_cast %mul3A_371 : vector<16xf32> to vector<1x16xf32>
        tpu.vector_store %arg11[%swap3A_372, %swap3A_373], %swap3A_376 {strides = array<i32>} : memref<128x128xf32, #tpu.memory_space<vmem>>, vector<1x16xf32>,
        %get3A_377 = arith.index_cast %add3A_319 : i32 to index
        %get3A_378 = arith.constant 80 : index
        %get3A_379 = tpu.vector_load %arg11[%get3A_377, %get3A_378] {strides = array<i32>} : memref<128x128xf32, #tpu.memory_space<vmem>>, vector<1x16xf32>,
        %get3A_380 = vector.shape_cast %get3A_379 : vector<1x16xf32> to vector<16xf32>
        %mul3A_381 = vector.broadcast %squeeze3A_321 : f32 to vector<16xf32>
        %mul3A_382 = arith.mulf %get3A_380, %mul3A_381 : vector<16xf32>
        %swap3A_383 = arith.index_cast %add3A_319 : i32 to index
        %swap3A_384 = arith.constant 80 : index
        %swap3A_385 = tpu.vector_load %arg11[%swap3A_383, %swap3A_384] {strides = array<i32>} : memref<128x128xf32, #tpu.memory_space<vmem>>, vector<1x16xf32>,
        %swap3A_386 = vector.shape_cast %swap3A_385 : vector<1x16xf32> to vector<16xf32>
        %swap3A_387 = vector.shape_cast %mul3A_382 : vector<16xf32> to vector<1x16xf32>
        tpu.vector_store %arg11[%swap3A_383, %swap3A_384], %swap3A_387 {strides = array<i32>} : memref<128x128xf32, #tpu.memory_space<vmem>>, vector<1x16xf32>,
        %get3A_388 = arith.index_cast %add3A_319 : i32 to index
        %get3A_389 = arith.constant 96 : index
        %get3A_390 = tpu.vector_load %arg11[%get3A_388, %get3A_389] {strides = array<i32>} : memref<128x128xf32, #tpu.memory_space<vmem>>, vector<1x16xf32>,
        %get3A_391 = vector.shape_cast %get3A_390 : vector<1x16xf32> to vector<16xf32>
        %mul3A_392 = vector.broadcast %squeeze3A_321 : f32 to vector<16xf32>
        %mul3A_393 = arith.mulf %get3A_391, %mul3A_392 : vector<16xf32>
        %swap3A_394 = arith.index_cast %add3A_319 : i32 to index
        %swap3A_395 = arith.constant 96 : index
        %swap3A_396 = tpu.vector_load %arg11[%swap3A_394, %swap3A_395] {strides = array<i32>} : memref<128x128xf32, #tpu.memory_space<vmem>>, vector<1x16xf32>,
        %swap3A_397 = vector.shape_cast %swap3A_396 : vector<1x16xf32> to vector<16xf32>
        %swap3A_398 = vector.shape_cast %mul3A_393 : vector<16xf32> to vector<1x16xf32>
        tpu.vector_store %arg11[%swap3A_394, %swap3A_395], %swap3A_398 {strides = array<i32>} : memref<128x128xf32, #tpu.memory_space<vmem>>, vector<1x16xf32>,
        %get3A_399 = arith.index_cast %add3A_319 : i32 to index
        %get3A_400 = arith.constant 112 : index
        %get3A_401 = tpu.vector_load %arg11[%get3A_399, %get3A_400] {strides = array<i32>} : memref<128x128xf32, #tpu.memory_space<vmem>>, vector<1x16xf32>,
        %get3A_402 = vector.shape_cast %get3A_401 : vector<1x16xf32> to vector<16xf32>
        %mul3A_403 = vector.broadcast %squeeze3A_321 : f32 to vector<16xf32>
        %mul3A_404 = arith.mulf %get3A_402, %mul3A_403 : vector<16xf32>
        %swap3A_405 = arith.index_cast %add3A_319 : i32 to index
        %swap3A_406 = arith.constant 112 : index
        %swap3A_407 = tpu.vector_load %arg11[%swap3A_405, %swap3A_406] {strides = array<i32>} : memref<128x128xf32, #tpu.memory_space<vmem>>, vector<1x16xf32>,
        %swap3A_408 = vector.shape_cast %swap3A_407 : vector<1x16xf32> to vector<16xf32>
        %swap3A_409 = vector.shape_cast %mul3A_404 : vector<16xf32> to vector<1x16xf32>
        tpu.vector_store %arg11[%swap3A_405, %swap3A_406], %swap3A_409 {strides = array<i32>} : memref<128x128xf32, #tpu.memory_space<vmem>>, vector<1x16xf32>,
        %mul3A_410 = arith.constant 16 : i32
        %mul3A_411 = arith.muli %scan3A_31, %mul3A_410 : i32
        %add3A_412 = arith.constant 4 : i32
        %add3A_413 = arith.addi %mul3A_411, %add3A_412 : i32
        %slice3A_414 = vector.extract_strided_slice %get3A_36 {offsets = [4], sizes = [1], strides = [1]} : vector<16xf32> to vector<1xf32>
        %squeeze3A_415 = vector.extract %slice3A_414[0] : f32 from vector<1xf32>
        %get3A_416 = arith.index_cast %add3A_413 : i32 to index
        %get3A_417 = arith.constant 0 : index
        %get3A_418 = tpu.vector_load %arg11[%get3A_416, %get3A_417] {strides = array<i32>} : memref<128x128xf32, #tpu.memory_space<vmem>>, vector<1x16xf32>,
        %get3A_419 = vector.shape_cast %get3A_418 : vector<1x16xf32> to vector<16xf32>
        %mul3A_420 = vector.broadcast %squeeze3A_415 : f32 to vector<16xf32>
        %mul3A_421 = arith.mulf %get3A_419, %mul3A_420 : vector<16xf32>
        %swap3A_422 = arith.index_cast %add3A_413 : i32 to index
        %swap3A_423 = arith.constant 0 : index
        %swap3A_424 = tpu.vector_load %arg11[%swap3A_422, %swap3A_423] {strides = array<i32>} : memref<128x128xf32, #tpu.memory_space<vmem>>, vector<1x16xf32>,
        %swap3A_425 = vector.shape_cast %swap3A_424 : vector<1x16xf32> to vector<16xf32>
        %swap3A_426 = vector.shape_cast %mul3A_421 : vector<16xf32> to vector<1x16xf32>
        tpu.vector_store %arg11[%swap3A_422, %swap3A_423], %swap3A_426 {strides = array<i32>} : memref<128x128xf32, #tpu.memory_space<vmem>>, vector<1x16xf32>,
        %get3A_427 = arith.index_cast %add3A_413 : i32 to index
        %get3A_428 = arith.constant 16 : index
        %get3A_429 = tpu.vector_load %arg11[%get3A_427, %get3A_428] {strides = array<i32>} : memref<128x128xf32, #tpu.memory_space<vmem>>, vector<1x16xf32>,
        %get3A_430 = vector.shape_cast %get3A_429 : vector<1x16xf32> to vector<16xf32>
        %mul3A_431 = vector.broadcast %squeeze3A_415 : f32 to vector<16xf32>
        %mul3A_432 = arith.mulf %get3A_430, %mul3A_431 : vector<16xf32>
        %swap3A_433 = arith.index_cast %add3A_413 : i32 to index
        %swap3A_434 = arith.constant 16 : index
        %swap3A_435 = tpu.vector_load %arg11[%swap3A_433, %swap3A_434] {strides = array<i32>} : memref<128x128xf32, #tpu.memory_space<vmem>>, vector<1x16xf32>,
        %swap3A_436 = vector.shape_cast %swap3A_435 : vector<1x16xf32> to vector<16xf32>
        %swap3A_437 = vector.shape_cast %mul3A_432 : vector<16xf32> to vector<1x16xf32>
        tpu.vector_store %arg11[%swap3A_433, %swap3A_434], %swap3A_437 {strides = array<i32>} : memref<128x128xf32, #tpu.memory_space<vmem>>, vector<1x16xf32>,
        %get3A_438 = arith.index_cast %add3A_413 : i32 to index
        %get3A_439 = arith.constant 32 : index
        %get3A_440 = tpu.vector_load %arg11[%get3A_438, %get3A_439] {strides = array<i32>} : memref<128x128xf32, #tpu.memory_space<vmem>>, vector<1x16xf32>,
        %get3A_441 = vector.shape_cast %get3A_440 : vector<1x16xf32> to vector<16xf32>
        %mul3A_442 = vector.broadcast %squeeze3A_415 : f32 to vector<16xf32>
        %mul3A_443 = arith.mulf %get3A_441, %mul3A_442 : vector<16xf32>
        %swap3A_444 = arith.index_cast %add3A_413 : i32 to index
        %swap3A_445 = arith.constant 32 : index
        %swap3A_446 = tpu.vector_load %arg11[%swap3A_444, %swap3A_445] {strides = array<i32>} : memref<128x128xf32, #tpu.memory_space<vmem>>, vector<1x16xf32>,
        %swap3A_447 = vector.shape_cast %swap3A_446 : vector<1x16xf32> to vector<16xf32>
        %swap3A_448 = vector.shape_cast %mul3A_443 : vector<16xf32> to vector<1x16xf32>
        tpu.vector_store %arg11[%swap3A_444, %swap3A_445], %swap3A_448 {strides = array<i32>} : memref<128x128xf32, #tpu.memory_space<vmem>>, vector<1x16xf32>,
        %get3A_449 = arith.index_cast %add3A_413 : i32 to index
        %get3A_450 = arith.constant 48 : index
        %get3A_451 = tpu.vector_load %arg11[%get3A_449, %get3A_450] {strides = array<i32>} : memref<128x128xf32, #tpu.memory_space<vmem>>, vector<1x16xf32>,
        %get3A_452 = vector.shape_cast %get3A_451 : vector<1x16xf32> to vector<16xf32>
        %mul3A_453 = vector.broadcast %squeeze3A_415 : f32 to vector<16xf32>
        %mul3A_454 = arith.mulf %get3A_452, %mul3A_453 : vector<16xf32>
        %swap3A_455 = arith.index_cast %add3A_413 : i32 to index
        %swap3A_456 = arith.constant 48 : index
        %swap3A_457 = tpu.vector_load %arg11[%swap3A_455, %swap3A_456] {strides = array<i32>} : memref<128x128xf32, #tpu.memory_space<vmem>>, vector<1x16xf32>,
        %swap3A_458 = vector.shape_cast %swap3A_457 : vector<1x16xf32> to vector<16xf32>
        %swap3A_459 = vector.shape_cast %mul3A_454 : vector<16xf32> to vector<1x16xf32>
        tpu.vector_store %arg11[%swap3A_455, %swap3A_456], %swap3A_459 {strides = array<i32>} : memref<128x128xf32, #tpu.memory_space<vmem>>, vector<1x16xf32>,
        %get3A_460 = arith.index_cast %add3A_413 : i32 to index
        %get3A_461 = arith.constant 64 : index
        %get3A_462 = tpu.vector_load %arg11[%get3A_460, %get3A_461] {strides = array<i32>} : memref<128x128xf32, #tpu.memory_space<vmem>>, vector<1x16xf32>,
        %get3A_463 = vector.shape_cast %get3A_462 : vector<1x16xf32> to vector<16xf32>
        %mul3A_464 = vector.broadcast %squeeze3A_415 : f32 to vector<16xf32>
        %mul3A_465 = arith.mulf %get3A_463, %mul3A_464 : vector<16xf32>
        %swap3A_466 = arith.index_cast %add3A_413 : i32 to index
        %swap3A_467 = arith.constant 64 : index
        %swap3A_468 = tpu.vector_load %arg11[%swap3A_466, %swap3A_467] {strides = array<i32>} : memref<128x128xf32, #tpu.memory_space<vmem>>, vector<1x16xf32>,
        %swap3A_469 = vector.shape_cast %swap3A_468 : vector<1x16xf32> to vector<16xf32>
        %swap3A_470 = vector.shape_cast %mul3A_465 : vector<16xf32> to vector<1x16xf32>
        tpu.vector_store %arg11[%swap3A_466, %swap3A_467], %swap3A_470 {strides = array<i32>} : memref<128x128xf32, #tpu.memory_space<vmem>>, vector<1x16xf32>,
        %get3A_471 = arith.index_cast %add3A_413 : i32 to index
        %get3A_472 = arith.constant 80 : index
        %get3A_473 = tpu.vector_load %arg11[%get3A_471, %get3A_472] {strides = array<i32>} : memref<128x128xf32, #tpu.memory_space<vmem>>, vector<1x16xf32>,
        %get3A_474 = vector.shape_cast %get3A_473 : vector<1x16xf32> to vector<16xf32>
        %mul3A_475 = vector.broadcast %squeeze3A_415 : f32 to vector<16xf32>
        %mul3A_476 = arith.mulf %get3A_474, %mul3A_475 : vector<16xf32>
        %swap3A_477 = arith.index_cast %add3A_413 : i32 to index
        %swap3A_478 = arith.constant 80 : index
        %swap3A_479 = tpu.vector_load %arg11[%swap3A_477, %swap3A_478] {strides = array<i32>} : memref<128x128xf32, #tpu.memory_space<vmem>>, vector<1x16xf32>,
        %swap3A_480 = vector.shape_cast %swap3A_479 : vector<1x16xf32> to vector<16xf32>
        %swap3A_481 = vector.shape_cast %mul3A_476 : vector<16xf32> to vector<1x16xf32>
        tpu.vector_store %arg11[%swap3A_477, %swap3A_478], %swap3A_481 {strides = array<i32>} : memref<128x128xf32, #tpu.memory_space<vmem>>, vector<1x16xf32>,
        %get3A_482 = arith.index_cast %add3A_413 : i32 to index
        %get3A_483 = arith.constant 96 : index
        %get3A_484 = tpu.vector_load %arg11[%get3A_482, %get3A_483] {strides = array<i32>} : memref<128x128xf32, #tpu.memory_space<vmem>>, vector<1x16xf32>,
        %get3A_485 = vector.shape_cast %get3A_484 : vector<1x16xf32> to vector<16xf32>
        %mul3A_486 = vector.broadcast %squeeze3A_415 : f32 to vector<16xf32>
        %mul3A_487 = arith.mulf %get3A_485, %mul3A_486 : vector<16xf32>
        %swap3A_488 = arith.index_cast %add3A_413 : i32 to index
        %swap3A_489 = arith.constant 96 : index
        %swap3A_490 = tpu.vector_load %arg11[%swap3A_488, %swap3A_489] {strides = array<i32>} : memref<128x128xf32, #tpu.memory_space<vmem>>, vector<1x16xf32>,
        %swap3A_491 = vector.shape_cast %swap3A_490 : vector<1x16xf32> to vector<16xf32>
        %swap3A_492 = vector.shape_cast %mul3A_487 : vector<16xf32> to vector<1x16xf32>
        tpu.vector_store %arg11[%swap3A_488, %swap3A_489], %swap3A_492 {strides = array<i32>} : memref<128x128xf32, #tpu.memory_space<vmem>>, vector<1x16xf32>,
        %get3A_493 = arith.index_cast %add3A_413 : i32 to index
        %get3A_494 = arith.constant 112 : index
        %get3A_495 = tpu.vector_load %arg11[%get3A_493, %get3A_494] {strides = array<i32>} : memref<128x128xf32, #tpu.memory_space<vmem>>, vector<1x16xf32>,
        %get3A_496 = vector.shape_cast %get3A_495 : vector<1x16xf32> to vector<16xf32>
        %mul3A_497 = vector.broadcast %squeeze3A_415 : f32 to vector<16xf32>
        %mul3A_498 = arith.mulf %get3A_496, %mul3A_497 : vector<16xf32>
        %swap3A_499 = arith.index_cast %add3A_413 : i32 to index
        %swap3A_500 = arith.constant 112 : index
        %swap3A_501 = tpu.vector_load %arg11[%swap3A_499, %swap3A_500] {strides = array<i32>} : memref<128x128xf32, #tpu.memory_space<vmem>>, vector<1x16xf32>,
        %swap3A_502 = vector.shape_cast %swap3A_501 : vector<1x16xf32> to vector<16xf32>
        %swap3A_503 = vector.shape_cast %mul3A_498 : vector<16xf32> to vector<1x16xf32>
        tpu.vector_store %arg11[%swap3A_499, %swap3A_500], %swap3A_503 {strides = array<i32>} : memref<128x128xf32, #tpu.memory_space<vmem>>, vector<1x16xf32>,
        %mul3A_504 = arith.constant 16 : i32
        %mul3A_505 = arith.muli %scan3A_31, %mul3A_504 : i32
        %add3A_506 = arith.constant 5 : i32
        %add3A_507 = arith.addi %mul3A_505, %add3A_506 : i32
        %slice3A_508 = vector.extract_strided_slice %get3A_36 {offsets = [5], sizes = [1], strides = [1]} : vector<16xf32> to vector<1xf32>
        %squeeze3A_509 = vector.extract %slice3A_508[0] : f32 from vector<1xf32>
        %get3A_510 = arith.index_cast %add3A_507 : i32 to index
        %get3A_511 = arith.constant 0 : index
        %get3A_512 = tpu.vector_load %arg11[%get3A_510, %get3A_511] {strides = array<i32>} : memref<128x128xf32, #tpu.memory_space<vmem>>, vector<1x16xf32>,
        %get3A_513 = vector.shape_cast %get3A_512 : vector<1x16xf32> to vector<16xf32>
        %mul3A_514 = vector.broadcast %squeeze3A_509 : f32 to vector<16xf32>
        %mul3A_515 = arith.mulf %get3A_513, %mul3A_514 : vector<16xf32>
        %swap3A_516 = arith.index_cast %add3A_507 : i32 to index
        %swap3A_517 = arith.constant 0 : index
        %swap3A_518 = tpu.vector_load %arg11[%swap3A_516, %swap3A_517] {strides = array<i32>} : memref<128x128xf32, #tpu.memory_space<vmem>>, vector<1x16xf32>,
        %swap3A_519 = vector.shape_cast %swap3A_518 : vector<1x16xf32> to vector<16xf32>
        %swap3A_520 = vector.shape_cast %mul3A_515 : vector<16xf32> to vector<1x16xf32>
        tpu.vector_store %arg11[%swap3A_516, %swap3A_517], %swap3A_520 {strides = array<i32>} : memref<128x128xf32, #tpu.memory_space<vmem>>, vector<1x16xf32>,
        %get3A_521 = arith.index_cast %add3A_507 : i32 to index
        %get3A_522 = arith.constant 16 : index
        %get3A_523 = tpu.vector_load %arg11[%get3A_521, %get3A_522] {strides = array<i32>} : memref<128x128xf32, #tpu.memory_space<vmem>>, vector<1x16xf32>,
        %get3A_524 = vector.shape_cast %get3A_523 : vector<1x16xf32> to vector<16xf32>
        %mul3A_525 = vector.broadcast %squeeze3A_509 : f32 to vector<16xf32>
        %mul3A_526 = arith.mulf %get3A_524, %mul3A_525 : vector<16xf32>
        %swap3A_527 = arith.index_cast %add3A_507 : i32 to index
        %swap3A_528 = arith.constant 16 : index
        %swap3A_529 = tpu.vector_load %arg11[%swap3A_527, %swap3A_528] {strides = array<i32>} : memref<128x128xf32, #tpu.memory_space<vmem>>, vector<1x16xf32>,
        %swap3A_530 = vector.shape_cast %swap3A_529 : vector<1x16xf32> to vector<16xf32>
        %swap3A_531 = vector.shape_cast %mul3A_526 : vector<16xf32> to vector<1x16xf32>
        tpu.vector_store %arg11[%swap3A_527, %swap3A_528], %swap3A_531 {strides = array<i32>} : memref<128x128xf32, #tpu.memory_space<vmem>>, vector<1x16xf32>,
        %get3A_532 = arith.index_cast %add3A_507 : i32 to index
        %get3A_533 = arith.constant 32 : index
        %get3A_534 = tpu.vector_load %arg11[%get3A_532, %get3A_533] {strides = array<i32>} : memref<128x128xf32, #tpu.memory_space<vmem>>, vector<1x16xf32>,
        %get3A_535 = vector.shape_cast %get3A_534 : vector<1x16xf32> to vector<16xf32>
        %mul3A_536 = vector.broadcast %squeeze3A_509 : f32 to vector<16xf32>
        %mul3A_537 = arith.mulf %get3A_535, %mul3A_536 : vector<16xf32>
        %swap3A_538 = arith.index_cast %add3A_507 : i32 to index
        %swap3A_539 = arith.constant 32 : index
        %swap3A_540 = tpu.vector_load %arg11[%swap3A_538, %swap3A_539] {strides = array<i32>} : memref<128x128xf32, #tpu.memory_space<vmem>>, vector<1x16xf32>,
        %swap3A_541 = vector.shape_cast %swap3A_540 : vector<1x16xf32> to vector<16xf32>
        %swap3A_542 = vector.shape_cast %mul3A_537 : vector<16xf32> to vector<1x16xf32>
        tpu.vector_store %arg11[%swap3A_538, %swap3A_539], %swap3A_542 {strides = array<i32>} : memref<128x128xf32, #tpu.memory_space<vmem>>, vector<1x16xf32>,
        %get3A_543 = arith.index_cast %add3A_507 : i32 to index
        %get3A_544 = arith.constant 48 : index
        %get3A_545 = tpu.vector_load %arg11[%get3A_543, %get3A_544] {strides = array<i32>} : memref<128x128xf32, #tpu.memory_space<vmem>>, vector<1x16xf32>,
        %get3A_546 = vector.shape_cast %get3A_545 : vector<1x16xf32> to vector<16xf32>
        %mul3A_547 = vector.broadcast %squeeze3A_509 : f32 to vector<16xf32>
        %mul3A_548 = arith.mulf %get3A_546, %mul3A_547 : vector<16xf32>
        %swap3A_549 = arith.index_cast %add3A_507 : i32 to index
        %swap3A_550 = arith.constant 48 : index
        %swap3A_551 = tpu.vector_load %arg11[%swap3A_549, %swap3A_550] {strides = array<i32>} : memref<128x128xf32, #tpu.memory_space<vmem>>, vector<1x16xf32>,
        %swap3A_552 = vector.shape_cast %swap3A_551 : vector<1x16xf32> to vector<16xf32>
        %swap3A_553 = vector.shape_cast %mul3A_548 : vector<16xf32> to vector<1x16xf32>
        tpu.vector_store %arg11[%swap3A_549, %swap3A_550], %swap3A_553 {strides = array<i32>} : memref<128x128xf32, #tpu.memory_space<vmem>>, vector<1x16xf32>,
        %get3A_554 = arith.index_cast %add3A_507 : i32 to index
        %get3A_555 = arith.constant 64 : index
        %get3A_556 = tpu.vector_load %arg11[%get3A_554, %get3A_555] {strides = array<i32>} : memref<128x128xf32, #tpu.memory_space<vmem>>, vector<1x16xf32>,
        %get3A_557 = vector.shape_cast %get3A_556 : vector<1x16xf32> to vector<16xf32>
        %mul3A_558 = vector.broadcast %squeeze3A_509 : f32 to vector<16xf32>
        %mul3A_559 = arith.mulf %get3A_557, %mul3A_558 : vector<16xf32>
        %swap3A_560 = arith.index_cast %add3A_507 : i32 to index
        %swap3A_561 = arith.constant 64 : index
        %swap3A_562 = tpu.vector_load %arg11[%swap3A_560, %swap3A_561] {strides = array<i32>} : memref<128x128xf32, #tpu.memory_space<vmem>>, vector<1x16xf32>,
        %swap3A_563 = vector.shape_cast %swap3A_562 : vector<1x16xf32> to vector<16xf32>
        %swap3A_564 = vector.shape_cast %mul3A_559 : vector<16xf32> to vector<1x16xf32>
        tpu.vector_store %arg11[%swap3A_560, %swap3A_561], %swap3A_564 {strides = array<i32>} : memref<128x128xf32, #tpu.memory_space<vmem>>, vector<1x16xf32>,
        %get3A_565 = arith.index_cast %add3A_507 : i32 to index
        %get3A_566 = arith.constant 80 : index
        %get3A_567 = tpu.vector_load %arg11[%get3A_565, %get3A_566] {strides = array<i32>} : memref<128x128xf32, #tpu.memory_space<vmem>>, vector<1x16xf32>,
        %get3A_568 = vector.shape_cast %get3A_567 : vector<1x16xf32> to vector<16xf32>
        %mul3A_569 = vector.broadcast %squeeze3A_509 : f32 to vector<16xf32>
        %mul3A_570 = arith.mulf %get3A_568, %mul3A_569 : vector<16xf32>
        %swap3A_571 = arith.index_cast %add3A_507 : i32 to index
        %swap3A_572 = arith.constant 80 : index
        %swap3A_573 = tpu.vector_load %arg11[%swap3A_571, %swap3A_572] {strides = array<i32>} : memref<128x128xf32, #tpu.memory_space<vmem>>, vector<1x16xf32>,
        %swap3A_574 = vector.shape_cast %swap3A_573 : vector<1x16xf32> to vector<16xf32>
        %swap3A_575 = vector.shape_cast %mul3A_570 : vector<16xf32> to vector<1x16xf32>
        tpu.vector_store %arg11[%swap3A_571, %swap3A_572], %swap3A_575 {strides = array<i32>} : memref<128x128xf32, #tpu.memory_space<vmem>>, vector<1x16xf32>,
        %get3A_576 = arith.index_cast %add3A_507 : i32 to index
        %get3A_577 = arith.constant 96 : index
        %get3A_578 = tpu.vector_load %arg11[%get3A_576, %get3A_577] {strides = array<i32>} : memref<128x128xf32, #tpu.memory_space<vmem>>, vector<1x16xf32>,
        %get3A_579 = vector.shape_cast %get3A_578 : vector<1x16xf32> to vector<16xf32>
        %mul3A_580 = vector.broadcast %squeeze3A_509 : f32 to vector<16xf32>
        %mul3A_581 = arith.mulf %get3A_579, %mul3A_580 : vector<16xf32>
        %swap3A_582 = arith.index_cast %add3A_507 : i32 to index
        %swap3A_583 = arith.constant 96 : index
        %swap3A_584 = tpu.vector_load %arg11[%swap3A_582, %swap3A_583] {strides = array<i32>} : memref<128x128xf32, #tpu.memory_space<vmem>>, vector<1x16xf32>,
        %swap3A_585 = vector.shape_cast %swap3A_584 : vector<1x16xf32> to vector<16xf32>
        %swap3A_586 = vector.shape_cast %mul3A_581 : vector<16xf32> to vector<1x16xf32>
        tpu.vector_store %arg11[%swap3A_582, %swap3A_583], %swap3A_586 {strides = array<i32>} : memref<128x128xf32, #tpu.memory_space<vmem>>, vector<1x16xf32>,
        %get3A_587 = arith.index_cast %add3A_507 : i32 to index
        %get3A_588 = arith.constant 112 : index
        %get3A_589 = tpu.vector_load %arg11[%get3A_587, %get3A_588] {strides = array<i32>} : memref<128x128xf32, #tpu.memory_space<vmem>>, vector<1x16xf32>,
        %get3A_590 = vector.shape_cast %get3A_589 : vector<1x16xf32> to vector<16xf32>
        %mul3A_591 = vector.broadcast %squeeze3A_509 : f32 to vector<16xf32>
        %mul3A_592 = arith.mulf %get3A_590, %mul3A_591 : vector<16xf32>
        %swap3A_593 = arith.index_cast %add3A_507 : i32 to index
        %swap3A_594 = arith.constant 112 : index
        %swap3A_595 = tpu.vector_load %arg11[%swap3A_593, %swap3A_594] {strides = array<i32>} : memref<128x128xf32, #tpu.memory_space<vmem>>, vector<1x16xf32>,
        %swap3A_596 = vector.shape_cast %swap3A_595 : vector<1x16xf32> to vector<16xf32>
        %swap3A_597 = vector.shape_cast %mul3A_592 : vector<16xf32> to vector<1x16xf32>
        tpu.vector_store %arg11[%swap3A_593, %swap3A_594], %swap3A_597 {strides = array<i32>} : memref<128x128xf32, #tpu.memory_space<vmem>>, vector<1x16xf32>,
        %mul3A_598 = arith.constant 16 : i32
        %mul3A_599 = arith.muli %scan3A_31, %mul3A_598 : i32
        %add3A_600 = arith.constant 6 : i32
        %add3A_601 = arith.addi %mul3A_599, %add3A_600 : i32
        %slice3A_602 = vector.extract_strided_slice %get3A_36 {offsets = [6], sizes = [1], strides = [1]} : vector<16xf32> to vector<1xf32>
        %squeeze3A_603 = vector.extract %slice3A_602[0] : f32 from vector<1xf32>
        %get3A_604 = arith.index_cast %add3A_601 : i32 to index
        %get3A_605 = arith.constant 0 : index
        %get3A_606 = tpu.vector_load %arg11[%get3A_604, %get3A_605] {strides = array<i32>} : memref<128x128xf32, #tpu.memory_space<vmem>>, vector<1x16xf32>,
        %get3A_607 = vector.shape_cast %get3A_606 : vector<1x16xf32> to vector<16xf32>
        %mul3A_608 = vector.broadcast %squeeze3A_603 : f32 to vector<16xf32>
        %mul3A_609 = arith.mulf %get3A_607, %mul3A_608 : vector<16xf32>
        %swap3A_610 = arith.index_cast %add3A_601 : i32 to index
        %swap3A_611 = arith.constant 0 : index
        %swap3A_612 = tpu.vector_load %arg11[%swap3A_610, %swap3A_611] {strides = array<i32>} : memref<128x128xf32, #tpu.memory_space<vmem>>, vector<1x16xf32>,
        %swap3A_613 = vector.shape_cast %swap3A_612 : vector<1x16xf32> to vector<16xf32>
        %swap3A_614 = vector.shape_cast %mul3A_609 : vector<16xf32> to vector<1x16xf32>
        tpu.vector_store %arg11[%swap3A_610, %swap3A_611], %swap3A_614 {strides = array<i32>} : memref<128x128xf32, #tpu.memory_space<vmem>>, vector<1x16xf32>,
        %get3A_615 = arith.index_cast %add3A_601 : i32 to index
        %get3A_616 = arith.constant 16 : index
        %get3A_617 = tpu.vector_load %arg11[%get3A_615, %get3A_616] {strides = array<i32>} : memref<128x128xf32, #tpu.memory_space<vmem>>, vector<1x16xf32>,
        %get3A_618 = vector.shape_cast %get3A_617 : vector<1x16xf32> to vector<16xf32>
        %mul3A_619 = vector.broadcast %squeeze3A_603 : f32 to vector<16xf32>
        %mul3A_620 = arith.mulf %get3A_618, %mul3A_619 : vector<16xf32>
        %swap3A_621 = arith.index_cast %add3A_601 : i32 to index
        %swap3A_622 = arith.constant 16 : index
        %swap3A_623 = tpu.vector_load %arg11[%swap3A_621, %swap3A_622] {strides = array<i32>} : memref<128x128xf32, #tpu.memory_space<vmem>>, vector<1x16xf32>,
        %swap3A_624 = vector.shape_cast %swap3A_623 : vector<1x16xf32> to vector<16xf32>
        %swap3A_625 = vector.shape_cast %mul3A_620 : vector<16xf32> to vector<1x16xf32>
        tpu.vector_store %arg11[%swap3A_621, %swap3A_622], %swap3A_625 {strides = array<i32>} : memref<128x128xf32, #tpu.memory_space<vmem>>, vector<1x16xf32>,
        %get3A_626 = arith.index_cast %add3A_601 : i32 to index
        %get3A_627 = arith.constant 32 : index
        %get3A_628 = tpu.vector_load %arg11[%get3A_626, %get3A_627] {strides = array<i32>} : memref<128x128xf32, #tpu.memory_space<vmem>>, vector<1x16xf32>,
        %get3A_629 = vector.shape_cast %get3A_628 : vector<1x16xf32> to vector<16xf32>
        %mul3A_630 = vector.broadcast %squeeze3A_603 : f32 to vector<16xf32>
        %mul3A_631 = arith.mulf %get3A_629, %mul3A_630 : vector<16xf32>
        %swap3A_632 = arith.index_cast %add3A_601 : i32 to index
        %swap3A_633 = arith.constant 32 : index
        %swap3A_634 = tpu.vector_load %arg11[%swap3A_632, %swap3A_633] {strides = array<i32>} : memref<128x128xf32, #tpu.memory_space<vmem>>, vector<1x16xf32>,
        %swap3A_635 = vector.shape_cast %swap3A_634 : vector<1x16xf32> to vector<16xf32>
        %swap3A_636 = vector.shape_cast %mul3A_631 : vector<16xf32> to vector<1x16xf32>
        tpu.vector_store %arg11[%swap3A_632, %swap3A_633], %swap3A_636 {strides = array<i32>} : memref<128x128xf32, #tpu.memory_space<vmem>>, vector<1x16xf32>,
        %get3A_637 = arith.index_cast %add3A_601 : i32 to index
        %get3A_638 = arith.constant 48 : index
        %get3A_639 = tpu.vector_load %arg11[%get3A_637, %get3A_638] {strides = array<i32>} : memref<128x128xf32, #tpu.memory_space<vmem>>, vector<1x16xf32>,
        %get3A_640 = vector.shape_cast %get3A_639 : vector<1x16xf32> to vector<16xf32>
        %mul3A_641 = vector.broadcast %squeeze3A_603 : f32 to vector<16xf32>
        %mul3A_642 = arith.mulf %get3A_640, %mul3A_641 : vector<16xf32>
        %swap3A_643 = arith.index_cast %add3A_601 : i32 to index
        %swap3A_644 = arith.constant 48 : index
        %swap3A_645 = tpu.vector_load %arg11[%swap3A_643, %swap3A_644] {strides = array<i32>} : memref<128x128xf32, #tpu.memory_space<vmem>>, vector<1x16xf32>,
        %swap3A_646 = vector.shape_cast %swap3A_645 : vector<1x16xf32> to vector<16xf32>
        %swap3A_647 = vector.shape_cast %mul3A_642 : vector<16xf32> to vector<1x16xf32>
        tpu.vector_store %arg11[%swap3A_643, %swap3A_644], %swap3A_647 {strides = array<i32>} : memref<128x128xf32, #tpu.memory_space<vmem>>, vector<1x16xf32>,
        %get3A_648 = arith.index_cast %add3A_601 : i32 to index
        %get3A_649 = arith.constant 64 : index
        %get3A_650 = tpu.vector_load %arg11[%get3A_648, %get3A_649] {strides = array<i32>} : memref<128x128xf32, #tpu.memory_space<vmem>>, vector<1x16xf32>,
        %get3A_651 = vector.shape_cast %get3A_650 : vector<1x16xf32> to vector<16xf32>
        %mul3A_652 = vector.broadcast %squeeze3A_603 : f32 to vector<16xf32>
        %mul3A_653 = arith.mulf %get3A_651, %mul3A_652 : vector<16xf32>
        %swap3A_654 = arith.index_cast %add3A_601 : i32 to index
        %swap3A_655 = arith.constant 64 : index
        %swap3A_656 = tpu.vector_load %arg11[%swap3A_654, %swap3A_655] {strides = array<i32>} : memref<128x128xf32, #tpu.memory_space<vmem>>, vector<1x16xf32>,
        %swap3A_657 = vector.shape_cast %swap3A_656 : vector<1x16xf32> to vector<16xf32>
        %swap3A_658 = vector.shape_cast %mul3A_653 : vector<16xf32> to vector<1x16xf32>
        tpu.vector_store %arg11[%swap3A_654, %swap3A_655], %swap3A_658 {strides = array<i32>} : memref<128x128xf32, #tpu.memory_space<vmem>>, vector<1x16xf32>,
        %get3A_659 = arith.index_cast %add3A_601 : i32 to index
        %get3A_660 = arith.constant 80 : index
        %get3A_661 = tpu.vector_load %arg11[%get3A_659, %get3A_660] {strides = array<i32>} : memref<128x128xf32, #tpu.memory_space<vmem>>, vector<1x16xf32>,
        %get3A_662 = vector.shape_cast %get3A_661 : vector<1x16xf32> to vector<16xf32>
        %mul3A_663 = vector.broadcast %squeeze3A_603 : f32 to vector<16xf32>
        %mul3A_664 = arith.mulf %get3A_662, %mul3A_663 : vector<16xf32>
        %swap3A_665 = arith.index_cast %add3A_601 : i32 to index
        %swap3A_666 = arith.constant 80 : index
        %swap3A_667 = tpu.vector_load %arg11[%swap3A_665, %swap3A_666] {strides = array<i32>} : memref<128x128xf32, #tpu.memory_space<vmem>>, vector<1x16xf32>,
        %swap3A_668 = vector.shape_cast %swap3A_667 : vector<1x16xf32> to vector<16xf32>
        %swap3A_669 = vector.shape_cast %mul3A_664 : vector<16xf32> to vector<1x16xf32>
        tpu.vector_store %arg11[%swap3A_665, %swap3A_666], %swap3A_669 {strides = array<i32>} : memref<128x128xf32, #tpu.memory_space<vmem>>, vector<1x16xf32>,
        %get3A_670 = arith.index_cast %add3A_601 : i32 to index
        %get3A_671 = arith.constant 96 : index
        %get3A_672 = tpu.vector_load %arg11[%get3A_670, %get3A_671] {strides = array<i32>} : memref<128x128xf32, #tpu.memory_space<vmem>>, vector<1x16xf32>,
        %get3A_673 = vector.shape_cast %get3A_672 : vector<1x16xf32> to vector<16xf32>
        %mul3A_674 = vector.broadcast %squeeze3A_603 : f32 to vector<16xf32>
        %mul3A_675 = arith.mulf %get3A_673, %mul3A_674 : vector<16xf32>
        %swap3A_676 = arith.index_cast %add3A_601 : i32 to index
        %swap3A_677 = arith.constant 96 : index
        %swap3A_678 = tpu.vector_load %arg11[%swap3A_676, %swap3A_677] {strides = array<i32>} : memref<128x128xf32, #tpu.memory_space<vmem>>, vector<1x16xf32>,
        %swap3A_679 = vector.shape_cast %swap3A_678 : vector<1x16xf32> to vector<16xf32>
        %swap3A_680 = vector.shape_cast %mul3A_675 : vector<16xf32> to vector<1x16xf32>
        tpu.vector_store %arg11[%swap3A_676, %swap3A_677], %swap3A_680 {strides = array<i32>} : memref<128x128xf32, #tpu.memory_space<vmem>>, vector<1x16xf32>,
        %get3A_681 = arith.index_cast %add3A_601 : i32 to index
        %get3A_682 = arith.constant 112 : index
        %get3A_683 = tpu.vector_load %arg11[%get3A_681, %get3A_682] {strides = array<i32>} : memref<128x128xf32, #tpu.memory_space<vmem>>, vector<1x16xf32>,
        %get3A_684 = vector.shape_cast %get3A_683 : vector<1x16xf32> to vector<16xf32>
        %mul3A_685 = vector.broadcast %squeeze3A_603 : f32 to vector<16xf32>
        %mul3A_686 = arith.mulf %get3A_684, %mul3A_685 : vector<16xf32>
        %swap3A_687 = arith.index_cast %add3A_601 : i32 to index
        %swap3A_688 = arith.constant 112 : index
        %swap3A_689 = tpu.vector_load %arg11[%swap3A_687, %swap3A_688] {strides = array<i32>} : memref<128x128xf32, #tpu.memory_space<vmem>>, vector<1x16xf32>,
        %swap3A_690 = vector.shape_cast %swap3A_689 : vector<1x16xf32> to vector<16xf32>
        %swap3A_691 = vector.shape_cast %mul3A_686 : vector<16xf32> to vector<1x16xf32>
        tpu.vector_store %arg11[%swap3A_687, %swap3A_688], %swap3A_691 {strides = array<i32>} : memref<128x128xf32, #tpu.memory_space<vmem>>, vector<1x16xf32>,
        %mul3A_692 = arith.constant 16 : i32
        %mul3A_693 = arith.muli %scan3A_31, %mul3A_692 : i32
        %add3A_694 = arith.constant 7 : i32
        %add3A_695 = arith.addi %mul3A_693, %add3A_694 : i32
        %slice3A_696 = vector.extract_strided_slice %get3A_36 {offsets = [7], sizes = [1], strides = [1]} : vector<16xf32> to vector<1xf32>
        %squeeze3A_697 = vector.extract %slice3A_696[0] : f32 from vector<1xf32>
        %get3A_698 = arith.index_cast %add3A_695 : i32 to index
        %get3A_699 = arith.constant 0 : index
        %get3A_700 = tpu.vector_load %arg11[%get3A_698, %get3A_699] {strides = array<i32>} : memref<128x128xf32, #tpu.memory_space<vmem>>, vector<1x16xf32>,
        %get3A_701 = vector.shape_cast %get3A_700 : vector<1x16xf32> to vector<16xf32>
        %mul3A_702 = vector.broadcast %squeeze3A_697 : f32 to vector<16xf32>
        %mul3A_703 = arith.mulf %get3A_701, %mul3A_702 : vector<16xf32>
        %swap3A_704 = arith.index_cast %add3A_695 : i32 to index
        %swap3A_705 = arith.constant 0 : index
        %swap3A_706 = tpu.vector_load %arg11[%swap3A_704, %swap3A_705] {strides = array<i32>} : memref<128x128xf32, #tpu.memory_space<vmem>>, vector<1x16xf32>,
        %swap3A_707 = vector.shape_cast %swap3A_706 : vector<1x16xf32> to vector<16xf32>
        %swap3A_708 = vector.shape_cast %mul3A_703 : vector<16xf32> to vector<1x16xf32>
        tpu.vector_store %arg11[%swap3A_704, %swap3A_705], %swap3A_708 {strides = array<i32>} : memref<128x128xf32, #tpu.memory_space<vmem>>, vector<1x16xf32>,
        %get3A_709 = arith.index_cast %add3A_695 : i32 to index
        %get3A_710 = arith.constant 16 : index
        %get3A_711 = tpu.vector_load %arg11[%get3A_709, %get3A_710] {strides = array<i32>} : memref<128x128xf32, #tpu.memory_space<vmem>>, vector<1x16xf32>,
        %get3A_712 = vector.shape_cast %get3A_711 : vector<1x16xf32> to vector<16xf32>
        %mul3A_713 = vector.broadcast %squeeze3A_697 : f32 to vector<16xf32>
        %mul3A_714 = arith.mulf %get3A_712, %mul3A_713 : vector<16xf32>
        %swap3A_715 = arith.index_cast %add3A_695 : i32 to index
        %swap3A_716 = arith.constant 16 : index
        %swap3A_717 = tpu.vector_load %arg11[%swap3A_715, %swap3A_716] {strides = array<i32>} : memref<128x128xf32, #tpu.memory_space<vmem>>, vector<1x16xf32>,
        %swap3A_718 = vector.shape_cast %swap3A_717 : vector<1x16xf32> to vector<16xf32>
        %swap3A_719 = vector.shape_cast %mul3A_714 : vector<16xf32> to vector<1x16xf32>
        tpu.vector_store %arg11[%swap3A_715, %swap3A_716], %swap3A_719 {strides = array<i32>} : memref<128x128xf32, #tpu.memory_space<vmem>>, vector<1x16xf32>,
        %get3A_720 = arith.index_cast %add3A_695 : i32 to index
        %get3A_721 = arith.constant 32 : index
        %get3A_722 = tpu.vector_load %arg11[%get3A_720, %get3A_721] {strides = array<i32>} : memref<128x128xf32, #tpu.memory_space<vmem>>, vector<1x16xf32>,
        %get3A_723 = vector.shape_cast %get3A_722 : vector<1x16xf32> to vector<16xf32>
        %mul3A_724 = vector.broadcast %squeeze3A_697 : f32 to vector<16xf32>
        %mul3A_725 = arith.mulf %get3A_723, %mul3A_724 : vector<16xf32>
        %swap3A_726 = arith.index_cast %add3A_695 : i32 to index
        %swap3A_727 = arith.constant 32 : index
        %swap3A_728 = tpu.vector_load %arg11[%swap3A_726, %swap3A_727] {strides = array<i32>} : memref<128x128xf32, #tpu.memory_space<vmem>>, vector<1x16xf32>,
        %swap3A_729 = vector.shape_cast %swap3A_728 : vector<1x16xf32> to vector<16xf32>
        %swap3A_730 = vector.shape_cast %mul3A_725 : vector<16xf32> to vector<1x16xf32>
        tpu.vector_store %arg11[%swap3A_726, %swap3A_727], %swap3A_730 {strides = array<i32>} : memref<128x128xf32, #tpu.memory_space<vmem>>, vector<1x16xf32>,
        %get3A_731 = arith.index_cast %add3A_695 : i32 to index
        %get3A_732 = arith.constant 48 : index
        %get3A_733 = tpu.vector_load %arg11[%get3A_731, %get3A_732] {strides = array<i32>} : memref<128x128xf32, #tpu.memory_space<vmem>>, vector<1x16xf32>,
        %get3A_734 = vector.shape_cast %get3A_733 : vector<1x16xf32> to vector<16xf32>
        %mul3A_735 = vector.broadcast %squeeze3A_697 : f32 to vector<16xf32>
        %mul3A_736 = arith.mulf %get3A_734, %mul3A_735 : vector<16xf32>
        %swap3A_737 = arith.index_cast %add3A_695 : i32 to index
        %swap3A_738 = arith.constant 48 : index
        %swap3A_739 = tpu.vector_load %arg11[%swap3A_737, %swap3A_738] {strides = array<i32>} : memref<128x128xf32, #tpu.memory_space<vmem>>, vector<1x16xf32>,
        %swap3A_740 = vector.shape_cast %swap3A_739 : vector<1x16xf32> to vector<16xf32>
        %swap3A_741 = vector.shape_cast %mul3A_736 : vector<16xf32> to vector<1x16xf32>
        tpu.vector_store %arg11[%swap3A_737, %swap3A_738], %swap3A_741 {strides = array<i32>} : memref<128x128xf32, #tpu.memory_space<vmem>>, vector<1x16xf32>,
        %get3A_742 = arith.index_cast %add3A_695 : i32 to index
        %get3A_743 = arith.constant 64 : index
        %get3A_744 = tpu.vector_load %arg11[%get3A_742, %get3A_743] {strides = array<i32>} : memref<128x128xf32, #tpu.memory_space<vmem>>, vector<1x16xf32>,
        %get3A_745 = vector.shape_cast %get3A_744 : vector<1x16xf32> to vector<16xf32>
        %mul3A_746 = vector.broadcast %squeeze3A_697 : f32 to vector<16xf32>
        %mul3A_747 = arith.mulf %get3A_745, %mul3A_746 : vector<16xf32>
        %swap3A_748 = arith.index_cast %add3A_695 : i32 to index
        %swap3A_749 = arith.constant 64 : index
        %swap3A_750 = tpu.vector_load %arg11[%swap3A_748, %swap3A_749] {strides = array<i32>} : memref<128x128xf32, #tpu.memory_space<vmem>>, vector<1x16xf32>,
        %swap3A_751 = vector.shape_cast %swap3A_750 : vector<1x16xf32> to vector<16xf32>
        %swap3A_752 = vector.shape_cast %mul3A_747 : vector<16xf32> to vector<1x16xf32>
        tpu.vector_store %arg11[%swap3A_748, %swap3A_749], %swap3A_752 {strides = array<i32>} : memref<128x128xf32, #tpu.memory_space<vmem>>, vector<1x16xf32>,
        %get3A_753 = arith.index_cast %add3A_695 : i32 to index
        %get3A_754 = arith.constant 80 : index
        %get3A_755 = tpu.vector_load %arg11[%get3A_753, %get3A_754] {strides = array<i32>} : memref<128x128xf32, #tpu.memory_space<vmem>>, vector<1x16xf32>,
        %get3A_756 = vector.shape_cast %get3A_755 : vector<1x16xf32> to vector<16xf32>
        %mul3A_757 = vector.broadcast %squeeze3A_697 : f32 to vector<16xf32>
        %mul3A_758 = arith.mulf %get3A_756, %mul3A_757 : vector<16xf32>
        %swap3A_759 = arith.index_cast %add3A_695 : i32 to index
        %swap3A_760 = arith.constant 80 : index
        %swap3A_761 = tpu.vector_load %arg11[%swap3A_759, %swap3A_760] {strides = array<i32>} : memref<128x128xf32, #tpu.memory_space<vmem>>, vector<1x16xf32>,
        %swap3A_762 = vector.shape_cast %swap3A_761 : vector<1x16xf32> to vector<16xf32>
        %swap3A_763 = vector.shape_cast %mul3A_758 : vector<16xf32> to vector<1x16xf32>
        tpu.vector_store %arg11[%swap3A_759, %swap3A_760], %swap3A_763 {strides = array<i32>} : memref<128x128xf32, #tpu.memory_space<vmem>>, vector<1x16xf32>,
        %get3A_764 = arith.index_cast %add3A_695 : i32 to index
        %get3A_765 = arith.constant 96 : index
        %get3A_766 = tpu.vector_load %arg11[%get3A_764, %get3A_765] {strides = array<i32>} : memref<128x128xf32, #tpu.memory_space<vmem>>, vector<1x16xf32>,
        %get3A_767 = vector.shape_cast %get3A_766 : vector<1x16xf32> to vector<16xf32>
        %mul3A_768 = vector.broadcast %squeeze3A_697 : f32 to vector<16xf32>
        %mul3A_769 = arith.mulf %get3A_767, %mul3A_768 : vector<16xf32>
        %swap3A_770 = arith.index_cast %add3A_695 : i32 to index
        %swap3A_771 = arith.constant 96 : index
        %swap3A_772 = tpu.vector_load %arg11[%swap3A_770, %swap3A_771] {strides = array<i32>} : memref<128x128xf32, #tpu.memory_space<vmem>>, vector<1x16xf32>,
        %swap3A_773 = vector.shape_cast %swap3A_772 : vector<1x16xf32> to vector<16xf32>
        %swap3A_774 = vector.shape_cast %mul3A_769 : vector<16xf32> to vector<1x16xf32>
        tpu.vector_store %arg11[%swap3A_770, %swap3A_771], %swap3A_774 {strides = array<i32>} : memref<128x128xf32, #tpu.memory_space<vmem>>, vector<1x16xf32>,
        %get3A_775 = arith.index_cast %add3A_695 : i32 to index
        %get3A_776 = arith.constant 112 : index
        %get3A_777 = tpu.vector_load %arg11[%get3A_775, %get3A_776] {strides = array<i32>} : memref<128x128xf32, #tpu.memory_space<vmem>>, vector<1x16xf32>,
        %get3A_778 = vector.shape_cast %get3A_777 : vector<1x16xf32> to vector<16xf32>
        %mul3A_779 = vector.broadcast %squeeze3A_697 : f32 to vector<16xf32>
        %mul3A_780 = arith.mulf %get3A_778, %mul3A_779 : vector<16xf32>
        %swap3A_781 = arith.index_cast %add3A_695 : i32 to index
        %swap3A_782 = arith.constant 112 : index
        %swap3A_783 = tpu.vector_load %arg11[%swap3A_781, %swap3A_782] {strides = array<i32>} : memref<128x128xf32, #tpu.memory_space<vmem>>, vector<1x16xf32>,
        %swap3A_784 = vector.shape_cast %swap3A_783 : vector<1x16xf32> to vector<16xf32>
        %swap3A_785 = vector.shape_cast %mul3A_780 : vector<16xf32> to vector<1x16xf32>
        tpu.vector_store %arg11[%swap3A_781, %swap3A_782], %swap3A_785 {strides = array<i32>} : memref<128x128xf32, #tpu.memory_space<vmem>>, vector<1x16xf32>,
        %mul3A_786 = arith.constant 16 : i32
        %mul3A_787 = arith.muli %scan3A_31, %mul3A_786 : i32
        %add3A_788 = arith.constant 8 : i32
        %add3A_789 = arith.addi %mul3A_787, %add3A_788 : i32
        %slice3A_790 = vector.extract_strided_slice %get3A_36 {offsets = [8], sizes = [1], strides = [1]} : vector<16xf32> to vector<1xf32>
        %squeeze3A_791 = vector.extract %slice3A_790[0] : f32 from vector<1xf32>
        %get3A_792 = arith.index_cast %add3A_789 : i32 to index
        %get3A_793 = arith.constant 0 : index
        %get3A_794 = tpu.vector_load %arg11[%get3A_792, %get3A_793] {strides = array<i32>} : memref<128x128xf32, #tpu.memory_space<vmem>>, vector<1x16xf32>,
        %get3A_795 = vector.shape_cast %get3A_794 : vector<1x16xf32> to vector<16xf32>
        %mul3A_796 = vector.broadcast %squeeze3A_791 : f32 to vector<16xf32>
        %mul3A_797 = arith.mulf %get3A_795, %mul3A_796 : vector<16xf32>
        %swap3A_798 = arith.index_cast %add3A_789 : i32 to index
        %swap3A_799 = arith.constant 0 : index
        %swap3A_800 = tpu.vector_load %arg11[%swap3A_798, %swap3A_799] {strides = array<i32>} : memref<128x128xf32, #tpu.memory_space<vmem>>, vector<1x16xf32>,
        %swap3A_801 = vector.shape_cast %swap3A_800 : vector<1x16xf32> to vector<16xf32>
        %swap3A_802 = vector.shape_cast %mul3A_797 : vector<16xf32> to vector<1x16xf32>
        tpu.vector_store %arg11[%swap3A_798, %swap3A_799], %swap3A_802 {strides = array<i32>} : memref<128x128xf32, #tpu.memory_space<vmem>>, vector<1x16xf32>,
        %get3A_803 = arith.index_cast %add3A_789 : i32 to index
        %get3A_804 = arith.constant 16 : index
        %get3A_805 = tpu.vector_load %arg11[%get3A_803, %get3A_804] {strides = array<i32>} : memref<128x128xf32, #tpu.memory_space<vmem>>, vector<1x16xf32>,
        %get3A_806 = vector.shape_cast %get3A_805 : vector<1x16xf32> to vector<16xf32>
        %mul3A_807 = vector.broadcast %squeeze3A_791 : f32 to vector<16xf32>
        %mul3A_808 = arith.mulf %get3A_806, %mul3A_807 : vector<16xf32>
        %swap3A_809 = arith.index_cast %add3A_789 : i32 to index
        %swap3A_810 = arith.constant 16 : index
        %swap3A_811 = tpu.vector_load %arg11[%swap3A_809, %swap3A_810] {strides = array<i32>} : memref<128x128xf32, #tpu.memory_space<vmem>>, vector<1x16xf32>,
        %swap3A_812 = vector.shape_cast %swap3A_811 : vector<1x16xf32> to vector<16xf32>
        %swap3A_813 = vector.shape_cast %mul3A_808 : vector<16xf32> to vector<1x16xf32>
        tpu.vector_store %arg11[%swap3A_809, %swap3A_810], %swap3A_813 {strides = array<i32>} : memref<128x128xf32, #tpu.memory_space<vmem>>, vector<1x16xf32>,
        %get3A_814 = arith.index_cast %add3A_789 : i32 to index
        %get3A_815 = arith.constant 32 : index
        %get3A_816 = tpu.vector_load %arg11[%get3A_814, %get3A_815] {strides = array<i32>} : memref<128x128xf32, #tpu.memory_space<vmem>>, vector<1x16xf32>,
        %get3A_817 = vector.shape_cast %get3A_816 : vector<1x16xf32> to vector<16xf32>
        %mul3A_818 = vector.broadcast %squeeze3A_791 : f32 to vector<16xf32>
        %mul3A_819 = arith.mulf %get3A_817, %mul3A_818 : vector<16xf32>
        %swap3A_820 = arith.index_cast %add3A_789 : i32 to index
        %swap3A_821 = arith.constant 32 : index
        %swap3A_822 = tpu.vector_load %arg11[%swap3A_820, %swap3A_821] {strides = array<i32>} : memref<128x128xf32, #tpu.memory_space<vmem>>, vector<1x16xf32>,
        %swap3A_823 = vector.shape_cast %swap3A_822 : vector<1x16xf32> to vector<16xf32>
        %swap3A_824 = vector.shape_cast %mul3A_819 : vector<16xf32> to vector<1x16xf32>
        tpu.vector_store %arg11[%swap3A_820, %swap3A_821], %swap3A_824 {strides = array<i32>} : memref<128x128xf32, #tpu.memory_space<vmem>>, vector<1x16xf32>,
        %get3A_825 = arith.index_cast %add3A_789 : i32 to index
        %get3A_826 = arith.constant 48 : index
        %get3A_827 = tpu.vector_load %arg11[%get3A_825, %get3A_826] {strides = array<i32>} : memref<128x128xf32, #tpu.memory_space<vmem>>, vector<1x16xf32>,
        %get3A_828 = vector.shape_cast %get3A_827 : vector<1x16xf32> to vector<16xf32>
        %mul3A_829 = vector.broadcast %squeeze3A_791 : f32 to vector<16xf32>
        %mul3A_830 = arith.mulf %get3A_828, %mul3A_829 : vector<16xf32>
        %swap3A_831 = arith.index_cast %add3A_789 : i32 to index
        %swap3A_832 = arith.constant 48 : index
        %swap3A_833 = tpu.vector_load %arg11[%swap3A_831, %swap3A_832] {strides = array<i32>} : memref<128x128xf32, #tpu.memory_space<vmem>>, vector<1x16xf32>,
        %swap3A_834 = vector.shape_cast %swap3A_833 : vector<1x16xf32> to vector<16xf32>
        %swap3A_835 = vector.shape_cast %mul3A_830 : vector<16xf32> to vector<1x16xf32>
        tpu.vector_store %arg11[%swap3A_831, %swap3A_832], %swap3A_835 {strides = array<i32>} : memref<128x128xf32, #tpu.memory_space<vmem>>, vector<1x16xf32>,
        %get3A_836 = arith.index_cast %add3A_789 : i32 to index
        %get3A_837 = arith.constant 64 : index
        %get3A_838 = tpu.vector_load %arg11[%get3A_836, %get3A_837] {strides = array<i32>} : memref<128x128xf32, #tpu.memory_space<vmem>>, vector<1x16xf32>,
        %get3A_839 = vector.shape_cast %get3A_838 : vector<1x16xf32> to vector<16xf32>
        %mul3A_840 = vector.broadcast %squeeze3A_791 : f32 to vector<16xf32>
        %mul3A_841 = arith.mulf %get3A_839, %mul3A_840 : vector<16xf32>
        %swap3A_842 = arith.index_cast %add3A_789 : i32 to index
        %swap3A_843 = arith.constant 64 : index
        %swap3A_844 = tpu.vector_load %arg11[%swap3A_842, %swap3A_843] {strides = array<i32>} : memref<128x128xf32, #tpu.memory_space<vmem>>, vector<1x16xf32>,
        %swap3A_845 = vector.shape_cast %swap3A_844 : vector<1x16xf32> to vector<16xf32>
        %swap3A_846 = vector.shape_cast %mul3A_841 : vector<16xf32> to vector<1x16xf32>
        tpu.vector_store %arg11[%swap3A_842, %swap3A_843], %swap3A_846 {strides = array<i32>} : memref<128x128xf32, #tpu.memory_space<vmem>>, vector<1x16xf32>,
        %get3A_847 = arith.index_cast %add3A_789 : i32 to index
        %get3A_848 = arith.constant 80 : index
        %get3A_849 = tpu.vector_load %arg11[%get3A_847, %get3A_848] {strides = array<i32>} : memref<128x128xf32, #tpu.memory_space<vmem>>, vector<1x16xf32>,
        %get3A_850 = vector.shape_cast %get3A_849 : vector<1x16xf32> to vector<16xf32>
        %mul3A_851 = vector.broadcast %squeeze3A_791 : f32 to vector<16xf32>
        %mul3A_852 = arith.mulf %get3A_850, %mul3A_851 : vector<16xf32>
        %swap3A_853 = arith.index_cast %add3A_789 : i32 to index
        %swap3A_854 = arith.constant 80 : index
        %swap3A_855 = tpu.vector_load %arg11[%swap3A_853, %swap3A_854] {strides = array<i32>} : memref<128x128xf32, #tpu.memory_space<vmem>>, vector<1x16xf32>,
        %swap3A_856 = vector.shape_cast %swap3A_855 : vector<1x16xf32> to vector<16xf32>
        %swap3A_857 = vector.shape_cast %mul3A_852 : vector<16xf32> to vector<1x16xf32>
        tpu.vector_store %arg11[%swap3A_853, %swap3A_854], %swap3A_857 {strides = array<i32>} : memref<128x128xf32, #tpu.memory_space<vmem>>, vector<1x16xf32>,
        %get3A_858 = arith.index_cast %add3A_789 : i32 to index
        %get3A_859 = arith.constant 96 : index
        %get3A_860 = tpu.vector_load %arg11[%get3A_858, %get3A_859] {strides = array<i32>} : memref<128x128xf32, #tpu.memory_space<vmem>>, vector<1x16xf32>,
        %get3A_861 = vector.shape_cast %get3A_860 : vector<1x16xf32> to vector<16xf32>
        %mul3A_862 = vector.broadcast %squeeze3A_791 : f32 to vector<16xf32>
        %mul3A_863 = arith.mulf %get3A_861, %mul3A_862 : vector<16xf32>
        %swap3A_864 = arith.index_cast %add3A_789 : i32 to index
        %swap3A_865 = arith.constant 96 : index
        %swap3A_866 = tpu.vector_load %arg11[%swap3A_864, %swap3A_865] {strides = array<i32>} : memref<128x128xf32, #tpu.memory_space<vmem>>, vector<1x16xf32>,
        %swap3A_867 = vector.shape_cast %swap3A_866 : vector<1x16xf32> to vector<16xf32>
        %swap3A_868 = vector.shape_cast %mul3A_863 : vector<16xf32> to vector<1x16xf32>
        tpu.vector_store %arg11[%swap3A_864, %swap3A_865], %swap3A_868 {strides = array<i32>} : memref<128x128xf32, #tpu.memory_space<vmem>>, vector<1x16xf32>,
        %get3A_869 = arith.index_cast %add3A_789 : i32 to index
        %get3A_870 = arith.constant 112 : index
        %get3A_871 = tpu.vector_load %arg11[%get3A_869, %get3A_870] {strides = array<i32>} : memref<128x128xf32, #tpu.memory_space<vmem>>, vector<1x16xf32>,
        %get3A_872 = vector.shape_cast %get3A_871 : vector<1x16xf32> to vector<16xf32>
        %mul3A_873 = vector.broadcast %squeeze3A_791 : f32 to vector<16xf32>
        %mul3A_874 = arith.mulf %get3A_872, %mul3A_873 : vector<16xf32>
        %swap3A_875 = arith.index_cast %add3A_789 : i32 to index
        %swap3A_876 = arith.constant 112 : index
        %swap3A_877 = tpu.vector_load %arg11[%swap3A_875, %swap3A_876] {strides = array<i32>} : memref<128x128xf32, #tpu.memory_space<vmem>>, vector<1x16xf32>,
        %swap3A_878 = vector.shape_cast %swap3A_877 : vector<1x16xf32> to vector<16xf32>
        %swap3A_879 = vector.shape_cast %mul3A_874 : vector<16xf32> to vector<1x16xf32>
        tpu.vector_store %arg11[%swap3A_875, %swap3A_876], %swap3A_879 {strides = array<i32>} : memref<128x128xf32, #tpu.memory_space<vmem>>, vector<1x16xf32>,
        %mul3A_880 = arith.constant 16 : i32
        %mul3A_881 = arith.muli %scan3A_31, %mul3A_880 : i32
        %add3A_882 = arith.constant 9 : i32
        %add3A_883 = arith.addi %mul3A_881, %add3A_882 : i32
        %slice3A_884 = vector.extract_strided_slice %get3A_36 {offsets = [9], sizes = [1], strides = [1]} : vector<16xf32> to vector<1xf32>
        %squeeze3A_885 = vector.extract %slice3A_884[0] : f32 from vector<1xf32>
        %get3A_886 = arith.index_cast %add3A_883 : i32 to index
        %get3A_887 = arith.constant 0 : index
        %get3A_888 = tpu.vector_load %arg11[%get3A_886, %get3A_887] {strides = array<i32>} : memref<128x128xf32, #tpu.memory_space<vmem>>, vector<1x16xf32>,
        %get3A_889 = vector.shape_cast %get3A_888 : vector<1x16xf32> to vector<16xf32>
        %mul3A_890 = vector.broadcast %squeeze3A_885 : f32 to vector<16xf32>
        %mul3A_891 = arith.mulf %get3A_889, %mul3A_890 : vector<16xf32>
        %swap3A_892 = arith.index_cast %add3A_883 : i32 to index
        %swap3A_893 = arith.constant 0 : index
        %swap3A_894 = tpu.vector_load %arg11[%swap3A_892, %swap3A_893] {strides = array<i32>} : memref<128x128xf32, #tpu.memory_space<vmem>>, vector<1x16xf32>,
        %swap3A_895 = vector.shape_cast %swap3A_894 : vector<1x16xf32> to vector<16xf32>
        %swap3A_896 = vector.shape_cast %mul3A_891 : vector<16xf32> to vector<1x16xf32>
        tpu.vector_store %arg11[%swap3A_892, %swap3A_893], %swap3A_896 {strides = array<i32>} : memref<128x128xf32, #tpu.memory_space<vmem>>, vector<1x16xf32>,
        %get3A_897 = arith.index_cast %add3A_883 : i32 to index
        %get3A_898 = arith.constant 16 : index
        %get3A_899 = tpu.vector_load %arg11[%get3A_897, %get3A_898] {strides = array<i32>} : memref<128x128xf32, #tpu.memory_space<vmem>>, vector<1x16xf32>,
        %get3A_900 = vector.shape_cast %get3A_899 : vector<1x16xf32> to vector<16xf32>
        %mul3A_901 = vector.broadcast %squeeze3A_885 : f32 to vector<16xf32>
        %mul3A_902 = arith.mulf %get3A_900, %mul3A_901 : vector<16xf32>
        %swap3A_903 = arith.index_cast %add3A_883 : i32 to index
        %swap3A_904 = arith.constant 16 : index
        %swap3A_905 = tpu.vector_load %arg11[%swap3A_903, %swap3A_904] {strides = array<i32>} : memref<128x128xf32, #tpu.memory_space<vmem>>, vector<1x16xf32>,
        %swap3A_906 = vector.shape_cast %swap3A_905 : vector<1x16xf32> to vector<16xf32>
        %swap3A_907 = vector.shape_cast %mul3A_902 : vector<16xf32> to vector<1x16xf32>
        tpu.vector_store %arg11[%swap3A_903, %swap3A_904], %swap3A_907 {strides = array<i32>} : memref<128x128xf32, #tpu.memory_space<vmem>>, vector<1x16xf32>,
        %get3A_908 = arith.index_cast %add3A_883 : i32 to index
        %get3A_909 = arith.constant 32 : index
        %get3A_910 = tpu.vector_load %arg11[%get3A_908, %get3A_909] {strides = array<i32>} : memref<128x128xf32, #tpu.memory_space<vmem>>, vector<1x16xf32>,
        %get3A_911 = vector.shape_cast %get3A_910 : vector<1x16xf32> to vector<16xf32>
        %mul3A_912 = vector.broadcast %squeeze3A_885 : f32 to vector<16xf32>
        %mul3A_913 = arith.mulf %get3A_911, %mul3A_912 : vector<16xf32>
        %swap3A_914 = arith.index_cast %add3A_883 : i32 to index
        %swap3A_915 = arith.constant 32 : index
        %swap3A_916 = tpu.vector_load %arg11[%swap3A_914, %swap3A_915] {strides = array<i32>} : memref<128x128xf32, #tpu.memory_space<vmem>>, vector<1x16xf32>,
        %swap3A_917 = vector.shape_cast %swap3A_916 : vector<1x16xf32> to vector<16xf32>
        %swap3A_918 = vector.shape_cast %mul3A_913 : vector<16xf32> to vector<1x16xf32>
        tpu.vector_store %arg11[%swap3A_914, %swap3A_915], %swap3A_918 {strides = array<i32>} : memref<128x128xf32, #tpu.memory_space<vmem>>, vector<1x16xf32>,
        %get3A_919 = arith.index_cast %add3A_883 : i32 to index
        %get3A_920 = arith.constant 48 : index
        %get3A_921 = tpu.vector_load %arg11[%get3A_919, %get3A_920] {strides = array<i32>} : memref<128x128xf32, #tpu.memory_space<vmem>>, vector<1x16xf32>,
        %get3A_922 = vector.shape_cast %get3A_921 : vector<1x16xf32> to vector<16xf32>
        %mul3A_923 = vector.broadcast %squeeze3A_885 : f32 to vector<16xf32>
        %mul3A_924 = arith.mulf %get3A_922, %mul3A_923 : vector<16xf32>
        %swap3A_925 = arith.index_cast %add3A_883 : i32 to index
        %swap3A_926 = arith.constant 48 : index
        %swap3A_927 = tpu.vector_load %arg11[%swap3A_925, %swap3A_926] {strides = array<i32>} : memref<128x128xf32, #tpu.memory_space<vmem>>, vector<1x16xf32>,
        %swap3A_928 = vector.shape_cast %swap3A_927 : vector<1x16xf32> to vector<16xf32>
        %swap3A_929 = vector.shape_cast %mul3A_924 : vector<16xf32> to vector<1x16xf32>
        tpu.vector_store %arg11[%swap3A_925, %swap3A_926], %swap3A_929 {strides = array<i32>} : memref<128x128xf32, #tpu.memory_space<vmem>>, vector<1x16xf32>,
        %get3A_930 = arith.index_cast %add3A_883 : i32 to index
        %get3A_931 = arith.constant 64 : index
        %get3A_932 = tpu.vector_load %arg11[%get3A_930, %get3A_931] {strides = array<i32>} : memref<128x128xf32, #tpu.memory_space<vmem>>, vector<1x16xf32>,
        %get3A_933 = vector.shape_cast %get3A_932 : vector<1x16xf32> to vector<16xf32>
        %mul3A_934 = vector.broadcast %squeeze3A_885 : f32 to vector<16xf32>
        %mul3A_935 = arith.mulf %get3A_933, %mul3A_934 : vector<16xf32>
        %swap3A_936 = arith.index_cast %add3A_883 : i32 to index
        %swap3A_937 = arith.constant 64 : index
        %swap3A_938 = tpu.vector_load %arg11[%swap3A_936, %swap3A_937] {strides = array<i32>} : memref<128x128xf32, #tpu.memory_space<vmem>>, vector<1x16xf32>,
        %swap3A_939 = vector.shape_cast %swap3A_938 : vector<1x16xf32> to vector<16xf32>
        %swap3A_940 = vector.shape_cast %mul3A_935 : vector<16xf32> to vector<1x16xf32>
        tpu.vector_store %arg11[%swap3A_936, %swap3A_937], %swap3A_940 {strides = array<i32>} : memref<128x128xf32, #tpu.memory_space<vmem>>, vector<1x16xf32>,
        %get3A_941 = arith.index_cast %add3A_883 : i32 to index
        %get3A_942 = arith.constant 80 : index
        %get3A_943 = tpu.vector_load %arg11[%get3A_941, %get3A_942] {strides = array<i32>} : memref<128x128xf32, #tpu.memory_space<vmem>>, vector<1x16xf32>,
        %get3A_944 = vector.shape_cast %get3A_943 : vector<1x16xf32> to vector<16xf32>
        %mul3A_945 = vector.broadcast %squeeze3A_885 : f32 to vector<16xf32>
        %mul3A_946 = arith.mulf %get3A_944, %mul3A_945 : vector<16xf32>
        %swap3A_947 = arith.index_cast %add3A_883 : i32 to index
        %swap3A_948 = arith.constant 80 : index
        %swap3A_949 = tpu.vector_load %arg11[%swap3A_947, %swap3A_948] {strides = array<i32>} : memref<128x128xf32, #tpu.memory_space<vmem>>, vector<1x16xf32>,
        %swap3A_950 = vector.shape_cast %swap3A_949 : vector<1x16xf32> to vector<16xf32>
        %swap3A_951 = vector.shape_cast %mul3A_946 : vector<16xf32> to vector<1x16xf32>
        tpu.vector_store %arg11[%swap3A_947, %swap3A_948], %swap3A_951 {strides = array<i32>} : memref<128x128xf32, #tpu.memory_space<vmem>>, vector<1x16xf32>,
        %get3A_952 = arith.index_cast %add3A_883 : i32 to index
        %get3A_953 = arith.constant 96 : index
        %get3A_954 = tpu.vector_load %arg11[%get3A_952, %get3A_953] {strides = array<i32>} : memref<128x128xf32, #tpu.memory_space<vmem>>, vector<1x16xf32>,
        %get3A_955 = vector.shape_cast %get3A_954 : vector<1x16xf32> to vector<16xf32>
        %mul3A_956 = vector.broadcast %squeeze3A_885 : f32 to vector<16xf32>
        %mul3A_957 = arith.mulf %get3A_955, %mul3A_956 : vector<16xf32>
        %swap3A_958 = arith.index_cast %add3A_883 : i32 to index
        %swap3A_959 = arith.constant 96 : index
        %swap3A_960 = tpu.vector_load %arg11[%swap3A_958, %swap3A_959] {strides = array<i32>} : memref<128x128xf32, #tpu.memory_space<vmem>>, vector<1x16xf32>,
        %swap3A_961 = vector.shape_cast %swap3A_960 : vector<1x16xf32> to vector<16xf32>
        %swap3A_962 = vector.shape_cast %mul3A_957 : vector<16xf32> to vector<1x16xf32>
        tpu.vector_store %arg11[%swap3A_958, %swap3A_959], %swap3A_962 {strides = array<i32>} : memref<128x128xf32, #tpu.memory_space<vmem>>, vector<1x16xf32>,
        %get3A_963 = arith.index_cast %add3A_883 : i32 to index
        %get3A_964 = arith.constant 112 : index
        %get3A_965 = tpu.vector_load %arg11[%get3A_963, %get3A_964] {strides = array<i32>} : memref<128x128xf32, #tpu.memory_space<vmem>>, vector<1x16xf32>,
        %get3A_966 = vector.shape_cast %get3A_965 : vector<1x16xf32> to vector<16xf32>
        %mul3A_967 = vector.broadcast %squeeze3A_885 : f32 to vector<16xf32>
        %mul3A_968 = arith.mulf %get3A_966, %mul3A_967 : vector<16xf32>
        %swap3A_969 = arith.index_cast %add3A_883 : i32 to index
        %swap3A_970 = arith.constant 112 : index
        %swap3A_971 = tpu.vector_load %arg11[%swap3A_969, %swap3A_970] {strides = array<i32>} : memref<128x128xf32, #tpu.memory_space<vmem>>, vector<1x16xf32>,
        %swap3A_972 = vector.shape_cast %swap3A_971 : vector<1x16xf32> to vector<16xf32>
        %swap3A_973 = vector.shape_cast %mul3A_968 : vector<16xf32> to vector<1x16xf32>
        tpu.vector_store %arg11[%swap3A_969, %swap3A_970], %swap3A_973 {strides = array<i32>} : memref<128x128xf32, #tpu.memory_space<vmem>>, vector<1x16xf32>,
        %mul3A_974 = arith.constant 16 : i32
        %mul3A_975 = arith.muli %scan3A_31, %mul3A_974 : i32
        %add3A_976 = arith.constant 10 : i32
        %add3A_977 = arith.addi %mul3A_975, %add3A_976 : i32
        %slice3A_978 = vector.extract_strided_slice %get3A_36 {offsets = [10], sizes = [1], strides = [1]} : vector<16xf32> to vector<1xf32>
        %squeeze3A_979 = vector.extract %slice3A_978[0] : f32 from vector<1xf32>
        %get3A_980 = arith.index_cast %add3A_977 : i32 to index
        %get3A_981 = arith.constant 0 : index
        %get3A_982 = tpu.vector_load %arg11[%get3A_980, %get3A_981] {strides = array<i32>} : memref<128x128xf32, #tpu.memory_space<vmem>>, vector<1x16xf32>,
        %get3A_983 = vector.shape_cast %get3A_982 : vector<1x16xf32> to vector<16xf32>
        %mul3A_984 = vector.broadcast %squeeze3A_979 : f32 to vector<16xf32>
        %mul3A_985 = arith.mulf %get3A_983, %mul3A_984 : vector<16xf32>
        %swap3A_986 = arith.index_cast %add3A_977 : i32 to index
        %swap3A_987 = arith.constant 0 : index
        %swap3A_988 = tpu.vector_load %arg11[%swap3A_986, %swap3A_987] {strides = array<i32>} : memref<128x128xf32, #tpu.memory_space<vmem>>, vector<1x16xf32>,
        %swap3A_989 = vector.shape_cast %swap3A_988 : vector<1x16xf32> to vector<16xf32>
        %swap3A_990 = vector.shape_cast %mul3A_985 : vector<16xf32> to vector<1x16xf32>
        tpu.vector_store %arg11[%swap3A_986, %swap3A_987], %swap3A_990 {strides = array<i32>} : memref<128x128xf32, #tpu.memory_space<vmem>>, vector<1x16xf32>,
        %get3A_991 = arith.index_cast %add3A_977 : i32 to index
        %get3A_992 = arith.constant 16 : index
        %get3A_993 = tpu.vector_load %arg11[%get3A_991, %get3A_992] {strides = array<i32>} : memref<128x128xf32, #tpu.memory_space<vmem>>, vector<1x16xf32>,
        %get3A_994 = vector.shape_cast %get3A_993 : vector<1x16xf32> to vector<16xf32>
        %mul3A_995 = vector.broadcast %squeeze3A_979 : f32 to vector<16xf32>
        %mul3A_996 = arith.mulf %get3A_994, %mul3A_995 : vector<16xf32>
        %swap3A_997 = arith.index_cast %add3A_977 : i32 to index
        %swap3A_998 = arith.constant 16 : index
        %swap3A_999 = tpu.vector_load %arg11[%swap3A_997, %swap3A_998] {strides = array<i32>} : memref<128x128xf32, #tpu.memory_space<vmem>>, vector<1x16xf32>,
        %swap3A_1000 = vector.shape_cast %swap3A_999 : vector<1x16xf32> to vector<16xf32>
        %swap3A_1001 = vector.shape_cast %mul3A_996 : vector<16xf32> to vector<1x16xf32>
        tpu.vector_store %arg11[%swap3A_997, %swap3A_998], %swap3A_1001 {strides = array<i32>} : memref<128x128xf32, #tpu.memory_space<vmem>>, vector<1x16xf32>,
        %get3A_1002 = arith.index_cast %add3A_977 : i32 to index
        %get3A_1003 = arith.constant 32 : index
        %get3A_1004 = tpu.vector_load %arg11[%get3A_1002, %get3A_1003] {strides = array<i32>} : memref<128x128xf32, #tpu.memory_space<vmem>>, vector<1x16xf32>,
        %get3A_1005 = vector.shape_cast %get3A_1004 : vector<1x16xf32> to vector<16xf32>
        %mul3A_1006 = vector.broadcast %squeeze3A_979 : f32 to vector<16xf32>
        %mul3A_1007 = arith.mulf %get3A_1005, %mul3A_1006 : vector<16xf32>
        %swap3A_1008 = arith.index_cast %add3A_977 : i32 to index
        %swap3A_1009 = arith.constant 32 : index
        %swap3A_1010 = tpu.vector_load %arg11[%swap3A_1008, %swap3A_1009] {strides = array<i32>} : memref<128x128xf32, #tpu.memory_space<vmem>>, vector<1x16xf32>,
        %swap3A_1011 = vector.shape_cast %swap3A_1010 : vector<1x16xf32> to vector<16xf32>
        %swap3A_1012 = vector.shape_cast %mul3A_1007 : vector<16xf32> to vector<1x16xf32>
        tpu.vector_store %arg11[%swap3A_1008, %swap3A_1009], %swap3A_1012 {strides = array<i32>} : memref<128x128xf32, #tpu.memory_space<vmem>>, vector<1x16xf32>,
        %get3A_1013 = arith.index_cast %add3A_977 : i32 to index
        %get3A_1014 = arith.constant 48 : index
        %get3A_1015 = tpu.vector_load %arg11[%get3A_1013, %get3A_1014] {strides = array<i32>} : memref<128x128xf32, #tpu.memory_space<vmem>>, vector<1x16xf32>,
        %get3A_1016 = vector.shape_cast %get3A_1015 : vector<1x16xf32> to vector<16xf32>
        %mul3A_1017 = vector.broadcast %squeeze3A_979 : f32 to vector<16xf32>
        %mul3A_1018 = arith.mulf %get3A_1016, %mul3A_1017 : vector<16xf32>
        %swap3A_1019 = arith.index_cast %add3A_977 : i32 to index
        %swap3A_1020 = arith.constant 48 : index
        %swap3A_1021 = tpu.vector_load %arg11[%swap3A_1019, %swap3A_1020] {strides = array<i32>} : memref<128x128xf32, #tpu.memory_space<vmem>>, vector<1x16xf32>,
        %swap3A_1022 = vector.shape_cast %swap3A_1021 : vector<1x16xf32> to vector<16xf32>
        %swap3A_1023 = vector.shape_cast %mul3A_1018 : vector<16xf32> to vector<1x16xf32>
        tpu.vector_store %arg11[%swap3A_1019, %swap3A_1020], %swap3A_1023 {strides = array<i32>} : memref<128x128xf32, #tpu.memory_space<vmem>>, vector<1x16xf32>,
        %get3A_1024 = arith.index_cast %add3A_977 : i32 to index
        %get3A_1025 = arith.constant 64 : index
        %get3A_1026 = tpu.vector_load %arg11[%get3A_1024, %get3A_1025] {strides = array<i32>} : memref<128x128xf32, #tpu.memory_space<vmem>>, vector<1x16xf32>,
        %get3A_1027 = vector.shape_cast %get3A_1026 : vector<1x16xf32> to vector<16xf32>
        %mul3A_1028 = vector.broadcast %squeeze3A_979 : f32 to vector<16xf32>
        %mul3A_1029 = arith.mulf %get3A_1027, %mul3A_1028 : vector<16xf32>
        %swap3A_1030 = arith.index_cast %add3A_977 : i32 to index
        %swap3A_1031 = arith.constant 64 : index
        %swap3A_1032 = tpu.vector_load %arg11[%swap3A_1030, %swap3A_1031] {strides = array<i32>} : memref<128x128xf32, #tpu.memory_space<vmem>>, vector<1x16xf32>,
        %swap3A_1033 = vector.shape_cast %swap3A_1032 : vector<1x16xf32> to vector<16xf32>
        %swap3A_1034 = vector.shape_cast %mul3A_1029 : vector<16xf32> to vector<1x16xf32>
        tpu.vector_store %arg11[%swap3A_1030, %swap3A_1031], %swap3A_1034 {strides = array<i32>} : memref<128x128xf32, #tpu.memory_space<vmem>>, vector<1x16xf32>,
        %get3A_1035 = arith.index_cast %add3A_977 : i32 to index
        %get3A_1036 = arith.constant 80 : index
        %get3A_1037 = tpu.vector_load %arg11[%get3A_1035, %get3A_1036] {strides = array<i32>} : memref<128x128xf32, #tpu.memory_space<vmem>>, vector<1x16xf32>,
        %get3A_1038 = vector.shape_cast %get3A_1037 : vector<1x16xf32> to vector<16xf32>
        %mul3A_1039 = vector.broadcast %squeeze3A_979 : f32 to vector<16xf32>
        %mul3A_1040 = arith.mulf %get3A_1038, %mul3A_1039 : vector<16xf32>
        %swap3A_1041 = arith.index_cast %add3A_977 : i32 to index
        %swap3A_1042 = arith.constant 80 : index
        %swap3A_1043 = tpu.vector_load %arg11[%swap3A_1041, %swap3A_1042] {strides = array<i32>} : memref<128x128xf32, #tpu.memory_space<vmem>>, vector<1x16xf32>,
        %swap3A_1044 = vector.shape_cast %swap3A_1043 : vector<1x16xf32> to vector<16xf32>
        %swap3A_1045 = vector.shape_cast %mul3A_1040 : vector<16xf32> to vector<1x16xf32>
        tpu.vector_store %arg11[%swap3A_1041, %swap3A_1042], %swap3A_1045 {strides = array<i32>} : memref<128x128xf32, #tpu.memory_space<vmem>>, vector<1x16xf32>,
        %get3A_1046 = arith.index_cast %add3A_977 : i32 to index
        %get3A_1047 = arith.constant 96 : index
        %get3A_1048 = tpu.vector_load %arg11[%get3A_1046, %get3A_1047] {strides = array<i32>} : memref<128x128xf32, #tpu.memory_space<vmem>>, vector<1x16xf32>,
        %get3A_1049 = vector.shape_cast %get3A_1048 : vector<1x16xf32> to vector<16xf32>
        %mul3A_1050 = vector.broadcast %squeeze3A_979 : f32 to vector<16xf32>
        %mul3A_1051 = arith.mulf %get3A_1049, %mul3A_1050 : vector<16xf32>
        %swap3A_1052 = arith.index_cast %add3A_977 : i32 to index
        %swap3A_1053 = arith.constant 96 : index
        %swap3A_1054 = tpu.vector_load %arg11[%swap3A_1052, %swap3A_1053] {strides = array<i32>} : memref<128x128xf32, #tpu.memory_space<vmem>>, vector<1x16xf32>,
        %swap3A_1055 = vector.shape_cast %swap3A_1054 : vector<1x16xf32> to vector<16xf32>
        %swap3A_1056 = vector.shape_cast %mul3A_1051 : vector<16xf32> to vector<1x16xf32>
        tpu.vector_store %arg11[%swap3A_1052, %swap3A_1053], %swap3A_1056 {strides = array<i32>} : memref<128x128xf32, #tpu.memory_space<vmem>>, vector<1x16xf32>,
        %get3A_1057 = arith.index_cast %add3A_977 : i32 to index
        %get3A_1058 = arith.constant 112 : index
        %get3A_1059 = tpu.vector_load %arg11[%get3A_1057, %get3A_1058] {strides = array<i32>} : memref<128x128xf32, #tpu.memory_space<vmem>>, vector<1x16xf32>,
        %get3A_1060 = vector.shape_cast %get3A_1059 : vector<1x16xf32> to vector<16xf32>
        %mul3A_1061 = vector.broadcast %squeeze3A_979 : f32 to vector<16xf32>
        %mul3A_1062 = arith.mulf %get3A_1060, %mul3A_1061 : vector<16xf32>
        %swap3A_1063 = arith.index_cast %add3A_977 : i32 to index
        %swap3A_1064 = arith.constant 112 : index
        %swap3A_1065 = tpu.vector_load %arg11[%swap3A_1063, %swap3A_1064] {strides = array<i32>} : memref<128x128xf32, #tpu.memory_space<vmem>>, vector<1x16xf32>,
        %swap3A_1066 = vector.shape_cast %swap3A_1065 : vector<1x16xf32> to vector<16xf32>
        %swap3A_1067 = vector.shape_cast %mul3A_1062 : vector<16xf32> to vector<1x16xf32>
        tpu.vector_store %arg11[%swap3A_1063, %swap3A_1064], %swap3A_1067 {strides = array<i32>} : memref<128x128xf32, #tpu.memory_space<vmem>>, vector<1x16xf32>,
        %mul3A_1068 = arith.constant 16 : i32
        %mul3A_1069 = arith.muli %scan3A_31, %mul3A_1068 : i32
        %add3A_1070 = arith.constant 11 : i32
        %add3A_1071 = arith.addi %mul3A_1069, %add3A_1070 : i32
        %slice3A_1072 = vector.extract_strided_slice %get3A_36 {offsets = [11], sizes = [1], strides = [1]} : vector<16xf32> to vector<1xf32>
        %squeeze3A_1073 = vector.extract %slice3A_1072[0] : f32 from vector<1xf32>
        %get3A_1074 = arith.index_cast %add3A_1071 : i32 to index
        %get3A_1075 = arith.constant 0 : index
        %get3A_1076 = tpu.vector_load %arg11[%get3A_1074, %get3A_1075] {strides = array<i32>} : memref<128x128xf32, #tpu.memory_space<vmem>>, vector<1x16xf32>,
        %get3A_1077 = vector.shape_cast %get3A_1076 : vector<1x16xf32> to vector<16xf32>
        %mul3A_1078 = vector.broadcast %squeeze3A_1073 : f32 to vector<16xf32>
        %mul3A_1079 = arith.mulf %get3A_1077, %mul3A_1078 : vector<16xf32>
        %swap3A_1080 = arith.index_cast %add3A_1071 : i32 to index
        %swap3A_1081 = arith.constant 0 : index
        %swap3A_1082 = tpu.vector_load %arg11[%swap3A_1080, %swap3A_1081] {strides = array<i32>} : memref<128x128xf32, #tpu.memory_space<vmem>>, vector<1x16xf32>,
        %swap3A_1083 = vector.shape_cast %swap3A_1082 : vector<1x16xf32> to vector<16xf32>
        %swap3A_1084 = vector.shape_cast %mul3A_1079 : vector<16xf32> to vector<1x16xf32>
        tpu.vector_store %arg11[%swap3A_1080, %swap3A_1081], %swap3A_1084 {strides = array<i32>} : memref<128x128xf32, #tpu.memory_space<vmem>>, vector<1x16xf32>,
        %get3A_1085 = arith.index_cast %add3A_1071 : i32 to index
        %get3A_1086 = arith.constant 16 : index
        %get3A_1087 = tpu.vector_load %arg11[%get3A_1085, %get3A_1086] {strides = array<i32>} : memref<128x128xf32, #tpu.memory_space<vmem>>, vector<1x16xf32>,
        %get3A_1088 = vector.shape_cast %get3A_1087 : vector<1x16xf32> to vector<16xf32>
        %mul3A_1089 = vector.broadcast %squeeze3A_1073 : f32 to vector<16xf32>
        %mul3A_1090 = arith.mulf %get3A_1088, %mul3A_1089 : vector<16xf32>
        %swap3A_1091 = arith.index_cast %add3A_1071 : i32 to index
        %swap3A_1092 = arith.constant 16 : index
        %swap3A_1093 = tpu.vector_load %arg11[%swap3A_1091, %swap3A_1092] {strides = array<i32>} : memref<128x128xf32, #tpu.memory_space<vmem>>, vector<1x16xf32>,
        %swap3A_1094 = vector.shape_cast %swap3A_1093 : vector<1x16xf32> to vector<16xf32>
        %swap3A_1095 = vector.shape_cast %mul3A_1090 : vector<16xf32> to vector<1x16xf32>
        tpu.vector_store %arg11[%swap3A_1091, %swap3A_1092], %swap3A_1095 {strides = array<i32>} : memref<128x128xf32, #tpu.memory_space<vmem>>, vector<1x16xf32>,
        %get3A_1096 = arith.index_cast %add3A_1071 : i32 to index
        %get3A_1097 = arith.constant 32 : index
        %get3A_1098 = tpu.vector_load %arg11[%get3A_1096, %get3A_1097] {strides = array<i32>} : memref<128x128xf32, #tpu.memory_space<vmem>>, vector<1x16xf32>,
        %get3A_1099 = vector.shape_cast %get3A_1098 : vector<1x16xf32> to vector<16xf32>
        %mul3A_1100 = vector.broadcast %squeeze3A_1073 : f32 to vector<16xf32>
        %mul3A_1101 = arith.mulf %get3A_1099, %mul3A_1100 : vector<16xf32>
        %swap3A_1102 = arith.index_cast %add3A_1071 : i32 to index
        %swap3A_1103 = arith.constant 32 : index
        %swap3A_1104 = tpu.vector_load %arg11[%swap3A_1102, %swap3A_1103] {strides = array<i32>} : memref<128x128xf32, #tpu.memory_space<vmem>>, vector<1x16xf32>,
        %swap3A_1105 = vector.shape_cast %swap3A_1104 : vector<1x16xf32> to vector<16xf32>
        %swap3A_1106 = vector.shape_cast %mul3A_1101 : vector<16xf32> to vector<1x16xf32>
        tpu.vector_store %arg11[%swap3A_1102, %swap3A_1103], %swap3A_1106 {strides = array<i32>} : memref<128x128xf32, #tpu.memory_space<vmem>>, vector<1x16xf32>,
        %get3A_1107 = arith.index_cast %add3A_1071 : i32 to index
        %get3A_1108 = arith.constant 48 : index
        %get3A_1109 = tpu.vector_load %arg11[%get3A_1107, %get3A_1108] {strides = array<i32>} : memref<128x128xf32, #tpu.memory_space<vmem>>, vector<1x16xf32>,
        %get3A_1110 = vector.shape_cast %get3A_1109 : vector<1x16xf32> to vector<16xf32>
        %mul3A_1111 = vector.broadcast %squeeze3A_1073 : f32 to vector<16xf32>
        %mul3A_1112 = arith.mulf %get3A_1110, %mul3A_1111 : vector<16xf32>
        %swap3A_1113 = arith.index_cast %add3A_1071 : i32 to index
        %swap3A_1114 = arith.constant 48 : index
        %swap3A_1115 = tpu.vector_load %arg11[%swap3A_1113, %swap3A_1114] {strides = array<i32>} : memref<128x128xf32, #tpu.memory_space<vmem>>, vector<1x16xf32>,
        %swap3A_1116 = vector.shape_cast %swap3A_1115 : vector<1x16xf32> to vector<16xf32>
        %swap3A_1117 = vector.shape_cast %mul3A_1112 : vector<16xf32> to vector<1x16xf32>
        tpu.vector_store %arg11[%swap3A_1113, %swap3A_1114], %swap3A_1117 {strides = array<i32>} : memref<128x128xf32, #tpu.memory_space<vmem>>, vector<1x16xf32>,
        %get3A_1118 = arith.index_cast %add3A_1071 : i32 to index
        %get3A_1119 = arith.constant 64 : index
        %get3A_1120 = tpu.vector_load %arg11[%get3A_1118, %get3A_1119] {strides = array<i32>} : memref<128x128xf32, #tpu.memory_space<vmem>>, vector<1x16xf32>,
        %get3A_1121 = vector.shape_cast %get3A_1120 : vector<1x16xf32> to vector<16xf32>
        %mul3A_1122 = vector.broadcast %squeeze3A_1073 : f32 to vector<16xf32>
        %mul3A_1123 = arith.mulf %get3A_1121, %mul3A_1122 : vector<16xf32>
        %swap3A_1124 = arith.index_cast %add3A_1071 : i32 to index
        %swap3A_1125 = arith.constant 64 : index
        %swap3A_1126 = tpu.vector_load %arg11[%swap3A_1124, %swap3A_1125] {strides = array<i32>} : memref<128x128xf32, #tpu.memory_space<vmem>>, vector<1x16xf32>,
        %swap3A_1127 = vector.shape_cast %swap3A_1126 : vector<1x16xf32> to vector<16xf32>
        %swap3A_1128 = vector.shape_cast %mul3A_1123 : vector<16xf32> to vector<1x16xf32>
        tpu.vector_store %arg11[%swap3A_1124, %swap3A_1125], %swap3A_1128 {strides = array<i32>} : memref<128x128xf32, #tpu.memory_space<vmem>>, vector<1x16xf32>,
        %get3A_1129 = arith.index_cast %add3A_1071 : i32 to index
        %get3A_1130 = arith.constant 80 : index
        %get3A_1131 = tpu.vector_load %arg11[%get3A_1129, %get3A_1130] {strides = array<i32>} : memref<128x128xf32, #tpu.memory_space<vmem>>, vector<1x16xf32>,
        %get3A_1132 = vector.shape_cast %get3A_1131 : vector<1x16xf32> to vector<16xf32>
        %mul3A_1133 = vector.broadcast %squeeze3A_1073 : f32 to vector<16xf32>
        %mul3A_1134 = arith.mulf %get3A_1132, %mul3A_1133 : vector<16xf32>
        %swap3A_1135 = arith.index_cast %add3A_1071 : i32 to index
        %swap3A_1136 = arith.constant 80 : index
        %swap3A_1137 = tpu.vector_load %arg11[%swap3A_1135, %swap3A_1136] {strides = array<i32>} : memref<128x128xf32, #tpu.memory_space<vmem>>, vector<1x16xf32>,
        %swap3A_1138 = vector.shape_cast %swap3A_1137 : vector<1x16xf32> to vector<16xf32>
        %swap3A_1139 = vector.shape_cast %mul3A_1134 : vector<16xf32> to vector<1x16xf32>
        tpu.vector_store %arg11[%swap3A_1135, %swap3A_1136], %swap3A_1139 {strides = array<i32>} : memref<128x128xf32, #tpu.memory_space<vmem>>, vector<1x16xf32>,
        %get3A_1140 = arith.index_cast %add3A_1071 : i32 to index
        %get3A_1141 = arith.constant 96 : index
        %get3A_1142 = tpu.vector_load %arg11[%get3A_1140, %get3A_1141] {strides = array<i32>} : memref<128x128xf32, #tpu.memory_space<vmem>>, vector<1x16xf32>,
        %get3A_1143 = vector.shape_cast %get3A_1142 : vector<1x16xf32> to vector<16xf32>
        %mul3A_1144 = vector.broadcast %squeeze3A_1073 : f32 to vector<16xf32>
        %mul3A_1145 = arith.mulf %get3A_1143, %mul3A_1144 : vector<16xf32>
        %swap3A_1146 = arith.index_cast %add3A_1071 : i32 to index
        %swap3A_1147 = arith.constant 96 : index
        %swap3A_1148 = tpu.vector_load %arg11[%swap3A_1146, %swap3A_1147] {strides = array<i32>} : memref<128x128xf32, #tpu.memory_space<vmem>>, vector<1x16xf32>,
        %swap3A_1149 = vector.shape_cast %swap3A_1148 : vector<1x16xf32> to vector<16xf32>
        %swap3A_1150 = vector.shape_cast %mul3A_1145 : vector<16xf32> to vector<1x16xf32>
        tpu.vector_store %arg11[%swap3A_1146, %swap3A_1147], %swap3A_1150 {strides = array<i32>} : memref<128x128xf32, #tpu.memory_space<vmem>>, vector<1x16xf32>,
        %get3A_1151 = arith.index_cast %add3A_1071 : i32 to index
        %get3A_1152 = arith.constant 112 : index
        %get3A_1153 = tpu.vector_load %arg11[%get3A_1151, %get3A_1152] {strides = array<i32>} : memref<128x128xf32, #tpu.memory_space<vmem>>, vector<1x16xf32>,
        %get3A_1154 = vector.shape_cast %get3A_1153 : vector<1x16xf32> to vector<16xf32>
        %mul3A_1155 = vector.broadcast %squeeze3A_1073 : f32 to vector<16xf32>
        %mul3A_1156 = arith.mulf %get3A_1154, %mul3A_1155 : vector<16xf32>
        %swap3A_1157 = arith.index_cast %add3A_1071 : i32 to index
        %swap3A_1158 = arith.constant 112 : index
        %swap3A_1159 = tpu.vector_load %arg11[%swap3A_1157, %swap3A_1158] {strides = array<i32>} : memref<128x128xf32, #tpu.memory_space<vmem>>, vector<1x16xf32>,
        %swap3A_1160 = vector.shape_cast %swap3A_1159 : vector<1x16xf32> to vector<16xf32>
        %swap3A_1161 = vector.shape_cast %mul3A_1156 : vector<16xf32> to vector<1x16xf32>
        tpu.vector_store %arg11[%swap3A_1157, %swap3A_1158], %swap3A_1161 {strides = array<i32>} : memref<128x128xf32, #tpu.memory_space<vmem>>, vector<1x16xf32>,
        %mul3A_1162 = arith.constant 16 : i32
        %mul3A_1163 = arith.muli %scan3A_31, %mul3A_1162 : i32
        %add3A_1164 = arith.constant 12 : i32
        %add3A_1165 = arith.addi %mul3A_1163, %add3A_1164 : i32
        %slice3A_1166 = vector.extract_strided_slice %get3A_36 {offsets = [12], sizes = [1], strides = [1]} : vector<16xf32> to vector<1xf32>
        %squeeze3A_1167 = vector.extract %slice3A_1166[0] : f32 from vector<1xf32>
        %get3A_1168 = arith.index_cast %add3A_1165 : i32 to index
        %get3A_1169 = arith.constant 0 : index
        %get3A_1170 = tpu.vector_load %arg11[%get3A_1168, %get3A_1169] {strides = array<i32>} : memref<128x128xf32, #tpu.memory_space<vmem>>, vector<1x16xf32>,
        %get3A_1171 = vector.shape_cast %get3A_1170 : vector<1x16xf32> to vector<16xf32>
        %mul3A_1172 = vector.broadcast %squeeze3A_1167 : f32 to vector<16xf32>
        %mul3A_1173 = arith.mulf %get3A_1171, %mul3A_1172 : vector<16xf32>
        %swap3A_1174 = arith.index_cast %add3A_1165 : i32 to index
        %swap3A_1175 = arith.constant 0 : index
        %swap3A_1176 = tpu.vector_load %arg11[%swap3A_1174, %swap3A_1175] {strides = array<i32>} : memref<128x128xf32, #tpu.memory_space<vmem>>, vector<1x16xf32>,
        %swap3A_1177 = vector.shape_cast %swap3A_1176 : vector<1x16xf32> to vector<16xf32>
        %swap3A_1178 = vector.shape_cast %mul3A_1173 : vector<16xf32> to vector<1x16xf32>
        tpu.vector_store %arg11[%swap3A_1174, %swap3A_1175], %swap3A_1178 {strides = array<i32>} : memref<128x128xf32, #tpu.memory_space<vmem>>, vector<1x16xf32>,
        %get3A_1179 = arith.index_cast %add3A_1165 : i32 to index
        %get3A_1180 = arith.constant 16 : index
        %get3A_1181 = tpu.vector_load %arg11[%get3A_1179, %get3A_1180] {strides = array<i32>} : memref<128x128xf32, #tpu.memory_space<vmem>>, vector<1x16xf32>,
        %get3A_1182 = vector.shape_cast %get3A_1181 : vector<1x16xf32> to vector<16xf32>
        %mul3A_1183 = vector.broadcast %squeeze3A_1167 : f32 to vector<16xf32>
        %mul3A_1184 = arith.mulf %get3A_1182, %mul3A_1183 : vector<16xf32>
        %swap3A_1185 = arith.index_cast %add3A_1165 : i32 to index
        %swap3A_1186 = arith.constant 16 : index
        %swap3A_1187 = tpu.vector_load %arg11[%swap3A_1185, %swap3A_1186] {strides = array<i32>} : memref<128x128xf32, #tpu.memory_space<vmem>>, vector<1x16xf32>,
        %swap3A_1188 = vector.shape_cast %swap3A_1187 : vector<1x16xf32> to vector<16xf32>
        %swap3A_1189 = vector.shape_cast %mul3A_1184 : vector<16xf32> to vector<1x16xf32>
        tpu.vector_store %arg11[%swap3A_1185, %swap3A_1186], %swap3A_1189 {strides = array<i32>} : memref<128x128xf32, #tpu.memory_space<vmem>>, vector<1x16xf32>,
        %get3A_1190 = arith.index_cast %add3A_1165 : i32 to index
        %get3A_1191 = arith.constant 32 : index
        %get3A_1192 = tpu.vector_load %arg11[%get3A_1190, %get3A_1191] {strides = array<i32>} : memref<128x128xf32, #tpu.memory_space<vmem>>, vector<1x16xf32>,
        %get3A_1193 = vector.shape_cast %get3A_1192 : vector<1x16xf32> to vector<16xf32>
        %mul3A_1194 = vector.broadcast %squeeze3A_1167 : f32 to vector<16xf32>
        %mul3A_1195 = arith.mulf %get3A_1193, %mul3A_1194 : vector<16xf32>
        %swap3A_1196 = arith.index_cast %add3A_1165 : i32 to index
        %swap3A_1197 = arith.constant 32 : index
        %swap3A_1198 = tpu.vector_load %arg11[%swap3A_1196, %swap3A_1197] {strides = array<i32>} : memref<128x128xf32, #tpu.memory_space<vmem>>, vector<1x16xf32>,
        %swap3A_1199 = vector.shape_cast %swap3A_1198 : vector<1x16xf32> to vector<16xf32>
        %swap3A_1200 = vector.shape_cast %mul3A_1195 : vector<16xf32> to vector<1x16xf32>
        tpu.vector_store %arg11[%swap3A_1196, %swap3A_1197], %swap3A_1200 {strides = array<i32>} : memref<128x128xf32, #tpu.memory_space<vmem>>, vector<1x16xf32>,
        %get3A_1201 = arith.index_cast %add3A_1165 : i32 to index
        %get3A_1202 = arith.constant 48 : index
        %get3A_1203 = tpu.vector_load %arg11[%get3A_1201, %get3A_1202] {strides = array<i32>} : memref<128x128xf32, #tpu.memory_space<vmem>>, vector<1x16xf32>,
        %get3A_1204 = vector.shape_cast %get3A_1203 : vector<1x16xf32> to vector<16xf32>
        %mul3A_1205 = vector.broadcast %squeeze3A_1167 : f32 to vector<16xf32>
        %mul3A_1206 = arith.mulf %get3A_1204, %mul3A_1205 : vector<16xf32>
        %swap3A_1207 = arith.index_cast %add3A_1165 : i32 to index
        %swap3A_1208 = arith.constant 48 : index
        %swap3A_1209 = tpu.vector_load %arg11[%swap3A_1207, %swap3A_1208] {strides = array<i32>} : memref<128x128xf32, #tpu.memory_space<vmem>>, vector<1x16xf32>,
        %swap3A_1210 = vector.shape_cast %swap3A_1209 : vector<1x16xf32> to vector<16xf32>
        %swap3A_1211 = vector.shape_cast %mul3A_1206 : vector<16xf32> to vector<1x16xf32>
        tpu.vector_store %arg11[%swap3A_1207, %swap3A_1208], %swap3A_1211 {strides = array<i32>} : memref<128x128xf32, #tpu.memory_space<vmem>>, vector<1x16xf32>,
        %get3A_1212 = arith.index_cast %add3A_1165 : i32 to index
        %get3A_1213 = arith.constant 64 : index
        %get3A_1214 = tpu.vector_load %arg11[%get3A_1212, %get3A_1213] {strides = array<i32>} : memref<128x128xf32, #tpu.memory_space<vmem>>, vector<1x16xf32>,
        %get3A_1215 = vector.shape_cast %get3A_1214 : vector<1x16xf32> to vector<16xf32>
        %mul3A_1216 = vector.broadcast %squeeze3A_1167 : f32 to vector<16xf32>
        %mul3A_1217 = arith.mulf %get3A_1215, %mul3A_1216 : vector<16xf32>
        %swap3A_1218 = arith.index_cast %add3A_1165 : i32 to index
        %swap3A_1219 = arith.constant 64 : index
        %swap3A_1220 = tpu.vector_load %arg11[%swap3A_1218, %swap3A_1219] {strides = array<i32>} : memref<128x128xf32, #tpu.memory_space<vmem>>, vector<1x16xf32>,
        %swap3A_1221 = vector.shape_cast %swap3A_1220 : vector<1x16xf32> to vector<16xf32>
        %swap3A_1222 = vector.shape_cast %mul3A_1217 : vector<16xf32> to vector<1x16xf32>
        tpu.vector_store %arg11[%swap3A_1218, %swap3A_1219], %swap3A_1222 {strides = array<i32>} : memref<128x128xf32, #tpu.memory_space<vmem>>, vector<1x16xf32>,
        %get3A_1223 = arith.index_cast %add3A_1165 : i32 to index
        %get3A_1224 = arith.constant 80 : index
        %get3A_1225 = tpu.vector_load %arg11[%get3A_1223, %get3A_1224] {strides = array<i32>} : memref<128x128xf32, #tpu.memory_space<vmem>>, vector<1x16xf32>,
        %get3A_1226 = vector.shape_cast %get3A_1225 : vector<1x16xf32> to vector<16xf32>
        %mul3A_1227 = vector.broadcast %squeeze3A_1167 : f32 to vector<16xf32>
        %mul3A_1228 = arith.mulf %get3A_1226, %mul3A_1227 : vector<16xf32>
        %swap3A_1229 = arith.index_cast %add3A_1165 : i32 to index
        %swap3A_1230 = arith.constant 80 : index
        %swap3A_1231 = tpu.vector_load %arg11[%swap3A_1229, %swap3A_1230] {strides = array<i32>} : memref<128x128xf32, #tpu.memory_space<vmem>>, vector<1x16xf32>,
        %swap3A_1232 = vector.shape_cast %swap3A_1231 : vector<1x16xf32> to vector<16xf32>
        %swap3A_1233 = vector.shape_cast %mul3A_1228 : vector<16xf32> to vector<1x16xf32>
        tpu.vector_store %arg11[%swap3A_1229, %swap3A_1230], %swap3A_1233 {strides = array<i32>} : memref<128x128xf32, #tpu.memory_space<vmem>>, vector<1x16xf32>,
        %get3A_1234 = arith.index_cast %add3A_1165 : i32 to index
        %get3A_1235 = arith.constant 96 : index
        %get3A_1236 = tpu.vector_load %arg11[%get3A_1234, %get3A_1235] {strides = array<i32>} : memref<128x128xf32, #tpu.memory_space<vmem>>, vector<1x16xf32>,
        %get3A_1237 = vector.shape_cast %get3A_1236 : vector<1x16xf32> to vector<16xf32>
        %mul3A_1238 = vector.broadcast %squeeze3A_1167 : f32 to vector<16xf32>
        %mul3A_1239 = arith.mulf %get3A_1237, %mul3A_1238 : vector<16xf32>
        %swap3A_1240 = arith.index_cast %add3A_1165 : i32 to index
        %swap3A_1241 = arith.constant 96 : index
        %swap3A_1242 = tpu.vector_load %arg11[%swap3A_1240, %swap3A_1241] {strides = array<i32>} : memref<128x128xf32, #tpu.memory_space<vmem>>, vector<1x16xf32>,
        %swap3A_1243 = vector.shape_cast %swap3A_1242 : vector<1x16xf32> to vector<16xf32>
        %swap3A_1244 = vector.shape_cast %mul3A_1239 : vector<16xf32> to vector<1x16xf32>
        tpu.vector_store %arg11[%swap3A_1240, %swap3A_1241], %swap3A_1244 {strides = array<i32>} : memref<128x128xf32, #tpu.memory_space<vmem>>, vector<1x16xf32>,
        %get3A_1245 = arith.index_cast %add3A_1165 : i32 to index
        %get3A_1246 = arith.constant 112 : index
        %get3A_1247 = tpu.vector_load %arg11[%get3A_1245, %get3A_1246] {strides = array<i32>} : memref<128x128xf32, #tpu.memory_space<vmem>>, vector<1x16xf32>,
        %get3A_1248 = vector.shape_cast %get3A_1247 : vector<1x16xf32> to vector<16xf32>
        %mul3A_1249 = vector.broadcast %squeeze3A_1167 : f32 to vector<16xf32>
        %mul3A_1250 = arith.mulf %get3A_1248, %mul3A_1249 : vector<16xf32>
        %swap3A_1251 = arith.index_cast %add3A_1165 : i32 to index
        %swap3A_1252 = arith.constant 112 : index
        %swap3A_1253 = tpu.vector_load %arg11[%swap3A_1251, %swap3A_1252] {strides = array<i32>} : memref<128x128xf32, #tpu.memory_space<vmem>>, vector<1x16xf32>,
        %swap3A_1254 = vector.shape_cast %swap3A_1253 : vector<1x16xf32> to vector<16xf32>
        %swap3A_1255 = vector.shape_cast %mul3A_1250 : vector<16xf32> to vector<1x16xf32>
        tpu.vector_store %arg11[%swap3A_1251, %swap3A_1252], %swap3A_1255 {strides = array<i32>} : memref<128x128xf32, #tpu.memory_space<vmem>>, vector<1x16xf32>,
        %mul3A_1256 = arith.constant 16 : i32
        %mul3A_1257 = arith.muli %scan3A_31, %mul3A_1256 : i32
        %add3A_1258 = arith.constant 13 : i32
        %add3A_1259 = arith.addi %mul3A_1257, %add3A_1258 : i32
        %slice3A_1260 = vector.extract_strided_slice %get3A_36 {offsets = [13], sizes = [1], strides = [1]} : vector<16xf32> to vector<1xf32>
        %squeeze3A_1261 = vector.extract %slice3A_1260[0] : f32 from vector<1xf32>
        %get3A_1262 = arith.index_cast %add3A_1259 : i32 to index
        %get3A_1263 = arith.constant 0 : index
        %get3A_1264 = tpu.vector_load %arg11[%get3A_1262, %get3A_1263] {strides = array<i32>} : memref<128x128xf32, #tpu.memory_space<vmem>>, vector<1x16xf32>,
        %get3A_1265 = vector.shape_cast %get3A_1264 : vector<1x16xf32> to vector<16xf32>
        %mul3A_1266 = vector.broadcast %squeeze3A_1261 : f32 to vector<16xf32>
        %mul3A_1267 = arith.mulf %get3A_1265, %mul3A_1266 : vector<16xf32>
        %swap3A_1268 = arith.index_cast %add3A_1259 : i32 to index
        %swap3A_1269 = arith.constant 0 : index
        %swap3A_1270 = tpu.vector_load %arg11[%swap3A_1268, %swap3A_1269] {strides = array<i32>} : memref<128x128xf32, #tpu.memory_space<vmem>>, vector<1x16xf32>,
        %swap3A_1271 = vector.shape_cast %swap3A_1270 : vector<1x16xf32> to vector<16xf32>
        %swap3A_1272 = vector.shape_cast %mul3A_1267 : vector<16xf32> to vector<1x16xf32>
        tpu.vector_store %arg11[%swap3A_1268, %swap3A_1269], %swap3A_1272 {strides = array<i32>} : memref<128x128xf32, #tpu.memory_space<vmem>>, vector<1x16xf32>,
        %get3A_1273 = arith.index_cast %add3A_1259 : i32 to index
        %get3A_1274 = arith.constant 16 : index
        %get3A_1275 = tpu.vector_load %arg11[%get3A_1273, %get3A_1274] {strides = array<i32>} : memref<128x128xf32, #tpu.memory_space<vmem>>, vector<1x16xf32>,
        %get3A_1276 = vector.shape_cast %get3A_1275 : vector<1x16xf32> to vector<16xf32>
        %mul3A_1277 = vector.broadcast %squeeze3A_1261 : f32 to vector<16xf32>
        %mul3A_1278 = arith.mulf %get3A_1276, %mul3A_1277 : vector<16xf32>
        %swap3A_1279 = arith.index_cast %add3A_1259 : i32 to index
        %swap3A_1280 = arith.constant 16 : index
        %swap3A_1281 = tpu.vector_load %arg11[%swap3A_1279, %swap3A_1280] {strides = array<i32>} : memref<128x128xf32, #tpu.memory_space<vmem>>, vector<1x16xf32>,
        %swap3A_1282 = vector.shape_cast %swap3A_1281 : vector<1x16xf32> to vector<16xf32>
        %swap3A_1283 = vector.shape_cast %mul3A_1278 : vector<16xf32> to vector<1x16xf32>
        tpu.vector_store %arg11[%swap3A_1279, %swap3A_1280], %swap3A_1283 {strides = array<i32>} : memref<128x128xf32, #tpu.memory_space<vmem>>, vector<1x16xf32>,
        %get3A_1284 = arith.index_cast %add3A_1259 : i32 to index
        %get3A_1285 = arith.constant 32 : index
        %get3A_1286 = tpu.vector_load %arg11[%get3A_1284, %get3A_1285] {strides = array<i32>} : memref<128x128xf32, #tpu.memory_space<vmem>>, vector<1x16xf32>,
        %get3A_1287 = vector.shape_cast %get3A_1286 : vector<1x16xf32> to vector<16xf32>
        %mul3A_1288 = vector.broadcast %squeeze3A_1261 : f32 to vector<16xf32>
        %mul3A_1289 = arith.mulf %get3A_1287, %mul3A_1288 : vector<16xf32>
        %swap3A_1290 = arith.index_cast %add3A_1259 : i32 to index
        %swap3A_1291 = arith.constant 32 : index
        %swap3A_1292 = tpu.vector_load %arg11[%swap3A_1290, %swap3A_1291] {strides = array<i32>} : memref<128x128xf32, #tpu.memory_space<vmem>>, vector<1x16xf32>,
        %swap3A_1293 = vector.shape_cast %swap3A_1292 : vector<1x16xf32> to vector<16xf32>
        %swap3A_1294 = vector.shape_cast %mul3A_1289 : vector<16xf32> to vector<1x16xf32>
        tpu.vector_store %arg11[%swap3A_1290, %swap3A_1291], %swap3A_1294 {strides = array<i32>} : memref<128x128xf32, #tpu.memory_space<vmem>>, vector<1x16xf32>,
        %get3A_1295 = arith.index_cast %add3A_1259 : i32 to index
        %get3A_1296 = arith.constant 48 : index
        %get3A_1297 = tpu.vector_load %arg11[%get3A_1295, %get3A_1296] {strides = array<i32>} : memref<128x128xf32, #tpu.memory_space<vmem>>, vector<1x16xf32>,
        %get3A_1298 = vector.shape_cast %get3A_1297 : vector<1x16xf32> to vector<16xf32>
        %mul3A_1299 = vector.broadcast %squeeze3A_1261 : f32 to vector<16xf32>
        %mul3A_1300 = arith.mulf %get3A_1298, %mul3A_1299 : vector<16xf32>
        %swap3A_1301 = arith.index_cast %add3A_1259 : i32 to index
        %swap3A_1302 = arith.constant 48 : index
        %swap3A_1303 = tpu.vector_load %arg11[%swap3A_1301, %swap3A_1302] {strides = array<i32>} : memref<128x128xf32, #tpu.memory_space<vmem>>, vector<1x16xf32>,
        %swap3A_1304 = vector.shape_cast %swap3A_1303 : vector<1x16xf32> to vector<16xf32>
        %swap3A_1305 = vector.shape_cast %mul3A_1300 : vector<16xf32> to vector<1x16xf32>
        tpu.vector_store %arg11[%swap3A_1301, %swap3A_1302], %swap3A_1305 {strides = array<i32>} : memref<128x128xf32, #tpu.memory_space<vmem>>, vector<1x16xf32>,
        %get3A_1306 = arith.index_cast %add3A_1259 : i32 to index
        %get3A_1307 = arith.constant 64 : index
        %get3A_1308 = tpu.vector_load %arg11[%get3A_1306, %get3A_1307] {strides = array<i32>} : memref<128x128xf32, #tpu.memory_space<vmem>>, vector<1x16xf32>,
        %get3A_1309 = vector.shape_cast %get3A_1308 : vector<1x16xf32> to vector<16xf32>
        %mul3A_1310 = vector.broadcast %squeeze3A_1261 : f32 to vector<16xf32>
        %mul3A_1311 = arith.mulf %get3A_1309, %mul3A_1310 : vector<16xf32>
        %swap3A_1312 = arith.index_cast %add3A_1259 : i32 to index
        %swap3A_1313 = arith.constant 64 : index
        %swap3A_1314 = tpu.vector_load %arg11[%swap3A_1312, %swap3A_1313] {strides = array<i32>} : memref<128x128xf32, #tpu.memory_space<vmem>>, vector<1x16xf32>,
        %swap3A_1315 = vector.shape_cast %swap3A_1314 : vector<1x16xf32> to vector<16xf32>
        %swap3A_1316 = vector.shape_cast %mul3A_1311 : vector<16xf32> to vector<1x16xf32>
        tpu.vector_store %arg11[%swap3A_1312, %swap3A_1313], %swap3A_1316 {strides = array<i32>} : memref<128x128xf32, #tpu.memory_space<vmem>>, vector<1x16xf32>,
        %get3A_1317 = arith.index_cast %add3A_1259 : i32 to index
        %get3A_1318 = arith.constant 80 : index
        %get3A_1319 = tpu.vector_load %arg11[%get3A_1317, %get3A_1318] {strides = array<i32>} : memref<128x128xf32, #tpu.memory_space<vmem>>, vector<1x16xf32>,
        %get3A_1320 = vector.shape_cast %get3A_1319 : vector<1x16xf32> to vector<16xf32>
        %mul3A_1321 = vector.broadcast %squeeze3A_1261 : f32 to vector<16xf32>
        %mul3A_1322 = arith.mulf %get3A_1320, %mul3A_1321 : vector<16xf32>
        %swap3A_1323 = arith.index_cast %add3A_1259 : i32 to index
        %swap3A_1324 = arith.constant 80 : index
        %swap3A_1325 = tpu.vector_load %arg11[%swap3A_1323, %swap3A_1324] {strides = array<i32>} : memref<128x128xf32, #tpu.memory_space<vmem>>, vector<1x16xf32>,
        %swap3A_1326 = vector.shape_cast %swap3A_1325 : vector<1x16xf32> to vector<16xf32>
        %swap3A_1327 = vector.shape_cast %mul3A_1322 : vector<16xf32> to vector<1x16xf32>
        tpu.vector_store %arg11[%swap3A_1323, %swap3A_1324], %swap3A_1327 {strides = array<i32>} : memref<128x128xf32, #tpu.memory_space<vmem>>, vector<1x16xf32>,
        %get3A_1328 = arith.index_cast %add3A_1259 : i32 to index
        %get3A_1329 = arith.constant 96 : index
        %get3A_1330 = tpu.vector_load %arg11[%get3A_1328, %get3A_1329] {strides = array<i32>} : memref<128x128xf32, #tpu.memory_space<vmem>>, vector<1x16xf32>,
        %get3A_1331 = vector.shape_cast %get3A_1330 : vector<1x16xf32> to vector<16xf32>
        %mul3A_1332 = vector.broadcast %squeeze3A_1261 : f32 to vector<16xf32>
        %mul3A_1333 = arith.mulf %get3A_1331, %mul3A_1332 : vector<16xf32>
        %swap3A_1334 = arith.index_cast %add3A_1259 : i32 to index
        %swap3A_1335 = arith.constant 96 : index
        %swap3A_1336 = tpu.vector_load %arg11[%swap3A_1334, %swap3A_1335] {strides = array<i32>} : memref<128x128xf32, #tpu.memory_space<vmem>>, vector<1x16xf32>,
        %swap3A_1337 = vector.shape_cast %swap3A_1336 : vector<1x16xf32> to vector<16xf32>
        %swap3A_1338 = vector.shape_cast %mul3A_1333 : vector<16xf32> to vector<1x16xf32>
        tpu.vector_store %arg11[%swap3A_1334, %swap3A_1335], %swap3A_1338 {strides = array<i32>} : memref<128x128xf32, #tpu.memory_space<vmem>>, vector<1x16xf32>,
        %get3A_1339 = arith.index_cast %add3A_1259 : i32 to index
        %get3A_1340 = arith.constant 112 : index
        %get3A_1341 = tpu.vector_load %arg11[%get3A_1339, %get3A_1340] {strides = array<i32>} : memref<128x128xf32, #tpu.memory_space<vmem>>, vector<1x16xf32>,
        %get3A_1342 = vector.shape_cast %get3A_1341 : vector<1x16xf32> to vector<16xf32>
        %mul3A_1343 = vector.broadcast %squeeze3A_1261 : f32 to vector<16xf32>
        %mul3A_1344 = arith.mulf %get3A_1342, %mul3A_1343 : vector<16xf32>
        %swap3A_1345 = arith.index_cast %add3A_1259 : i32 to index
        %swap3A_1346 = arith.constant 112 : index
        %swap3A_1347 = tpu.vector_load %arg11[%swap3A_1345, %swap3A_1346] {strides = array<i32>} : memref<128x128xf32, #tpu.memory_space<vmem>>, vector<1x16xf32>,
        %swap3A_1348 = vector.shape_cast %swap3A_1347 : vector<1x16xf32> to vector<16xf32>
        %swap3A_1349 = vector.shape_cast %mul3A_1344 : vector<16xf32> to vector<1x16xf32>
        tpu.vector_store %arg11[%swap3A_1345, %swap3A_1346], %swap3A_1349 {strides = array<i32>} : memref<128x128xf32, #tpu.memory_space<vmem>>, vector<1x16xf32>,
        %mul3A_1350 = arith.constant 16 : i32
        %mul3A_1351 = arith.muli %scan3A_31, %mul3A_1350 : i32
        %add3A_1352 = arith.constant 14 : i32
        %add3A_1353 = arith.addi %mul3A_1351, %add3A_1352 : i32
        %slice3A_1354 = vector.extract_strided_slice %get3A_36 {offsets = [14], sizes = [1], strides = [1]} : vector<16xf32> to vector<1xf32>
        %squeeze3A_1355 = vector.extract %slice3A_1354[0] : f32 from vector<1xf32>
        %get3A_1356 = arith.index_cast %add3A_1353 : i32 to index
        %get3A_1357 = arith.constant 0 : index
        %get3A_1358 = tpu.vector_load %arg11[%get3A_1356, %get3A_1357] {strides = array<i32>} : memref<128x128xf32, #tpu.memory_space<vmem>>, vector<1x16xf32>,
        %get3A_1359 = vector.shape_cast %get3A_1358 : vector<1x16xf32> to vector<16xf32>
        %mul3A_1360 = vector.broadcast %squeeze3A_1355 : f32 to vector<16xf32>
        %mul3A_1361 = arith.mulf %get3A_1359, %mul3A_1360 : vector<16xf32>
        %swap3A_1362 = arith.index_cast %add3A_1353 : i32 to index
        %swap3A_1363 = arith.constant 0 : index
        %swap3A_1364 = tpu.vector_load %arg11[%swap3A_1362, %swap3A_1363] {strides = array<i32>} : memref<128x128xf32, #tpu.memory_space<vmem>>, vector<1x16xf32>,
        %swap3A_1365 = vector.shape_cast %swap3A_1364 : vector<1x16xf32> to vector<16xf32>
        %swap3A_1366 = vector.shape_cast %mul3A_1361 : vector<16xf32> to vector<1x16xf32>
        tpu.vector_store %arg11[%swap3A_1362, %swap3A_1363], %swap3A_1366 {strides = array<i32>} : memref<128x128xf32, #tpu.memory_space<vmem>>, vector<1x16xf32>,
        %get3A_1367 = arith.index_cast %add3A_1353 : i32 to index
        %get3A_1368 = arith.constant 16 : index
        %get3A_1369 = tpu.vector_load %arg11[%get3A_1367, %get3A_1368] {strides = array<i32>} : memref<128x128xf32, #tpu.memory_space<vmem>>, vector<1x16xf32>,
        %get3A_1370 = vector.shape_cast %get3A_1369 : vector<1x16xf32> to vector<16xf32>
        %mul3A_1371 = vector.broadcast %squeeze3A_1355 : f32 to vector<16xf32>
        %mul3A_1372 = arith.mulf %get3A_1370, %mul3A_1371 : vector<16xf32>
        %swap3A_1373 = arith.index_cast %add3A_1353 : i32 to index
        %swap3A_1374 = arith.constant 16 : index
        %swap3A_1375 = tpu.vector_load %arg11[%swap3A_1373, %swap3A_1374] {strides = array<i32>} : memref<128x128xf32, #tpu.memory_space<vmem>>, vector<1x16xf32>,
        %swap3A_1376 = vector.shape_cast %swap3A_1375 : vector<1x16xf32> to vector<16xf32>
        %swap3A_1377 = vector.shape_cast %mul3A_1372 : vector<16xf32> to vector<1x16xf32>
        tpu.vector_store %arg11[%swap3A_1373, %swap3A_1374], %swap3A_1377 {strides = array<i32>} : memref<128x128xf32, #tpu.memory_space<vmem>>, vector<1x16xf32>,
        %get3A_1378 = arith.index_cast %add3A_1353 : i32 to index
        %get3A_1379 = arith.constant 32 : index
        %get3A_1380 = tpu.vector_load %arg11[%get3A_1378, %get3A_1379] {strides = array<i32>} : memref<128x128xf32, #tpu.memory_space<vmem>>, vector<1x16xf32>,
        %get3A_1381 = vector.shape_cast %get3A_1380 : vector<1x16xf32> to vector<16xf32>
        %mul3A_1382 = vector.broadcast %squeeze3A_1355 : f32 to vector<16xf32>
        %mul3A_1383 = arith.mulf %get3A_1381, %mul3A_1382 : vector<16xf32>
        %swap3A_1384 = arith.index_cast %add3A_1353 : i32 to index
        %swap3A_1385 = arith.constant 32 : index
        %swap3A_1386 = tpu.vector_load %arg11[%swap3A_1384, %swap3A_1385] {strides = array<i32>} : memref<128x128xf32, #tpu.memory_space<vmem>>, vector<1x16xf32>,
        %swap3A_1387 = vector.shape_cast %swap3A_1386 : vector<1x16xf32> to vector<16xf32>
        %swap3A_1388 = vector.shape_cast %mul3A_1383 : vector<16xf32> to vector<1x16xf32>
        tpu.vector_store %arg11[%swap3A_1384, %swap3A_1385], %swap3A_1388 {strides = array<i32>} : memref<128x128xf32, #tpu.memory_space<vmem>>, vector<1x16xf32>,
        %get3A_1389 = arith.index_cast %add3A_1353 : i32 to index
        %get3A_1390 = arith.constant 48 : index
        %get3A_1391 = tpu.vector_load %arg11[%get3A_1389, %get3A_1390] {strides = array<i32>} : memref<128x128xf32, #tpu.memory_space<vmem>>, vector<1x16xf32>,
        %get3A_1392 = vector.shape_cast %get3A_1391 : vector<1x16xf32> to vector<16xf32>
        %mul3A_1393 = vector.broadcast %squeeze3A_1355 : f32 to vector<16xf32>
        %mul3A_1394 = arith.mulf %get3A_1392, %mul3A_1393 : vector<16xf32>
        %swap3A_1395 = arith.index_cast %add3A_1353 : i32 to index
        %swap3A_1396 = arith.constant 48 : index
        %swap3A_1397 = tpu.vector_load %arg11[%swap3A_1395, %swap3A_1396] {strides = array<i32>} : memref<128x128xf32, #tpu.memory_space<vmem>>, vector<1x16xf32>,
        %swap3A_1398 = vector.shape_cast %swap3A_1397 : vector<1x16xf32> to vector<16xf32>
        %swap3A_1399 = vector.shape_cast %mul3A_1394 : vector<16xf32> to vector<1x16xf32>
        tpu.vector_store %arg11[%swap3A_1395, %swap3A_1396], %swap3A_1399 {strides = array<i32>} : memref<128x128xf32, #tpu.memory_space<vmem>>, vector<1x16xf32>,
        %get3A_1400 = arith.index_cast %add3A_1353 : i32 to index
        %get3A_1401 = arith.constant 64 : index
        %get3A_1402 = tpu.vector_load %arg11[%get3A_1400, %get3A_1401] {strides = array<i32>} : memref<128x128xf32, #tpu.memory_space<vmem>>, vector<1x16xf32>,
        %get3A_1403 = vector.shape_cast %get3A_1402 : vector<1x16xf32> to vector<16xf32>
        %mul3A_1404 = vector.broadcast %squeeze3A_1355 : f32 to vector<16xf32>
        %mul3A_1405 = arith.mulf %get3A_1403, %mul3A_1404 : vector<16xf32>
        %swap3A_1406 = arith.index_cast %add3A_1353 : i32 to index
        %swap3A_1407 = arith.constant 64 : index
        %swap3A_1408 = tpu.vector_load %arg11[%swap3A_1406, %swap3A_1407] {strides = array<i32>} : memref<128x128xf32, #tpu.memory_space<vmem>>, vector<1x16xf32>,
        %swap3A_1409 = vector.shape_cast %swap3A_1408 : vector<1x16xf32> to vector<16xf32>
        %swap3A_1410 = vector.shape_cast %mul3A_1405 : vector<16xf32> to vector<1x16xf32>
        tpu.vector_store %arg11[%swap3A_1406, %swap3A_1407], %swap3A_1410 {strides = array<i32>} : memref<128x128xf32, #tpu.memory_space<vmem>>, vector<1x16xf32>,
        %get3A_1411 = arith.index_cast %add3A_1353 : i32 to index
        %get3A_1412 = arith.constant 80 : index
        %get3A_1413 = tpu.vector_load %arg11[%get3A_1411, %get3A_1412] {strides = array<i32>} : memref<128x128xf32, #tpu.memory_space<vmem>>, vector<1x16xf32>,
        %get3A_1414 = vector.shape_cast %get3A_1413 : vector<1x16xf32> to vector<16xf32>
        %mul3A_1415 = vector.broadcast %squeeze3A_1355 : f32 to vector<16xf32>
        %mul3A_1416 = arith.mulf %get3A_1414, %mul3A_1415 : vector<16xf32>
        %swap3A_1417 = arith.index_cast %add3A_1353 : i32 to index
        %swap3A_1418 = arith.constant 80 : index
        %swap3A_1419 = tpu.vector_load %arg11[%swap3A_1417, %swap3A_1418] {strides = array<i32>} : memref<128x128xf32, #tpu.memory_space<vmem>>, vector<1x16xf32>,
        %swap3A_1420 = vector.shape_cast %swap3A_1419 : vector<1x16xf32> to vector<16xf32>
        %swap3A_1421 = vector.shape_cast %mul3A_1416 : vector<16xf32> to vector<1x16xf32>
        tpu.vector_store %arg11[%swap3A_1417, %swap3A_1418], %swap3A_1421 {strides = array<i32>} : memref<128x128xf32, #tpu.memory_space<vmem>>, vector<1x16xf32>,
        %get3A_1422 = arith.index_cast %add3A_1353 : i32 to index
        %get3A_1423 = arith.constant 96 : index
        %get3A_1424 = tpu.vector_load %arg11[%get3A_1422, %get3A_1423] {strides = array<i32>} : memref<128x128xf32, #tpu.memory_space<vmem>>, vector<1x16xf32>,
        %get3A_1425 = vector.shape_cast %get3A_1424 : vector<1x16xf32> to vector<16xf32>
        %mul3A_1426 = vector.broadcast %squeeze3A_1355 : f32 to vector<16xf32>
        %mul3A_1427 = arith.mulf %get3A_1425, %mul3A_1426 : vector<16xf32>
        %swap3A_1428 = arith.index_cast %add3A_1353 : i32 to index
        %swap3A_1429 = arith.constant 96 : index
        %swap3A_1430 = tpu.vector_load %arg11[%swap3A_1428, %swap3A_1429] {strides = array<i32>} : memref<128x128xf32, #tpu.memory_space<vmem>>, vector<1x16xf32>,
        %swap3A_1431 = vector.shape_cast %swap3A_1430 : vector<1x16xf32> to vector<16xf32>
        %swap3A_1432 = vector.shape_cast %mul3A_1427 : vector<16xf32> to vector<1x16xf32>
        tpu.vector_store %arg11[%swap3A_1428, %swap3A_1429], %swap3A_1432 {strides = array<i32>} : memref<128x128xf32, #tpu.memory_space<vmem>>, vector<1x16xf32>,
        %get3A_1433 = arith.index_cast %add3A_1353 : i32 to index
        %get3A_1434 = arith.constant 112 : index
        %get3A_1435 = tpu.vector_load %arg11[%get3A_1433, %get3A_1434] {strides = array<i32>} : memref<128x128xf32, #tpu.memory_space<vmem>>, vector<1x16xf32>,
        %get3A_1436 = vector.shape_cast %get3A_1435 : vector<1x16xf32> to vector<16xf32>
        %mul3A_1437 = vector.broadcast %squeeze3A_1355 : f32 to vector<16xf32>
        %mul3A_1438 = arith.mulf %get3A_1436, %mul3A_1437 : vector<16xf32>
        %swap3A_1439 = arith.index_cast %add3A_1353 : i32 to index
        %swap3A_1440 = arith.constant 112 : index
        %swap3A_1441 = tpu.vector_load %arg11[%swap3A_1439, %swap3A_1440] {strides = array<i32>} : memref<128x128xf32, #tpu.memory_space<vmem>>, vector<1x16xf32>,
        %swap3A_1442 = vector.shape_cast %swap3A_1441 : vector<1x16xf32> to vector<16xf32>
        %swap3A_1443 = vector.shape_cast %mul3A_1438 : vector<16xf32> to vector<1x16xf32>
        tpu.vector_store %arg11[%swap3A_1439, %swap3A_1440], %swap3A_1443 {strides = array<i32>} : memref<128x128xf32, #tpu.memory_space<vmem>>, vector<1x16xf32>,
        %mul3A_1444 = arith.constant 16 : i32
        %mul3A_1445 = arith.muli %scan3A_31, %mul3A_1444 : i32
        %add3A_1446 = arith.constant 15 : i32
        %add3A_1447 = arith.addi %mul3A_1445, %add3A_1446 : i32
        %slice3A_1448 = vector.extract_strided_slice %get3A_36 {offsets = [15], sizes = [1], strides = [1]} : vector<16xf32> to vector<1xf32>
        %squeeze3A_1449 = vector.extract %slice3A_1448[0] : f32 from vector<1xf32>
        %get3A_1450 = arith.index_cast %add3A_1447 : i32 to index
        %get3A_1451 = arith.constant 0 : index
        %get3A_1452 = tpu.vector_load %arg11[%get3A_1450, %get3A_1451] {strides = array<i32>} : memref<128x128xf32, #tpu.memory_space<vmem>>, vector<1x16xf32>,
        %get3A_1453 = vector.shape_cast %get3A_1452 : vector<1x16xf32> to vector<16xf32>
        %mul3A_1454 = vector.broadcast %squeeze3A_1449 : f32 to vector<16xf32>
        %mul3A_1455 = arith.mulf %get3A_1453, %mul3A_1454 : vector<16xf32>
        %swap3A_1456 = arith.index_cast %add3A_1447 : i32 to index
        %swap3A_1457 = arith.constant 0 : index
        %swap3A_1458 = tpu.vector_load %arg11[%swap3A_1456, %swap3A_1457] {strides = array<i32>} : memref<128x128xf32, #tpu.memory_space<vmem>>, vector<1x16xf32>,
        %swap3A_1459 = vector.shape_cast %swap3A_1458 : vector<1x16xf32> to vector<16xf32>
        %swap3A_1460 = vector.shape_cast %mul3A_1455 : vector<16xf32> to vector<1x16xf32>
        tpu.vector_store %arg11[%swap3A_1456, %swap3A_1457], %swap3A_1460 {strides = array<i32>} : memref<128x128xf32, #tpu.memory_space<vmem>>, vector<1x16xf32>,
        %get3A_1461 = arith.index_cast %add3A_1447 : i32 to index
        %get3A_1462 = arith.constant 16 : index
        %get3A_1463 = tpu.vector_load %arg11[%get3A_1461, %get3A_1462] {strides = array<i32>} : memref<128x128xf32, #tpu.memory_space<vmem>>, vector<1x16xf32>,
        %get3A_1464 = vector.shape_cast %get3A_1463 : vector<1x16xf32> to vector<16xf32>
        %mul3A_1465 = vector.broadcast %squeeze3A_1449 : f32 to vector<16xf32>
        %mul3A_1466 = arith.mulf %get3A_1464, %mul3A_1465 : vector<16xf32>
        %swap3A_1467 = arith.index_cast %add3A_1447 : i32 to index
        %swap3A_1468 = arith.constant 16 : index
        %swap3A_1469 = tpu.vector_load %arg11[%swap3A_1467, %swap3A_1468] {strides = array<i32>} : memref<128x128xf32, #tpu.memory_space<vmem>>, vector<1x16xf32>,
        %swap3A_1470 = vector.shape_cast %swap3A_1469 : vector<1x16xf32> to vector<16xf32>
        %swap3A_1471 = vector.shape_cast %mul3A_1466 : vector<16xf32> to vector<1x16xf32>
        tpu.vector_store %arg11[%swap3A_1467, %swap3A_1468], %swap3A_1471 {strides = array<i32>} : memref<128x128xf32, #tpu.memory_space<vmem>>, vector<1x16xf32>,
        %get3A_1472 = arith.index_cast %add3A_1447 : i32 to index
        %get3A_1473 = arith.constant 32 : index
        %get3A_1474 = tpu.vector_load %arg11[%get3A_1472, %get3A_1473] {strides = array<i32>} : memref<128x128xf32, #tpu.memory_space<vmem>>, vector<1x16xf32>,
        %get3A_1475 = vector.shape_cast %get3A_1474 : vector<1x16xf32> to vector<16xf32>
        %mul3A_1476 = vector.broadcast %squeeze3A_1449 : f32 to vector<16xf32>
        %mul3A_1477 = arith.mulf %get3A_1475, %mul3A_1476 : vector<16xf32>
        %swap3A_1478 = arith.index_cast %add3A_1447 : i32 to index
        %swap3A_1479 = arith.constant 32 : index
        %swap3A_1480 = tpu.vector_load %arg11[%swap3A_1478, %swap3A_1479] {strides = array<i32>} : memref<128x128xf32, #tpu.memory_space<vmem>>, vector<1x16xf32>,
        %swap3A_1481 = vector.shape_cast %swap3A_1480 : vector<1x16xf32> to vector<16xf32>
        %swap3A_1482 = vector.shape_cast %mul3A_1477 : vector<16xf32> to vector<1x16xf32>
        tpu.vector_store %arg11[%swap3A_1478, %swap3A_1479], %swap3A_1482 {strides = array<i32>} : memref<128x128xf32, #tpu.memory_space<vmem>>, vector<1x16xf32>,
        %get3A_1483 = arith.index_cast %add3A_1447 : i32 to index
        %get3A_1484 = arith.constant 48 : index
        %get3A_1485 = tpu.vector_load %arg11[%get3A_1483, %get3A_1484] {strides = array<i32>} : memref<128x128xf32, #tpu.memory_space<vmem>>, vector<1x16xf32>,
        %get3A_1486 = vector.shape_cast %get3A_1485 : vector<1x16xf32> to vector<16xf32>
        %mul3A_1487 = vector.broadcast %squeeze3A_1449 : f32 to vector<16xf32>
        %mul3A_1488 = arith.mulf %get3A_1486, %mul3A_1487 : vector<16xf32>
        %swap3A_1489 = arith.index_cast %add3A_1447 : i32 to index
        %swap3A_1490 = arith.constant 48 : index
        %swap3A_1491 = tpu.vector_load %arg11[%swap3A_1489, %swap3A_1490] {strides = array<i32>} : memref<128x128xf32, #tpu.memory_space<vmem>>, vector<1x16xf32>,
        %swap3A_1492 = vector.shape_cast %swap3A_1491 : vector<1x16xf32> to vector<16xf32>
        %swap3A_1493 = vector.shape_cast %mul3A_1488 : vector<16xf32> to vector<1x16xf32>
        tpu.vector_store %arg11[%swap3A_1489, %swap3A_1490], %swap3A_1493 {strides = array<i32>} : memref<128x128xf32, #tpu.memory_space<vmem>>, vector<1x16xf32>,
        %get3A_1494 = arith.index_cast %add3A_1447 : i32 to index
        %get3A_1495 = arith.constant 64 : index
        %get3A_1496 = tpu.vector_load %arg11[%get3A_1494, %get3A_1495] {strides = array<i32>} : memref<128x128xf32, #tpu.memory_space<vmem>>, vector<1x16xf32>,
        %get3A_1497 = vector.shape_cast %get3A_1496 : vector<1x16xf32> to vector<16xf32>
        %mul3A_1498 = vector.broadcast %squeeze3A_1449 : f32 to vector<16xf32>
        %mul3A_1499 = arith.mulf %get3A_1497, %mul3A_1498 : vector<16xf32>
        %swap3A_1500 = arith.index_cast %add3A_1447 : i32 to index
        %swap3A_1501 = arith.constant 64 : index
        %swap3A_1502 = tpu.vector_load %arg11[%swap3A_1500, %swap3A_1501] {strides = array<i32>} : memref<128x128xf32, #tpu.memory_space<vmem>>, vector<1x16xf32>,
        %swap3A_1503 = vector.shape_cast %swap3A_1502 : vector<1x16xf32> to vector<16xf32>
        %swap3A_1504 = vector.shape_cast %mul3A_1499 : vector<16xf32> to vector<1x16xf32>
        tpu.vector_store %arg11[%swap3A_1500, %swap3A_1501], %swap3A_1504 {strides = array<i32>} : memref<128x128xf32, #tpu.memory_space<vmem>>, vector<1x16xf32>,
        %get3A_1505 = arith.index_cast %add3A_1447 : i32 to index
        %get3A_1506 = arith.constant 80 : index
        %get3A_1507 = tpu.vector_load %arg11[%get3A_1505, %get3A_1506] {strides = array<i32>} : memref<128x128xf32, #tpu.memory_space<vmem>>, vector<1x16xf32>,
        %get3A_1508 = vector.shape_cast %get3A_1507 : vector<1x16xf32> to vector<16xf32>
        %mul3A_1509 = vector.broadcast %squeeze3A_1449 : f32 to vector<16xf32>
        %mul3A_1510 = arith.mulf %get3A_1508, %mul3A_1509 : vector<16xf32>
        %swap3A_1511 = arith.index_cast %add3A_1447 : i32 to index
        %swap3A_1512 = arith.constant 80 : index
        %swap3A_1513 = tpu.vector_load %arg11[%swap3A_1511, %swap3A_1512] {strides = array<i32>} : memref<128x128xf32, #tpu.memory_space<vmem>>, vector<1x16xf32>,
        %swap3A_1514 = vector.shape_cast %swap3A_1513 : vector<1x16xf32> to vector<16xf32>
        %swap3A_1515 = vector.shape_cast %mul3A_1510 : vector<16xf32> to vector<1x16xf32>
        tpu.vector_store %arg11[%swap3A_1511, %swap3A_1512], %swap3A_1515 {strides = array<i32>} : memref<128x128xf32, #tpu.memory_space<vmem>>, vector<1x16xf32>,
        %get3A_1516 = arith.index_cast %add3A_1447 : i32 to index
        %get3A_1517 = arith.constant 96 : index
        %get3A_1518 = tpu.vector_load %arg11[%get3A_1516, %get3A_1517] {strides = array<i32>} : memref<128x128xf32, #tpu.memory_space<vmem>>, vector<1x16xf32>,
        %get3A_1519 = vector.shape_cast %get3A_1518 : vector<1x16xf32> to vector<16xf32>
        %mul3A_1520 = vector.broadcast %squeeze3A_1449 : f32 to vector<16xf32>
        %mul3A_1521 = arith.mulf %get3A_1519, %mul3A_1520 : vector<16xf32>
        %swap3A_1522 = arith.index_cast %add3A_1447 : i32 to index
        %swap3A_1523 = arith.constant 96 : index
        %swap3A_1524 = tpu.vector_load %arg11[%swap3A_1522, %swap3A_1523] {strides = array<i32>} : memref<128x128xf32, #tpu.memory_space<vmem>>, vector<1x16xf32>,
        %swap3A_1525 = vector.shape_cast %swap3A_1524 : vector<1x16xf32> to vector<16xf32>
        %swap3A_1526 = vector.shape_cast %mul3A_1521 : vector<16xf32> to vector<1x16xf32>
        tpu.vector_store %arg11[%swap3A_1522, %swap3A_1523], %swap3A_1526 {strides = array<i32>} : memref<128x128xf32, #tpu.memory_space<vmem>>, vector<1x16xf32>,
        %get3A_1527 = arith.index_cast %add3A_1447 : i32 to index
        %get3A_1528 = arith.constant 112 : index
        %get3A_1529 = tpu.vector_load %arg11[%get3A_1527, %get3A_1528] {strides = array<i32>} : memref<128x128xf32, #tpu.memory_space<vmem>>, vector<1x16xf32>,
        %get3A_1530 = vector.shape_cast %get3A_1529 : vector<1x16xf32> to vector<16xf32>
        %mul3A_1531 = vector.broadcast %squeeze3A_1449 : f32 to vector<16xf32>
        %mul3A_1532 = arith.mulf %get3A_1530, %mul3A_1531 : vector<16xf32>
        %swap3A_1533 = arith.index_cast %add3A_1447 : i32 to index
        %swap3A_1534 = arith.constant 112 : index
        %swap3A_1535 = tpu.vector_load %arg11[%swap3A_1533, %swap3A_1534] {strides = array<i32>} : memref<128x128xf32, #tpu.memory_space<vmem>>, vector<1x16xf32>,
        %swap3A_1536 = vector.shape_cast %swap3A_1535 : vector<1x16xf32> to vector<16xf32>
        %swap3A_1537 = vector.shape_cast %mul3A_1532 : vector<16xf32> to vector<1x16xf32>
        tpu.vector_store %arg11[%swap3A_1533, %swap3A_1534], %swap3A_1537 {strides = array<i32>} : memref<128x128xf32, #tpu.memory_space<vmem>>, vector<1x16xf32>,
      }
      %scan3A_30 = arith.constant 8 : i32
      "tpu.region"() ({
        %run_scoped3A = tpu.sem_alloc : memref<!tpu.dma_semaphore, #tpu.memory_space<semaphore_mem>>
        %dma_start3A_31 = arith.constant 0 : i32
        %dma_start3A_32 = tpu.memref_slice %arg9[%scan3A_15, %dma_start3A_31] : memref<79x128xi32, #tpu.memory_space<vmem>> -> memref<1x128xi32, #tpu.memory_space<vmem>>
        %dma_start3A_33 = tpu.memref_squeeze %dma_start3A_32 : memref<1x128xi32, #tpu.memory_space<vmem>> -> memref<128xi32, #tpu.memory_space<vmem>>
        %dma_start3A_34 = arith.constant 0 : i32
        %dma_start3A_35 = arith.constant 0 : i32
        %dma_start3A_36 = tpu.memref_slice %arg12[%dma_start3A_34, %dma_start3A_35] : memref<10112x128xf32, #tpu.memory_space<vmem_shared>> -> memref<10112x128xf32, #tpu.memory_space<vmem_shared>>
        tpu.enqueue_indirect_dma source(%arg11 : memref<128x128xf32, #tpu.memory_space<vmem>>) target(%dma_start3A_36 : memref<10112x128xf32, #tpu.memory_space<vmem_shared>>) offsets(%dma_start3A_33 : memref<128xi32, #tpu.memory_space<vmem>>) semaphore(%run_scoped3A : memref<!tpu.dma_semaphore, #tpu.memory_space<semaphore_mem>>) {add = true}
        %dma_wait3A_37 = arith.constant 0 : i32
        %dma_wait3A_38 = tpu.memref_slice %arg9[%scan3A_15, %dma_wait3A_37] : memref<79x128xi32, #tpu.memory_space<vmem>> -> memref<1x128xi32, #tpu.memory_space<vmem>>
        %dma_wait3A_39 = tpu.memref_squeeze %dma_wait3A_38 : memref<1x128xi32, #tpu.memory_space<vmem>> -> memref<128xi32, #tpu.memory_space<vmem>>
        %dma_wait3A_40 = arith.constant 0 : i32
        %dma_wait3A_41 = arith.constant 0 : i32
        %dma_wait3A_42 = tpu.memref_slice %arg12[%dma_wait3A_40, %dma_wait3A_41] : memref<10112x128xf32, #tpu.memory_space<vmem_shared>> -> memref<10112x128xf32, #tpu.memory_space<vmem_shared>>
        tpu.wait_indirect_dma semaphore(%run_scoped3A : memref<!tpu.dma_semaphore, #tpu.memory_space<semaphore_mem>>) src(%arg11 : memref<128x128xf32, #tpu.memory_space<vmem>>) dst(%dma_wait3A_42 : memref<10112x128xf32, #tpu.memory_space<vmem_shared>>)
        tpu.yield
      }) : () -> ()
    }
    %scan3A_9 = arith.constant 79 : i32
    %barrier3A_10 = arith.constant 0 : index
    tpu.barrier barrier_id(%barrier3A_10)
    %mul3A_11 = arith.constant 632 : i32
    %mul3A_12 = arith.muli %arg1, %mul3A_11 : i32
    %mul3A_13 = arith.constant 632 : i32
    %mul3A_14 = arith.muli %arg1, %mul3A_13 : i32
    "tpu.region"() ({
      %run_scoped3A = tpu.sem_alloc : memref<!tpu.dma_semaphore, #tpu.memory_space<semaphore_mem>>
      %dma_start3A = arith.constant 0 : i32
      %dma_start3A_15 = tpu.memref_slice %arg7[%arg0, %mul3A_14, %dma_start3A] : memref<2x10112x128xf32, #tpu.memory_space<hbm>> -> memref<1x632x128xf32, #tpu.memory_space<hbm>>
      %dma_start3A_16 = tpu.memref_squeeze %dma_start3A_15 : memref<1x632x128xf32, #tpu.memory_space<hbm>> -> memref<632x128xf32, #tpu.memory_space<hbm>>
      %dma_start3A_17 = arith.constant 0 : i32
      %dma_start3A_18 = tpu.memref_slice %arg12[%mul3A_12, %dma_start3A_17] : memref<10112x128xf32, #tpu.memory_space<vmem_shared>> -> memref<632x128xf32, #tpu.memory_space<vmem_shared>>
      tpu.enqueue_dma source(%dma_start3A_18 : memref<632x128xf32, #tpu.memory_space<vmem_shared>>) target(%dma_start3A_16 : memref<632x128xf32, #tpu.memory_space<hbm>>) target_semaphore(%run_scoped3A : memref<!tpu.dma_semaphore, #tpu.memory_space<semaphore_mem>>)
      %dma_wait3A = arith.constant 0 : i32
      %dma_wait3A_19 = tpu.memref_slice %arg7[%arg0, %mul3A_14, %dma_wait3A] : memref<2x10112x128xf32, #tpu.memory_space<hbm>> -> memref<1x632x128xf32, #tpu.memory_space<hbm>>
      %dma_wait3A_20 = tpu.memref_squeeze %dma_wait3A_19 : memref<1x632x128xf32, #tpu.memory_space<hbm>> -> memref<632x128xf32, #tpu.memory_space<hbm>>
      %dma_wait3A_21 = arith.constant 0 : i32
      %dma_wait3A_22 = tpu.memref_slice %arg12[%mul3A_12, %dma_wait3A_21] : memref<10112x128xf32, #tpu.memory_space<vmem_shared>> -> memref<632x128xf32, #tpu.memory_space<vmem_shared>>
      tpu.wait_dma2 semaphore(%run_scoped3A : memref<!tpu.dma_semaphore, #tpu.memory_space<semaphore_mem>>) src(%dma_wait3A_22 : memref<632x128xf32, #tpu.memory_space<vmem_shared>>) dst(%dma_wait3A_20 : memref<632x128xf32, #tpu.memory_space<hbm>>)
      tpu.yield
    }) : () -> ()
    return
  }
}

module attributes {stable_mosaic.version = 14 : i64} {
  func.func @_dense_body(%arg0: i32, %arg1: memref<1000x128xf32, #tpu.memory_space<vmem>>, %arg2: memref<1000x128xf32, #tpu.memory_space<vmem>>, %arg3: memref<1000x128xf32, #tpu.memory_space<vmem>>, %arg4: memref<128x128xf32, #tpu.memory_space<vmem>>, %arg5: memref<1x128xf32, #tpu.memory_space<vmem>>, %arg6: memref<1000x128xf32, #tpu.memory_space<vmem>>) attributes {dimension_semantics = [#tpu.dimension_semantics<arbitrary>], iteration_bounds = array<i64: 10>, scalar_prefetch = 0 : i64, scratch_operands = 0 : i64, tpu.core_type = #tpu.core_type<tc>, window_params = [{transform_indices = @transform_0, window_bounds = array<i64: 1000, 128>}, {transform_indices = @transform_1, window_bounds = array<i64: 1000, 128>}, {transform_indices = @transform_2, window_bounds = array<i64: 1000, 128>}, {pipeline_mode = #tpu.pipeline_mode<synchronous>, transform_indices = @transform_3, window_bounds = array<i64: 128, 128>}, {pipeline_mode = #tpu.pipeline_mode<synchronous>, transform_indices = @transform_4, window_bounds = array<i64: 1, 128>}, {transform_indices = @transform_5, window_bounds = array<i64: 1000, 128>}]} {
    %get3A = arith.constant 0 : index
    %get3A_0 = arith.constant 0 : index
    %get3A_1 = vector.load %arg1[%get3A, %get3A_0] : memref<1000x128xf32, #tpu.memory_space<vmem>>, vector<1000x128xf32>
    %get3A_2 = arith.constant 0 : index
    %get3A_3 = arith.constant 0 : index
    %get3A_4 = vector.load %arg2[%get3A_2, %get3A_3] : memref<1000x128xf32, #tpu.memory_space<vmem>>, vector<1000x128xf32>
    %add3A = arith.addf %get3A_1, %get3A_4 : vector<1000x128xf32>
    %mul3A = arith.constant 0.899999976 : f32
    %mul3A_5 = vector.broadcast %mul3A : f32 to vector<1000x128xf32>
    %mul3A_6 = arith.mulf %mul3A_5, %add3A : vector<1000x128xf32>
    %get3A_7 = arith.constant 0 : index
    %get3A_8 = arith.constant 0 : index
    %get3A_9 = vector.load %arg3[%get3A_7, %get3A_8] : memref<1000x128xf32, #tpu.memory_space<vmem>>, vector<1000x128xf32>
    %mul3A_10 = arith.constant 1.000000e-01 : f32
    %mul3A_11 = vector.broadcast %mul3A_10 : f32 to vector<1000x128xf32>
    %mul3A_12 = arith.mulf %mul3A_11, %get3A_9 : vector<1000x128xf32>
    %add3A_13 = arith.addf %mul3A_6, %mul3A_12 : vector<1000x128xf32>
    %get3A_14 = arith.constant 0 : index
    %get3A_15 = arith.constant 0 : index
    %get3A_16 = vector.load %arg4[%get3A_14, %get3A_15] : memref<128x128xf32, #tpu.memory_space<vmem>>, vector<128x128xf32>
    %dot_general3A = arith.constant dense<0.000000e+00> : vector<1000x128xf32>
    %dot_general3A_17 = tpu.matmul %add3A_13, %get3A_16, %dot_general3A {dimension_numbers = #tpu.dot_dimension_numbers<[1], [0], [0], [1], [0, 0, 1, 1], [], []>, transpose_lhs_hint = false} : vector<1000x128xf32>, vector<128x128xf32>, vector<1000x128xf32> -> vector<1000x128xf32>
    %get3A_18 = arith.constant 0 : index
    %get3A_19 = arith.constant 0 : index
    %get3A_20 = vector.load %arg5[%get3A_18, %get3A_19] : memref<1x128xf32, #tpu.memory_space<vmem>>, vector<1x128xf32>
    %add3A_21 = vector.broadcast %get3A_20 : vector<1x128xf32> to vector<1000x128xf32>
    %add3A_22 = arith.addf %dot_general3A_17, %add3A_21 : vector<1000x128xf32>
    %mul3A_23 = arith.constant 5.000000e-01 : f32
    %mul3A_24 = vector.broadcast %mul3A_23 : f32 to vector<1000x128xf32>
    %mul3A_25 = arith.mulf %mul3A_24, %add3A_22 : vector<1000x128xf32>
    %mul3A_26 = arith.constant 5.000000e-01 : f32
    %mul3A_27 = vector.broadcast %mul3A_26 : f32 to vector<1000x128xf32>
    %mul3A_28 = arith.mulf %mul3A_27, %add3A_13 : vector<1000x128xf32>
    %add3A_29 = arith.addf %mul3A_25, %mul3A_28 : vector<1000x128xf32>
    %swap3A = arith.constant 0 : index
    %swap3A_30 = arith.constant 0 : index
    %swap3A_31 = vector.load %arg6[%swap3A, %swap3A_30] : memref<1000x128xf32, #tpu.memory_space<vmem>>, vector<1000x128xf32>
    tpu.vector_store %arg6[%swap3A, %swap3A_30], %add3A_29 {strides = array<i32>} : memref<1000x128xf32, #tpu.memory_space<vmem>>, vector<1000x128xf32>,
    return
  }
  func.func @transform_0(%arg0: i32) -> (i32, i32) {
    %c0_i32 = arith.constant 0 : i32
    %c0_i32_0 = arith.constant 0 : i32
    return %arg0, %c0_i32 : i32, i32
  }
  func.func @transform_1(%arg0: i32) -> (i32, i32) {
    %c0_i32 = arith.constant 0 : i32
    %c0_i32_0 = arith.constant 0 : i32
    return %arg0, %c0_i32 : i32, i32
  }
  func.func @transform_2(%arg0: i32) -> (i32, i32) {
    %c0_i32 = arith.constant 0 : i32
    %c0_i32_0 = arith.constant 0 : i32
    return %arg0, %c0_i32 : i32, i32
  }
  func.func @transform_3(%arg0: i32) -> (i32, i32) {
    %c0_i32 = arith.constant 0 : i32
    %c0_i32_0 = arith.constant 0 : i32
    %c0_i32_1 = arith.constant 0 : i32
    return %c0_i32, %c0_i32_0 : i32, i32
  }
  func.func @transform_4(%arg0: i32) -> (i32, i32) {
    %c0_i32 = arith.constant 0 : i32
    %c0_i32_0 = arith.constant 0 : i32
    %c0_i32_1 = arith.constant 0 : i32
    return %c0_i32, %c0_i32_0 : i32, i32
  }
  func.func @transform_5(%arg0: i32) -> (i32, i32) {
    %c0_i32 = arith.constant 0 : i32
    %c0_i32_0 = arith.constant 0 : i32
    return %arg0, %c0_i32 : i32, i32
  }
}

</mosaic_0001>

<sc_bundles>
// kernel: kernel.4.cloned.1.call-start
scs
__scs_entry_jumppad:
0x0: {  	(pc) =	sbr.rel $0x88, $3  }
0x1: {  	(tag) =	ssettag $0x0;
	lr =	simm.s32 $0x1  }
0x2: {  	[smem:$0x3F9B] =	sst lr;
	_ =	strace $0xD0000000  }
0x3: {  	_ = 	snop  }
0x4: {  	_ = 	snop  }
0x5: {  	_ = 	snop  }
0x6: {  	_ = 	snop  }
0x7: {  	_ = 	snop  }
__scs_overlays_trampoline_lowered:
0x8: {  	[smem:$0x3FAA] =	sst s0  }
0x9: {  	[smem:$0x3FAB] =	sst s1  }
0xa: {  	[smem:$0x3FAC] =	sst s2  }
0xb: {  	[smem:$0x3FAD] =	sst s3  }
0xc: {  	[smem:$0x3FAE] =	sst s4  }
0xd: {  	[smem:$0x3FAF] =	sst s5  }
0xe: {  	[smem:$0x3FB0] =	sst s6  }
0xf: {  	[smem:$0x3FB1] =	sst s7  }
0x10: {  	[smem:$0x3FB2] =	sst s8  }
0x11: {  	[smem:$0x3FB3] =	sst s9;
	s0 =	simm.s32 @!p0 $0x0  }
0x12: {  	s1 =	sld [smem:$0x3F99];
	s0 =	simm.s32 @p0 $0x1  }
0x13: {  	[smem:$0x3FB4] =	sst s0;
	s0 =	simm.s32 @!p1 $0x0  }
0x14: {  	s2 =	sld [smem:$0x3F98];
	s0 =	simm.s32 @p1 $0x1  }
0x15: {  	[smem:$0x3FB5] =	sst s0;
	s0 =	simm.s32 @!p2 $0x0  }
0x16: {  	s3 =	sld [smem:$0x3FDB];
	s0 =	simm.s32 @p2 $0x1  }
0x17: {  	s4 =	simm.s32 $0x1BF5;
	[smem:$0x3FB7] =	sst s0  }
0x18: {  	s0 =	sld [smem:$0x3F9A];
	_ =	swait.ge [sflag:s4], $0x0  }
0x19: {  	s7 =	sld [smem:$0x3F9B]  }
0x1a: {  	s8 =	sadd.s32 $0xFFFFE003, lr  }
0x1b: {  	s9 =	sadd.s32 $0xFFFFFEF7, lr;
	s5 =	simm.s32 $0xFFFFFFFF;
	p2 =	slt.u32 s8, $0xFFFFF086  }
0x1c: {  	p1 =	slt.u32 s9, $0xF7A;
	s5 =	simm.s32 @!p2 $0x0  }
0x1d: {  	s5 =	simm.s32 @p1 $0x1;
	p0 =	seq.s32 s7, s2  }
0x1e: {  	s7 =	smul.u32 @!p0 $0xF7A, s2;
	p2 =	seq.s32 @!p0 s5, $0x0  }
0x1f: {  	s9 =	smul.u32 $0xF7A, s1;
	s8 =	simm.s32 @!p0 $0x1BF5;
	p2 =	por !p2, p0  }
0x20: {  	[sflag:s8] =	ssyncset.s32 @!p0 $0xFFFFF086;
	s6 =	sadd.s32 @!p0 s3, s7;
	s7 =	simm.s32 @!p0 $0x108  }
0x21: {  	s3 =	sadd.s32 s3, s9;
	s6 =	sadd.s32 @!p0 $0x88, s6;
	s7 =	simm.s32 @p2 $0x1082  }
0x22: {  	[simem:s7], [sflag:s8] =	dma.local @!p0 [hbm:s6], $0xF7A  }
0x23: {  	s9 =	sor.u32 $0xD0000000, s2;
	s6 =	simm.s32 $0x108;
	_ =	swait.ge @!p0 [sflag:s8], $0x0  }
0x24: {  	s3 =	sadd.s32 $0x88, s3;
	s6 =	simm.s32 @!p1 $0x1082;
	[sflag:s4] =	ssyncset.s32 $0xFFFFF086  }
0x25: {  	[simem:s6], [sflag:s4] =	dma.local [hbm:s3], $0xF7A  }
0x26: {  	[smem:$0x3F9B] =	sst s1;
	(tag) =	ssettag s2;
	_ =	strace s9  }
0x27: {  	s1 =	sld [smem:$0x3FAB]  }
0x28: {  	s2 =	sld [smem:$0x3FAC]  }
0x29: {  	s4 =	sld [smem:$0x3FAE]  }
0x2a: {  	p0 =	seq.s32 s5, $0x0;
	s5 =	sld [smem:$0x3FAF]  }
0x2b: {  	s6 =	sld [smem:$0x3FB0]  }
0x2c: {  	s7 =	sld [smem:$0x3FB1]  }
0x2d: {  	s3 =	simm.s32 $0x108;
	s8 =	sld [smem:$0x3FB2]  }
0x2e: {  	s3 =	simm.s32 @!p0 $0x1082;
	s9 =	sld [smem:$0x3FB3]  }
0x2f: {  	lr =	sadd.s32 s0, s3;
	s0 =	sld [smem:$0x3FAA]  }
0x30: {  	s3 =	sld [smem:$0x3FAD]  }
0x31: {  	[smem:$0x3FB6] =	sst s10  }
0x32: {  	s10 =	sld [smem:$0x3FB4];
	_ =	sdelay $0x3  }
0x33: {  	p0 =	seq.s32 s10, $0x1;
	s10 =	sld [smem:$0x3FB6];
	_ =	sdelay $0x3  }
0x34: {  	[smem:$0x3FB6] =	sst s10  }
0x35: {  	s10 =	sld [smem:$0x3FB5];
	_ =	sdelay $0x3  }
0x36: {  	p1 =	seq.s32 s10, $0x1;
	s10 =	sld [smem:$0x3FB6];
	_ =	sdelay $0x3  }
0x37: {  	[smem:$0x3FB6] =	sst s10  }
0x38: {  	s10 =	sld [smem:$0x3FB7]  }
0x39: {  	_ = 	snop;
	(pc) =	sbr.ind lr, $3  }
0x3a: {  	_ = 	snop  }
0x3b: {  	_ = 	snop  }
0x3c: {  	p2 =	seq.s32 s10, $0x1;
	s10 =	sld [smem:$0x3FB6]  }
0x3d: {  	_ =	shalt  }
0x3e: {  	_ =	shalt  }
0x3f: {  	_ =	shalt  }
0x40: {  	_ =	shalt  }
0x41: {  	_ =	shalt  }
0x42: {  	_ =	shalt  }
0x43: {  	_ =	shalt  }
0x44: {  	_ =	shalt  }
0x45: {  	_ =	shalt  }
0x46: {  	_ =	shalt  }
0x47: {  	_ =	shalt  }
0x48: {  	_ =	shalt  }
0x49: {  	_ =	shalt  }
0x4a: {  	_ =	shalt  }
0x4b: {  	_ =	shalt  }
0x4c: {  	_ =	shalt  }
0x4d: {  	_ =	shalt  }
0x4e: {  	_ =	shalt  }
0x4f: {  	_ =	shalt  }
0x50: {  	_ =	shalt  }
0x51: {  	_ =	shalt  }
0x52: {  	_ =	shalt  }
0x53: {  	_ =	shalt  }
0x54: {  	_ =	shalt  }
0x55: {  	_ =	shalt  }
0x56: {  	_ =	shalt  }
0x57: {  	_ =	shalt  }
0x58: {  	_ =	shalt  }
0x59: {  	_ =	shalt  }
0x5a: {  	_ =	shalt  }
0x5b: {  	_ =	shalt  }
0x5c: {  	_ =	shalt  }
0x5d: {  	_ =	shalt  }
0x5e: {  	_ =	shalt  }
0x5f: {  	_ =	shalt  }
0x60: {  	_ =	shalt  }
0x61: {  	_ =	shalt  }
0x62: {  	_ =	shalt  }
0x63: {  	_ =	shalt  }
0x64: {  	_ =	shalt  }
0x65: {  	_ =	shalt  }
0x66: {  	_ =	shalt  }
0x67: {  	_ =	shalt  }
0x68: {  	_ =	shalt  }
0x69: {  	_ =	shalt  }
0x6a: {  	_ =	shalt  }
0x6b: {  	_ =	shalt  }
0x6c: {  	_ =	shalt  }
0x6d: {  	_ =	shalt  }
0x6e: {  	_ =	shalt  }
0x6f: {  	_ =	shalt  }
0x70: {  	_ =	shalt  }
0x71: {  	_ =	shalt  }
0x72: {  	_ =	shalt  }
0x73: {  	_ =	shalt  }
0x74: {  	_ =	shalt  }
0x75: {  	_ =	shalt  }
0x76: {  	_ =	shalt  }
0x77: {  	_ =	shalt  }
0x78: {  	_ =	shalt  }
0x79: {  	_ =	shalt  }
0x7a: {  	_ =	shalt  }
0x7b: {  	_ =	shalt  }
0x7c: {  	_ =	shalt  }
0x7d: {  	_ =	shalt  }
0x7e: {  	_ =	shalt  }
0x7f: {  	_ =	shalt  }
0x80: {  	_ =	shalt  }
0x81: {  	_ =	shalt  }
0x82: {  	_ =	shalt  }
0x83: {  	_ =	shalt  }
0x84: {  	_ =	shalt  }
0x85: {  	_ =	shalt  }
0x86: {  	_ =	shalt  }
0x87: {  	_ =	shalt  }
.Lfunc_end0:
.L_simem_size_0:
called_computation_lowered:
.L_overlay_start_0:
0x88: {  	s2 =	sld [smem:$0x3FD9]  }
0x89: {  	s3 =	sld [smem:$0x3FFE];
	_ =	sdelay $0x1  }
0x8a: {  	s1 =	srdreg.scid  }
0x8b: {  	s0 =	sand.u32 $0x1, s1  }
0x8c: {  	s17 =	sshll.u32 s0, $0xA;
	s2 =	sadd.s32 s3, s2  }
0x8d: {  	s2 =	sadd.s32 s2, s17  }
0x8e: {  	[smem:$0x3FC2] =	sst s2  }
0x8f: {  	_ = 	snop  }
0x90: {  	s2 =	sld [smem:$0x3FC9]  }
0x91: {  	s18 =	sld [smem:$0x3FD0];
	(tm) =	ssettm $0x1  }
0x92: {  	s4 =	sld [smem:$0x3FFB];
	_ =	sdelay $0x3  }
0x93: {  	_ =	strace s4  }
0x94: {  	s4 =	sld [smem:$0x3FFC];
	_ =	sdelay $0x3  }
0x95: {  	_ =	strace s4  }
0x96: {  	s4 =	sld [smem:$0x3FFD];
	_ =	sdelay $0x3  }
0x97: {  	_ =	strace s4  }
0x98: {  	_ =	strace $0x8FFFFFFF  }
0x99: {  	s19 =	sld [smem:$0x3FDB];
	_ =	sdelay $0x1  }
0x9a: {  	s5 =	simm.s32 $_scs_section_size  }
0x9b: {  	s6 =	simm.s32 $_size__tile_overlayer_lowered;
	s7 =	simm.s32 $_tile_overlayer_lowered  }
0x9c: {  	s22 =	simm.s32 $0x1BFF;
	s21 =	sshll.u32 s7, $0x1;
	s4 =	sadd.s32 s5, s19  }
0x9d: {  	s8 =	simm.s32 $0x0;
	s20 =	sshll.u32 s6, $0x1;
	s6 =	sadd.s32 s21, s4  }
0x9e: {  	[timem:s8], [sflag:s22] =	dma.local [hbm:s6], s20  }
0x9f: {  	_ =	swait.ge [sflag:s22], s20  }
0xa0: {  	s5 =	ssub.s32 $0x0, s20;
	[sflag:s22] =	ssyncset.done $0x0  }
0xa1: {  	[sflag:s22] =	ssyncadd.s32 s5;
	_ =	sdelay $0x1  }
0xa2: {  	s23 =	simm.s32 $0x1B8B  }
0xa3: {  	_ =	swait.ge [sflag:s23], $0x1  }
0xa4: {  	[sflag:s23] =	ssyncset.done $0x0  }
0xa5: {  	s25 =	simm.s32 $0x1B8E;
	s24 =	sld [smem:$0x3FFE];
	[sflag:s23] =	ssyncadd.s32 $0xFFFFFFFF  }
0xa6: {  	s26 =	simm.s32 $execute0_lowered;
	[smem:$0x3FD2] =	sst s25  }
0xa7: {  	s6 =	sshll.u32 s26, $0x1;
	_ =	strace $0x80000046;
	[dreg:$0x1] =	wrdreg $0xFFFFFFFF  }
0xa8: {  	s28 =	simm.s32 $_size_execute0_lowered;
	s4 =	sadd.s32 s4, s6;
	[dreg:$0x0] =	wrdreg $0x0  }
0xa9: {  	s6 =	sshll.u32 s28, $0x1;
	[dreg:$0x2] =	wrdreg s4  }
0xaa: {  	[dreg:$0x3] =	wrdreg s6  }
0xab: {  	[dreg:$0x4] =	wrdreg $0xC0  }
0xac: {  	_ =	task [dreg:s8], $0x5FFFF  }
0xad: {  	[dreg:$0x1] =	wrdreg $0xFFFFFFFF  }
0xae: {  	[dreg:$0x0] =	wrdreg $0x60  }
0xaf: {  	[dreg:$0x2] =	wrdreg s2  }
0xb0: {  	[dreg:$0x3] =	wrdreg s18  }
0xb1: {  	[dreg:$0x4] =	wrdreg s24  }
0xb2: {  	[dreg:$0x5] =	wrdreg $0xB8000  }
0xb3: {  	[dreg:$0x6] =	wrdreg $0x9  }
0xb4: {  	_ =	task.clear_ibuf [dreg:s8], $0x7FFFF;
	_ =	strace $0x90000046  }
0xb5: {  	s29 =	simm.s32 $0x9;
	_ =	strace $0x80000048  }
0xb6: {  	_ =	swait.ge [sflag:s29], $0x1  }
0xb7: {  	[sflag:s29] =	ssyncadd.s32 $0xFFFFFFFF  }
0xb8: {  	_ =	strace $0x90000048  }
0xb9: {  	_ =	sfence  }
0xba: {  	s30 =	sld [smem:$0x0];
	_ =	sdelay $0x2  }
0xbb: {  	s31 =	sshll.u32 s1, $0xD;
	s1 =	sshrl.u32 s1, $0x2  }
0xbc: {  	s3 =	sand.u32 $0x4000, s31;
	s1 =	sadd.s32 s1, s30  }
0xbd: {  	s0 =	sor.u32 s3, s0;
	s1 =	sshll.u32 s1, $0x11  }
0xbe: {  	s0 =	sor.u32 s1, s0  }
0xbf: {  	s0 =	sadd.s32 $0x8F2B, s0  }
0xc0: {  	[sflag:s0] =	ssyncadd.remote.s32 $0x1  }
0xc1: {  	_ =	sfence.sel $0xFFFF  }
0xc2: {  	[dreg:$0x0] =	wrdreg $0xFFFFFFFF;
	(pc) =	sbr.abs _section_cstart, $3  }
0xc3: {  	[dreg:$0x1] =	wrdreg $0xFFFFFFFF  }
0xc4: {  	_ =	task.clear_ibuf [dreg:s8], $0x2FFFF;
	_ =	strace $0x9FFFFFFF  }
0xc5: {  	(tm) =	ssettm $0x7FFFFFFF  }
tec
execute0_lowered:
.L_overlay_start_1:
0x0: {  	(tag) =	ssettag $0x1  }
0x1: {  	s1 =	rddreg [dreg:$0x0]  }
0x2: {  	s7 =	rddreg [dreg:$0x1]  }
0x3: {  	s6 =	rddreg [dreg:$0x2]  }
0x4: {  	s0 =	srdreg.scid;
	s3 =	rddreg [dreg:$0x3]  }
0x5: {  	s4 =	simm.s32 $0x0;
	s5 =	sand.u32 $0x1, s0;
	s0 =	stileid.u32  }
0x6: {  	s16 =	simm.s32 $0x80;
	s17 =	simm.s32 $0x7800;
	s9 =	smul.u32 $0x13C00, s0  }
0x7: {  	s18 =	simm.s32 $0x1;
	s19 =	simm.s32 $0x0;
	s10 =	smul.u32 $0x13C000, s5  }
0x8: {  	[smem:$0x7FF] =	sst s4;
	s2 =	sshll.u32 s5, $0x4;
	s28 =	smul.u32 $0x4F000, s0  }
0x9: {  	s5 =	ssub.s32 $0x2, s5;
	s31 =	sshll.u32 s0, $0x6;
	s2 =	sor.u32 s0, s2  }
0xa: {  	s29 =	sshrl.u32 s5, $0x1;
	s8 =	smul.u32 $0x500, s2;
	s2 =	rddreg [dreg:$0x4]  }
0xb: {  	_ =	strace $0x80000047;
	s12 =	sshrl.u32 s9, $0x3;
	s9 =	sadd.s32 s9, s10  }
0xc: {  	s30 =	sshrl.u32 s28, $0x2;
	s14 =	ssub.s32 s5, s29;
	s12 =	sadd.s32 s12, s6  }
0xd: {  	s9 =	sshrl.u32 s9, $0x3;
	s15 =	sadd.s32 s30, s3;
	s11 =	sadd.s32 s8, s6  }
0xe: {  	s13 =	sadd.s32 s9, s6;
	s5 =	sadd.s32 $0x14C00, s12;
	s6 =	sor.u32 $0x1C02, s31  }
0xf: {  	s7 =	sadd.s32 s7, s8;
	s12 =	sshrl.u32 s15, $0x3;
	s15 =	simm.s32 $0x5000  }
0x10: {  	s8 =	sadd.s32 $0xC00, s11;
	s9 =	sadd.s32 $0xAC00, s11;
	s10 =	sadd.s32 $0x3C400, s13  }
0x11: {  	s11 =	smax.u32 s14, $0x1;
	s13 =	simm.s32 $0x2;
	s14 =	simm.s32 $0x2800  }
.LBB2_1:
0x12: {  	[spmem:s12], [sflag:s6] =	dma.local [hbm:s5], $0x2780  }
0x13: {  	_ =	swait.ge [sflag:s13], $0x2780  }
0x14: {  	[sflag:s13] =	ssyncset.done $0x0  }
0x15: {  	[sflag:s13] =	ssyncadd.s32 $0xFFFFD880  }
0x16: {  	[bflag:$0x0] =	sbarrier.arrive $0xFFFF  }
0x17: {  	[tilespmem:s4], [sflag:$0x2] =	stream.linear.gather [hbm4b:s7+s4], $0x2780, $0x38;
	[tilespmem:$0x1F400] =	vst v63  }
0x18: {  	_ =	swait.ge [sflag:s13], $0x2780  }
0x19: {  	[sflag:s13] =	ssyncset.done $0x0  }
0x1a: {  	[sflag:s13] =	ssyncadd.s32 $0xFFFFD880  }
0x1b: {  	[tilespmem:s14], [sflag:$0x2] =	stream.linear.gather [hbm4b:s8+s4], $0x2780, $0x38;
	[tilespmem:$0x1F400] =	vst v63  }
0x1c: {  	_ =	swait.ge [sflag:s13], $0x2780  }
0x1d: {  	[sflag:s13] =	ssyncset.done $0x0  }
0x1e: {  	[sflag:s13] =	ssyncadd.s32 $0xFFFFD880  }
0x1f: {  	[tilespmem:s15], [sflag:$0x2] =	stream.linear.gather [hbm4b:s9+s4], $0x2780, $0x38;
	[tilespmem:$0x1F400] =	vst v63  }
0x20: {  	_ =	swait.ge [sflag:s13], $0x2780  }
0x21: {  	[sflag:s13] =	ssyncset.done $0x0  }
0x22: {  	s20 =	simm.s32 $0x0;
	[sflag:s13] =	ssyncadd.s32 $0xFFFFD880  }
.LBB2_2:
0x23: {  	s21 =	sshll.u32 s20, $0x7  }
0x24: {  	s22 =	sadd.s32 $0x5000, s21  }
0x25: {  	v0 =	vmov s22  }
0x26: {  	[tilespmem:s17], [sflag:$0x1] =	stream.indirect.gather [hbm4b:s1+s16], $0x80, s21, s16, $0xb8;
	[tilespmem:$0x1F400] =	vst v63  }
0x27: {  	_ =	swait.ge [sflag:s18], $0x4000  }
0x28: {  	s31 =	simm.s32 $0x0;
	[sflag:s18] =	ssyncset.done $0x0  }
0x29: {  	s22 =	sand.u32 $0x3FFFFFF0, s31;
	[sflag:s18] =	ssyncadd.s32 $0xFFFFC000  }
0x2a: {  	s23 =	simm.s32 $0x0;
	v1 =	vld.idx.msk [tilespmem:v0+s22+$0x0 ss:$0x1], $0xffff  }
0x2b: {  	s22 =	sand.u32 $0x3FFFF800, s23  }
0x2c: {  	v3 =	vld [tilespmem:s22+$0x7820]  }
0x2d: {  	v4 =	vld [tilespmem:s22+$0x7830]  }
0x2e: {  	v10 =	vld [tilespmem:s22+$0x7860]  }
0x2f: {  	v11 =	vld [tilespmem:s22+$0x7870];
	v2 =	vbroadcast v1, $0x0  }
0x30: {  	v12 =	vld [tilespmem:s22+$0x7880]  }
0x31: {  	v13 =	vld [tilespmem:s22+$0x7890];
	v3 =	vmul.f32 v3, v2  }
0x32: {  	v14 =	vld [tilespmem:s22+$0x78A0];
	v4 =	vmul.f32 v4, v2  }
0x33: {  	v9 =	vld [tilespmem:s22+$0x78B0];
	v23 =	vbroadcast v1, $0x1;
	v22 =	vmul.f32 v10, v2;
	[tilespmem:s22+$0x7820] =	vst v3  }
0x34: {  	v7 =	vld [tilespmem:s22+$0x78C0];
	v11 =	vmul.f32 v11, v2;
	[tilespmem:s22+$0x7830] =	vst v4  }
0x35: {  	v8 =	vld [tilespmem:s22+$0x78D0];
	v12 =	vmul.f32 v12, v23;
	[tilespmem:s22+$0x7860] =	vst v22  }
0x36: {  	v25 =	vld [tilespmem:s22+$0x78F0];
	v13 =	vmul.f32 v13, v23;
	[tilespmem:s22+$0x7870] =	vst v11  }
0x37: {  	v26 =	vld [tilespmem:s22+$0x7900];
	v14 =	vmul.f32 v14, v23;
	[tilespmem:s22+$0x7880] =	vst v12  }
0x38: {  	v27 =	vld [tilespmem:s22+$0x7910];
	v9 =	vmul.f32 v9, v23;
	[tilespmem:s22+$0x7890] =	vst v13  }
0x39: {  	v6 =	vld [tilespmem:s22+$0x7D70];
	v7 =	vmul.f32 v7, v23;
	[tilespmem:s22+$0x78A0] =	vst v14  }
0x3a: {  	v24 =	vld [tilespmem:s22+$0x78E0];
	v15 =	vbroadcast v1, $0x2;
	v8 =	vmul.f32 v8, v23;
	[tilespmem:s22+$0x78B0] =	vst v9  }
0x3b: {  	v28 =	vld [tilespmem:s22+$0x7920];
	v10 =	vmul.f32 v25, v23;
	[tilespmem:s22+$0x78C0] =	vst v7  }
0x3c: {  	v29 =	vld [tilespmem:s22+$0x7930];
	v5 =	vbroadcast v1, $0xA;
	v32 =	vmul.f32 v26, v15;
	[tilespmem:s22+$0x78D0] =	vst v8  }
0x3d: {  	v30 =	vld [tilespmem:s22+$0x7940];
	v34 =	vmul.f32 v27, v15;
	[tilespmem:s22+$0x78F0] =	vst v10  }
0x3e: {  	v33 =	vld [tilespmem:s22+$0x7960];
	v3 =	vmul.f32 v6, v5;
	[tilespmem:s22+$0x7900] =	vst v32  }
0x3f: {  	v35 =	vld [tilespmem:s22+$0x7970];
	v11 =	vmul.f32 v24, v23;
	[tilespmem:s22+$0x7910] =	vst v34  }
0x40: {  	v36 =	vld [tilespmem:s22+$0x7980];
	v9 =	vmul.f32 v28, v15;
	[tilespmem:s22+$0x7D70] =	vst v3  }
0x41: {  	v31 =	vld [tilespmem:s22+$0x7950];
	v7 =	vmul.f32 v29, v15;
	[tilespmem:s22+$0x78E0] =	vst v11  }
0x42: {  	v37 =	vld [tilespmem:s22+$0x7990];
	v8 =	vmul.f32 v30, v15;
	[tilespmem:s22+$0x7920] =	vst v9  }
0x43: {  	v38 =	vld [tilespmem:s22+$0x79A0];
	v41 =	vbroadcast v1, $0x3;
	v10 =	vmul.f32 v33, v15;
	[tilespmem:s22+$0x7930] =	vst v7  }
0x44: {  	v39 =	vld [tilespmem:s22+$0x79B0];
	v12 =	vmul.f32 v35, v15;
	[tilespmem:s22+$0x7940] =	vst v8  }
0x45: {  	v42 =	vld [tilespmem:s22+$0x79D0];
	v13 =	vmul.f32 v36, v41;
	[tilespmem:s22+$0x7960] =	vst v10  }
0x46: {  	v43 =	vld [tilespmem:s22+$0x79E0];
	v11 =	vmul.f32 v31, v15;
	[tilespmem:s22+$0x7970] =	vst v12  }
0x47: {  	v44 =	vld [tilespmem:s22+$0x79F0];
	v9 =	vmul.f32 v37, v41;
	[tilespmem:s22+$0x7980] =	vst v13  }
0x48: {  	v40 =	vld [tilespmem:s22+$0x79C0];
	v7 =	vmul.f32 v38, v41;
	[tilespmem:s22+$0x7950] =	vst v11  }
0x49: {  	v45 =	vld [tilespmem:s22+$0x7A00];
	v8 =	vmul.f32 v39, v41;
	[tilespmem:s22+$0x7990] =	vst v9  }
0x4a: {  	v46 =	vld [tilespmem:s22+$0x7A10];
	v10 =	vmul.f32 v42, v41;
	[tilespmem:s22+$0x79A0] =	vst v7  }
0x4b: {  	v47 =	vld [tilespmem:s22+$0x7A20];
	v12 =	vmul.f32 v43, v41;
	[tilespmem:s22+$0x79B0] =	vst v8  }
0x4c: {  	v49 =	vld [tilespmem:s22+$0x7A40];
	v50 =	vbroadcast v1, $0x4;
	v13 =	vmul.f32 v44, v41;
	[tilespmem:s22+$0x79D0] =	vst v10  }
0x4d: {  	v51 =	vld [tilespmem:s22+$0x7A50];
	v11 =	vmul.f32 v40, v41;
	[tilespmem:s22+$0x79E0] =	vst v12  }
0x4e: {  	v52 =	vld [tilespmem:s22+$0x7A60];
	v9 =	vmul.f32 v45, v50;
	[tilespmem:s22+$0x79F0] =	vst v13  }
0x4f: {  	v48 =	vld [tilespmem:s22+$0x7A30];
	v7 =	vmul.f32 v46, v50;
	[tilespmem:s22+$0x79C0] =	vst v11  }
0x50: {  	v53 =	vld [tilespmem:s22+$0x7A70];
	v8 =	vmul.f32 v47, v50;
	[tilespmem:s22+$0x7A00] =	vst v9  }
0x51: {  	v54 =	vld [tilespmem:s22+$0x7A80];
	v10 =	vmul.f32 v49, v50;
	[tilespmem:s22+$0x7A10] =	vst v7  }
0x52: {  	v55 =	vld [tilespmem:s22+$0x7A90];
	v12 =	vmul.f32 v51, v50;
	[tilespmem:s22+$0x7A20] =	vst v8  }
0x53: {  	v57 =	vld [tilespmem:s22+$0x7AB0];
	v13 =	vmul.f32 v52, v50;
	[tilespmem:s22+$0x7A40] =	vst v10  }
0x54: {  	v58 =	vld [tilespmem:s22+$0x7AC0];
	v59 =	vbroadcast v1, $0x5;
	v11 =	vmul.f32 v48, v50;
	[tilespmem:s22+$0x7A50] =	vst v12  }
0x55: {  	v60 =	vld [tilespmem:s22+$0x7AD0];
	v9 =	vmul.f32 v53, v50;
	[tilespmem:s22+$0x7A60] =	vst v13  }
0x56: {  	v56 =	vld [tilespmem:s22+$0x7AA0];
	v7 =	vmul.f32 v54, v59;
	[tilespmem:s22+$0x7A30] =	vst v11  }
0x57: {  	v61 =	vld [tilespmem:s22+$0x7AE0];
	v8 =	vmul.f32 v55, v59;
	[tilespmem:s22+$0x7A70] =	vst v9  }
0x58: {  	v62 =	vld [tilespmem:s22+$0x7AF0];
	v10 =	vmul.f32 v57, v59;
	[tilespmem:s22+$0x7A80] =	vst v7  }
0x59: {  	v63 =	vld [tilespmem:s22+$0x7B00];
	v12 =	vmul.f32 v58, v59;
	[tilespmem:s22+$0x7A90] =	vst v8  }
0x5a: {  	v19 =	vld [tilespmem:s22+$0x7B20];
	v13 =	vmul.f32 v60, v59;
	[tilespmem:s22+$0x7AB0] =	vst v10  }
0x5b: {  	v20 =	vld [tilespmem:s22+$0x7B30];
	v11 =	vmul.f32 v56, v59;
	[tilespmem:s22+$0x7AC0] =	vst v12  }
0x5c: {  	v21 =	vld [tilespmem:s22+$0x7B40];
	v22 =	vbroadcast v1, $0x6;
	v9 =	vmul.f32 v61, v59;
	[tilespmem:s22+$0x7AD0] =	vst v13  }
0x5d: {  	v18 =	vld [tilespmem:s22+$0x7B10];
	v7 =	vmul.f32 v62, v59;
	[tilespmem:s22+$0x7AA0] =	vst v11  }
0x5e: {  	v23 =	vld [tilespmem:s22+$0x7B50];
	v8 =	vmul.f32 v63, v22;
	[tilespmem:s22+$0x7AE0] =	vst v9  }
0x5f: {  	v24 =	vld [tilespmem:s22+$0x7B60];
	v10 =	vmul.f32 v19, v22;
	[tilespmem:s22+$0x7AF0] =	vst v7  }
0x60: {  	v25 =	vld [tilespmem:s22+$0x7B70];
	v12 =	vmul.f32 v20, v22;
	[tilespmem:s22+$0x7B00] =	vst v8  }
0x61: {  	v27 =	vld [tilespmem:s22+$0x7B90];
	v13 =	vmul.f32 v21, v22;
	[tilespmem:s22+$0x7B20] =	vst v10  }
0x62: {  	v28 =	vld [tilespmem:s22+$0x7BA0];
	v11 =	vmul.f32 v18, v22;
	[tilespmem:s22+$0x7B30] =	vst v12  }
0x63: {  	v29 =	vld [tilespmem:s22+$0x7BB0];
	v9 =	vmul.f32 v23, v22;
	[tilespmem:s22+$0x7B40] =	vst v13  }
0x64: {  	v31 =	vbroadcast v1, $0x7;
	v53 =	vld [tilespmem:s22+$0x7D00];
	v7 =	vmul.f32 v24, v22;
	[tilespmem:s22+$0x7B10] =	vst v11  }
0x65: {  	v57 =	vld [tilespmem:s22+$0x7D40];
	v8 =	vmul.f32 v25, v22;
	[tilespmem:s22+$0x7B50] =	vst v9  }
0x66: {  	v58 =	vld [tilespmem:s22+$0x7D50];
	v10 =	vmul.f32 v27, v31;
	[tilespmem:s22+$0x7B60] =	vst v7  }
0x67: {  	v26 =	vld [tilespmem:s22+$0x7B80];
	v12 =	vmul.f32 v28, v31;
	[tilespmem:s22+$0x7B70] =	vst v8  }
0x68: {  	v30 =	vld [tilespmem:s22+$0x7BC0];
	v13 =	vmul.f32 v29, v31;
	[tilespmem:s22+$0x7B90] =	vst v10  }
0x69: {  	v32 =	vld [tilespmem:s22+$0x7BD0];
	v59 =	vmul.f32 v53, v5;
	[tilespmem:s22+$0x7BA0] =	vst v12  }
0x6a: {  	v33 =	vld [tilespmem:s22+$0x7BE0];
	v18 =	vmul.f32 v57, v5;
	[tilespmem:s22+$0x7BB0] =	vst v13  }
0x6b: {  	v35 =	vld [tilespmem:s22+$0x7C00];
	v20 =	vmul.f32 v58, v5;
	[tilespmem:s22+$0x7D00] =	vst v59  }
0x6c: {  	v36 =	vld [tilespmem:s22+$0x7C10];
	v11 =	vmul.f32 v26, v31;
	[tilespmem:s22+$0x7D40] =	vst v18  }
0x6d: {  	v37 =	vld [tilespmem:s22+$0x7C20];
	v9 =	vmul.f32 v30, v31;
	[tilespmem:s22+$0x7D50] =	vst v20  }
0x6e: {  	v4 =	vld [tilespmem:s22+$0x7D80];
	v40 =	vbroadcast v1, $0x8;
	v7 =	vmul.f32 v32, v31;
	[tilespmem:s22+$0x7B80] =	vst v11  }
0x6f: {  	v6 =	vld [tilespmem:s22+$0x7D90];
	v8 =	vmul.f32 v33, v31;
	[tilespmem:s22+$0x7BC0] =	vst v9  }
0x70: {  	v3 =	vld [tilespmem:s22+$0x7FD0];
	v10 =	vmul.f32 v35, v40;
	[tilespmem:s22+$0x7BD0] =	vst v7  }
0x71: {  	v61 =	vld [tilespmem:s22+$0x7800];
	v23 =	vbroadcast v1, $0xB;
	v12 =	vmul.f32 v36, v40;
	[tilespmem:s22+$0x7BE0] =	vst v8  }
0x72: {  	v34 =	vld [tilespmem:s22+$0x7BF0];
	v13 =	vmul.f32 v37, v40;
	[tilespmem:s22+$0x7C00] =	vst v10  }
0x73: {  	v38 =	vld [tilespmem:s22+$0x7C30];
	v27 =	vbroadcast v1, $0xF;
	v4 =	vmul.f32 v4, v23;
	[tilespmem:s22+$0x7C10] =	vst v12  }
0x74: {  	v39 =	vld [tilespmem:s22+$0x7C40];
	v6 =	vmul.f32 v6, v23;
	[tilespmem:s22+$0x7C20] =	vst v13  }
0x75: {  	v41 =	vld [tilespmem:s22+$0x7C50];
	v3 =	vmul.f32 v3, v27;
	[tilespmem:s22+$0x7D80] =	vst v4  }
0x76: {  	v43 =	vld [tilespmem:s22+$0x7C70];
	v24 =	vmul.f32 v2, v61;
	[tilespmem:s22+$0x7D90] =	vst v6  }
0x77: {  	v44 =	vld [tilespmem:s22+$0x7C80];
	v11 =	vmul.f32 v34, v31;
	[tilespmem:s22+$0x7FD0] =	vst v3  }
0x78: {  	v45 =	vld [tilespmem:s22+$0x7C90];
	v9 =	vmul.f32 v38, v40;
	[tilespmem:s22+$0x7800] =	vst v24  }
0x79: {  	v63 =	vld [tilespmem:s22+$0x7840];
	v7 =	vmul.f32 v39, v40;
	[tilespmem:s22+$0x7BF0] =	vst v11  }
0x7a: {  	v49 =	vbroadcast v1, $0x9;
	v29 =	vld [tilespmem:s22+$0x7DF0];
	v8 =	vmul.f32 v41, v40;
	[tilespmem:s22+$0x7C30] =	vst v9  }
0x7b: {  	v42 =	vld [tilespmem:s22+$0x7C60];
	v10 =	vmul.f32 v43, v40;
	[tilespmem:s22+$0x7C40] =	vst v7  }
0x7c: {  	v46 =	vld [tilespmem:s22+$0x7CA0];
	v12 =	vmul.f32 v44, v49;
	[tilespmem:s22+$0x7C50] =	vst v8  }
0x7d: {  	v47 =	vld [tilespmem:s22+$0x7CB0];
	v13 =	vmul.f32 v45, v49;
	[tilespmem:s22+$0x7C70] =	vst v10  }
0x7e: {  	v48 =	vld [tilespmem:s22+$0x7CC0];
	v3 =	vmul.f32 v63, v2;
	[tilespmem:s22+$0x7C80] =	vst v12  }
0x7f: {  	v51 =	vld [tilespmem:s22+$0x7CE0];
	v6 =	vmul.f32 v29, v23;
	[tilespmem:s22+$0x7C90] =	vst v13  }
0x80: {  	v52 =	vld [tilespmem:s22+$0x7CF0];
	v11 =	vmul.f32 v42, v40;
	[tilespmem:s22+$0x7840] =	vst v3  }
0x81: {  	v28 =	vld [tilespmem:s22+$0x7DE0];
	v9 =	vmul.f32 v46, v49;
	[tilespmem:s22+$0x7DF0] =	vst v6  }
0x82: {  	v26 =	vld [tilespmem:s22+$0x7DD0];
	v7 =	vmul.f32 v47, v49;
	[tilespmem:s22+$0x7C60] =	vst v11  }
0x83: {  	v30 =	vld [tilespmem:s22+$0x7E00];
	v8 =	vmul.f32 v48, v49;
	[tilespmem:s22+$0x7CA0] =	vst v9  }
0x84: {  	v50 =	vld [tilespmem:s22+$0x7CD0];
	v10 =	vmul.f32 v51, v49;
	[tilespmem:s22+$0x7CB0] =	vst v7  }
0x85: {  	v54 =	vld [tilespmem:s22+$0x7D10];
	v12 =	vmul.f32 v52, v49;
	[tilespmem:s22+$0x7CC0] =	vst v8  }
0x86: {  	v55 =	vld [tilespmem:s22+$0x7D20];
	v35 =	vbroadcast v1, $0xC;
	v40 =	vmul.f32 v28, v23;
	[tilespmem:s22+$0x7CE0] =	vst v10  }
0x87: {  	v56 =	vld [tilespmem:s22+$0x7D30];
	v32 =	vmul.f32 v26, v23;
	[tilespmem:s22+$0x7CF0] =	vst v12  }
0x88: {  	v60 =	vld [tilespmem:s22+$0x7D60];
	v15 =	vmul.f32 v30, v35;
	[tilespmem:s22+$0x7DE0] =	vst v40  }
0x89: {  	v62 =	vld [tilespmem:s22+$0x7810];
	v11 =	vmul.f32 v50, v49;
	[tilespmem:s22+$0x7DD0] =	vst v32  }
0x8a: {  	v19 =	vld [tilespmem:s22+$0x7850];
	v9 =	vmul.f32 v54, v5;
	[tilespmem:s22+$0x7E00] =	vst v15  }
0x8b: {  	v33 =	vld [tilespmem:s22+$0x7E30];
	v7 =	vmul.f32 v55, v5;
	[tilespmem:s22+$0x7CD0] =	vst v11  }
0x8c: {  	v61 =	vld [tilespmem:s22+$0x7FF0];
	v8 =	vmul.f32 v56, v5;
	[tilespmem:s22+$0x7D10] =	vst v9  }
0x8d: {  	v38 =	vld [tilespmem:s22+$0x7E70];
	v5 =	vmul.f32 v60, v5;
	[tilespmem:s22+$0x7D20] =	vst v7  }
0x8e: {  	v21 =	vld [tilespmem:s22+$0x7DA0];
	v12 =	vmul.f32 v62, v2;
	[tilespmem:s22+$0x7D30] =	vst v8  }
0x8f: {  	v22 =	vld [tilespmem:s22+$0x7DB0];
	v2 =	vmul.f32 v19, v2;
	[tilespmem:s22+$0x7D60] =	vst v5  }
0x90: {  	v25 =	vld [tilespmem:s22+$0x7DC0];
	v62 =	vmul.f32 v33, v35;
	[tilespmem:s22+$0x7810] =	vst v12  }
0x91: {  	v31 =	vld [tilespmem:s22+$0x7E10];
	v63 =	vmul.f32 v61, v27;
	[tilespmem:s22+$0x7850] =	vst v2  }
0x92: {  	v34 =	vld [tilespmem:s22+$0x7E40];
	v15 =	vmul.f32 v38, v35;
	[tilespmem:s22+$0x7E30] =	vst v62  }
0x93: {  	v41 =	vld [tilespmem:s22+$0x7EA0];
	v7 =	vmul.f32 v21, v23;
	[tilespmem:s22+$0x7FF0] =	vst v63  }
0x94: {  	v46 =	vld [tilespmem:s22+$0x7EE0];
	v8 =	vmul.f32 v22, v23;
	[tilespmem:s22+$0x7E70] =	vst v15  }
0x95: {  	v36 =	vld [tilespmem:s22+$0x7E50];
	v5 =	vmul.f32 v25, v23;
	[tilespmem:s22+$0x7DA0] =	vst v7  }
0x96: {  	v44 =	vbroadcast v1, $0xD;
	v9 =	vmul.f32 v31, v35;
	v2 =	vld [tilespmem:s22+$0x7E90];
	[tilespmem:s22+$0x7DB0] =	vst v8  }
0x97: {  	v37 =	vld [tilespmem:s22+$0x7E60];
	v12 =	vmul.f32 v34, v35;
	[tilespmem:s22+$0x7DC0] =	vst v5  }
0x98: {  	v39 =	vld [tilespmem:s22+$0x7E80];
	v11 =	vmul.f32 v41, v44;
	[tilespmem:s22+$0x7E10] =	vst v9  }
0x99: {  	v42 =	vld [tilespmem:s22+$0x7EB0];
	v51 =	vmul.f32 v46, v44;
	[tilespmem:s22+$0x7E40] =	vst v12  }
0x9a: {  	v48 =	vld [tilespmem:s22+$0x7F10];
	v8 =	vmul.f32 v36, v35;
	[tilespmem:s22+$0x7EA0] =	vst v11  }
0x9b: {  	v49 =	vld [tilespmem:s22+$0x7F20];
	[tilespmem:s22+$0x7EE0] =	vst v51;
	v2 =	vmul.f32 v2, v44  }
0x9c: {  	v50 =	vld [tilespmem:s22+$0x7F30];
	v5 =	vmul.f32 v37, v35;
	[tilespmem:s22+$0x7E50] =	vst v8  }
0x9d: {  	v1 =	vbroadcast v1, $0xE;
	v9 =	vmul.f32 v39, v44;
	[tilespmem:s22+$0x7E90] =	vst v2;
	v2 =	vld [tilespmem:s22+$0x7F00]  }
0x9e: {  	v60 =	vld [tilespmem:s22+$0x7FE0];
	v12 =	vmul.f32 v42, v44;
	[tilespmem:s22+$0x7E60] =	vst v5  }
0x9f: {  	v45 =	vld [tilespmem:s22+$0x7ED0];
	v11 =	vmul.f32 v48, v1;
	[tilespmem:s22+$0x7E80] =	vst v9  }
0xa0: {  	v47 =	vld [tilespmem:s22+$0x7EF0];
	v10 =	vmul.f32 v49, v1;
	[tilespmem:s22+$0x7EB0] =	vst v12  }
0xa1: {  	v43 =	vld [tilespmem:s22+$0x7EC0];
	v6 =	vmul.f32 v50, v1;
	[tilespmem:s22+$0x7F10] =	vst v11  }
0xa2: {  	v55 =	vld [tilespmem:s22+$0x7F80];
	[tilespmem:s22+$0x7F20] =	vst v10;
	v2 =	vmul.f32 v2, v1  }
0xa3: {  	v57 =	vld [tilespmem:s22+$0x7FA0];
	v4 =	vmul.f32 v60, v27;
	[tilespmem:s22+$0x7F30] =	vst v6  }
0xa4: {  	v5 =	vmul.f32 v45, v44;
	[tilespmem:s22+$0x7F00] =	vst v2;
	v2 =	vld [tilespmem:s22+$0x7F70]  }
0xa5: {  	v52 =	vld [tilespmem:s22+$0x7F40];
	v9 =	vmul.f32 v47, v44;
	[tilespmem:s22+$0x7FE0] =	vst v4  }
0xa6: {  	v56 =	vld [tilespmem:s22+$0x7F90];
	v8 =	vmul.f32 v43, v44;
	[tilespmem:s22+$0x7ED0] =	vst v5  }
0xa7: {  	v54 =	vld [tilespmem:s22+$0x7F60];
	v11 =	vmul.f32 v55, v27;
	[tilespmem:s22+$0x7EF0] =	vst v9  }
0xa8: {  	v58 =	vld [tilespmem:s22+$0x7FB0];
	v6 =	vmul.f32 v57, v27;
	[tilespmem:s22+$0x7EC0] =	vst v8  }
0xa9: {  	v53 =	vld [tilespmem:s22+$0x7F50];
	[tilespmem:s22+$0x7F80] =	vst v11;
	v2 =	vmul.f32 v2, v1  }
0xaa: {  	v59 =	vld [tilespmem:s22+$0x7FC0];
	v5 =	vmul.f32 v52, v1;
	[tilespmem:s22+$0x7FA0] =	vst v6  }
0xab: {  	[tilespmem:s22+$0x7F70] =	vst v2;
	v2 =	vmul.f32 v56, v27  }
0xac: {  	v3 =	vld [tilespmem:s22+$0x7E20];
	v9 =	vmul.f32 v54, v1;
	[tilespmem:s22+$0x7F40] =	vst v5  }
0xad: {  	[tilespmem:s22+$0x7F90] =	vst v2;
	v2 =	vmul.f32 v58, v27  }
0xae: {  	[tilespmem:s22+$0x7F60] =	vst v9;
	v1 =	vmul.f32 v53, v1  }
0xaf: {  	[tilespmem:s22+$0x7FB0] =	vst v2;
	v2 =	vmul.f32 v59, v27  }
0xb0: {  	[tilespmem:s22+$0x7F50] =	vst v1  }
0xb1: {  	s23 =	simm.s32 $0x1;
	[tilespmem:s22+$0x7FC0] =	vst v2;
	v2 =	vmul.f32 v3, v35  }
.LBB2_3:
0xb2: {  	s24 =	sshll.u32 s23, $0x4  }
0xb3: {  	p0 =	sne.s32 s23, $0x7;
	[tilespmem:s22+$0x7E20] =	vst v2;
	s22 =	smov.u32 s23;
	s23 =	sadd.s32 $0x1, s23  }
0xb4: {  	s24 =	sand.u32 $0x3FFFFFF0, s24  }
0xb5: {  	v1 =	vld.idx.msk [tilespmem:v0+s24+$0x0 ss:$0x1], $0xffff  }
0xb6: {  	s22 =	sshll.u32 s22, $0xB  }
0xb7: {  	s22 =	sand.u32 $0x3FFFF800, s22  }
0xb8: {  	v8 =	vld [tilespmem:s22+$0x78C0]  }
0xb9: {  	v9 =	vld [tilespmem:s22+$0x78D0]  }
0xba: {  	v10 =	vld [tilespmem:s22+$0x78B0]  }
0xbb: {  	v2 =	vbroadcast v1, $0x0;
	v7 =	vbroadcast v1, $0x4;
	v3 =	vld [tilespmem:s22+$0x7820]  }
0xbc: {  	v5 =	vld [tilespmem:s22+$0x7830]  }
0xbd: {  	v6 =	vld [tilespmem:s22+$0x7D70]  }
0xbe: {  	v11 =	vld [tilespmem:s22+$0x7860]  }
0xbf: {  	v12 =	vld [tilespmem:s22+$0x7870]  }
0xc0: {  	v4 =	vbroadcast v1, $0xA;
	v3 =	vmul.f32 v3, v2;
	v13 =	vld [tilespmem:s22+$0x7880]  }
0xc1: {  	v5 =	vmul.f32 v5, v2;
	v14 =	vld [tilespmem:s22+$0x7890]  }
0xc2: {  	[tilespmem:s22+$0x7820] =	vst v3;
	v15 =	vld [tilespmem:s22+$0x78A0];
	v3 =	vmul.f32 v6, v4  }
0xc3: {  	[tilespmem:s22+$0x7830] =	vst v5;
	v6 =	vmul.f32 v11, v2;
	v11 =	vbroadcast v1, $0x1;
	v5 =	vld [tilespmem:s22+$0x7D80]  }
0xc4: {  	v12 =	vmul.f32 v12, v2;
	[tilespmem:s22+$0x7D70] =	vst v3;
	v3 =	vld [tilespmem:s22+$0x7FD0]  }
0xc5: {  	[tilespmem:s22+$0x7860] =	vst v6;
	v13 =	vmul.f32 v13, v11;
	v6 =	vld [tilespmem:s22+$0x7D90]  }
0xc6: {  	[tilespmem:s22+$0x7870] =	vst v12;
	v12 =	vmul.f32 v14, v11;
	v14 =	vld [tilespmem:s22+$0x78E0]  }
0xc7: {  	[tilespmem:s22+$0x7880] =	vst v13;
	v13 =	vmul.f32 v15, v11;
	v15 =	vld [tilespmem:s22+$0x78F0]  }
0xc8: {  	v10 =	vmul.f32 v10, v11;
	[tilespmem:s22+$0x7890] =	vst v12;
	v12 =	vld [tilespmem:s22+$0x7900]  }
0xc9: {  	v8 =	vmul.f32 v8, v11;
	[tilespmem:s22+$0x78A0] =	vst v13;
	v13 =	vld [tilespmem:s22+$0x7910]  }
0xca: {  	v9 =	vmul.f32 v9, v11;
	[tilespmem:s22+$0x78B0] =	vst v10;
	v10 =	vld [tilespmem:s22+$0x7920]  }
0xcb: {  	[tilespmem:s22+$0x78C0] =	vst v8;
	v8 =	vmul.f32 v14, v11;
	v14 =	vbroadcast v1, $0x2;
	v16 =	vld [tilespmem:s22+$0x7930]  }
0xcc: {  	[tilespmem:s22+$0x78D0] =	vst v9;
	v9 =	vmul.f32 v15, v11;
	v11 =	vld [tilespmem:s22+$0x7940]  }
0xcd: {  	[tilespmem:s22+$0x78E0] =	vst v8;
	v8 =	vmul.f32 v12, v14;
	v12 =	vld [tilespmem:s22+$0x7950]  }
0xce: {  	[tilespmem:s22+$0x78F0] =	vst v9;
	v9 =	vmul.f32 v13, v14;
	v13 =	vld [tilespmem:s22+$0x7960]  }
0xcf: {  	[tilespmem:s22+$0x7900] =	vst v8;
	v8 =	vmul.f32 v10, v14;
	v10 =	vld [tilespmem:s22+$0x7970]  }
0xd0: {  	[tilespmem:s22+$0x7910] =	vst v9;
	v9 =	vmul.f32 v16, v14;
	v15 =	vld [tilespmem:s22+$0x7980]  }
0xd1: {  	[tilespmem:s22+$0x7920] =	vst v8;
	v8 =	vmul.f32 v11, v14;
	v11 =	vld [tilespmem:s22+$0x7990]  }
0xd2: {  	[tilespmem:s22+$0x7930] =	vst v9;
	v9 =	vmul.f32 v12, v14;
	v12 =	vld [tilespmem:s22+$0x79A0]  }
0xd3: {  	[tilespmem:s22+$0x7940] =	vst v8;
	v8 =	vmul.f32 v13, v14;
	v13 =	vbroadcast v1, $0x3;
	v16 =	vld [tilespmem:s22+$0x79B0]  }
0xd4: {  	[tilespmem:s22+$0x7950] =	vst v9;
	v9 =	vmul.f32 v10, v14;
	v10 =	vld [tilespmem:s22+$0x79C0]  }
0xd5: {  	[tilespmem:s22+$0x7960] =	vst v8;
	v8 =	vmul.f32 v15, v13;
	v14 =	vld [tilespmem:s22+$0x79D0]  }
0xd6: {  	[tilespmem:s22+$0x7970] =	vst v9;
	v9 =	vmul.f32 v11, v13;
	v11 =	vld [tilespmem:s22+$0x79E0]  }
0xd7: {  	[tilespmem:s22+$0x7980] =	vst v8;
	v8 =	vmul.f32 v12, v13;
	v12 =	vld [tilespmem:s22+$0x79F0]  }
0xd8: {  	[tilespmem:s22+$0x7990] =	vst v9;
	v9 =	vmul.f32 v16, v13;
	v15 =	vld [tilespmem:s22+$0x7A00]  }
0xd9: {  	[tilespmem:s22+$0x79A0] =	vst v8;
	v8 =	vmul.f32 v10, v13;
	v10 =	vld [tilespmem:s22+$0x7A10]  }
0xda: {  	[tilespmem:s22+$0x79B0] =	vst v9;
	v9 =	vmul.f32 v14, v13;
	v14 =	vld [tilespmem:s22+$0x7A20]  }
0xdb: {  	[tilespmem:s22+$0x79C0] =	vst v8;
	v8 =	vmul.f32 v11, v13;
	v11 =	vld [tilespmem:s22+$0x7A30]  }
0xdc: {  	[tilespmem:s22+$0x79D0] =	vst v9;
	v9 =	vmul.f32 v12, v13;
	v12 =	vld [tilespmem:s22+$0x7A40]  }
0xdd: {  	[tilespmem:s22+$0x79E0] =	vst v8;
	v8 =	vmul.f32 v15, v7;
	v13 =	vld [tilespmem:s22+$0x7A50]  }
0xde: {  	[tilespmem:s22+$0x79F0] =	vst v9;
	v9 =	vmul.f32 v10, v7;
	v10 =	vld [tilespmem:s22+$0x7A60]  }
0xdf: {  	[tilespmem:s22+$0x7A00] =	vst v8;
	v8 =	vmul.f32 v14, v7;
	v14 =	vld [tilespmem:s22+$0x7A70]  }
0xe0: {  	[tilespmem:s22+$0x7A10] =	vst v9;
	v9 =	vmul.f32 v11, v7;
	v11 =	vld [tilespmem:s22+$0x7A80]  }
0xe1: {  	[tilespmem:s22+$0x7A20] =	vst v8;
	v8 =	vmul.f32 v12, v7;
	v12 =	vld [tilespmem:s22+$0x7A90]  }
0xe2: {  	[tilespmem:s22+$0x7A30] =	vst v9;
	v9 =	vmul.f32 v13, v7;
	v13 =	vld [tilespmem:s22+$0x7AA0]  }
0xe3: {  	[tilespmem:s22+$0x7A40] =	vst v8;
	v8 =	vmul.f32 v10, v7;
	v10 =	vbroadcast v1, $0x5;
	v15 =	vld [tilespmem:s22+$0x7AB0]  }
0xe4: {  	[tilespmem:s22+$0x7A50] =	vst v9;
	v7 =	vmul.f32 v14, v7;
	v9 =	vld [tilespmem:s22+$0x7AC0]  }
0xe5: {  	[tilespmem:s22+$0x7A60] =	vst v8;
	v8 =	vmul.f32 v11, v10;
	v11 =	vld [tilespmem:s22+$0x7AD0]  }
0xe6: {  	[tilespmem:s22+$0x7A70] =	vst v7;
	v7 =	vmul.f32 v12, v10;
	v12 =	vld [tilespmem:s22+$0x7AE0]  }
0xe7: {  	[tilespmem:s22+$0x7A80] =	vst v8;
	v8 =	vmul.f32 v13, v10;
	v13 =	vld [tilespmem:s22+$0x7AF0]  }
0xe8: {  	[tilespmem:s22+$0x7A90] =	vst v7;
	v7 =	vmul.f32 v15, v10;
	v14 =	vld [tilespmem:s22+$0x7B00]  }
0xe9: {  	[tilespmem:s22+$0x7AA0] =	vst v8;
	v8 =	vmul.f32 v9, v10;
	v9 =	vld [tilespmem:s22+$0x7B10]  }
0xea: {  	[tilespmem:s22+$0x7AB0] =	vst v7;
	v7 =	vmul.f32 v11, v10;
	v11 =	vld [tilespmem:s22+$0x7B20]  }
0xeb: {  	[tilespmem:s22+$0x7AC0] =	vst v8;
	v8 =	vmul.f32 v12, v10;
	v12 =	vbroadcast v1, $0x6;
	v15 =	vld [tilespmem:s22+$0x7B30]  }
0xec: {  	[tilespmem:s22+$0x7AD0] =	vst v7;
	v7 =	vmul.f32 v13, v10;
	v10 =	vld [tilespmem:s22+$0x7B40]  }
0xed: {  	[tilespmem:s22+$0x7AE0] =	vst v8;
	v8 =	vmul.f32 v14, v12;
	v13 =	vld [tilespmem:s22+$0x7B50]  }
0xee: {  	[tilespmem:s22+$0x7AF0] =	vst v7;
	v7 =	vmul.f32 v9, v12;
	v9 =	vld [tilespmem:s22+$0x7B60]  }
0xef: {  	[tilespmem:s22+$0x7B00] =	vst v8;
	v8 =	vmul.f32 v11, v12;
	v11 =	vld [tilespmem:s22+$0x7B70]  }
0xf0: {  	[tilespmem:s22+$0x7B10] =	vst v7;
	v7 =	vmul.f32 v15, v12;
	v14 =	vld [tilespmem:s22+$0x7B80]  }
0xf1: {  	[tilespmem:s22+$0x7B20] =	vst v8;
	v8 =	vmul.f32 v10, v12;
	v10 =	vld [tilespmem:s22+$0x7B90]  }
0xf2: {  	[tilespmem:s22+$0x7B30] =	vst v7;
	v7 =	vmul.f32 v13, v12;
	v13 =	vld [tilespmem:s22+$0x7BA0]  }
0xf3: {  	[tilespmem:s22+$0x7B40] =	vst v8;
	v8 =	vmul.f32 v9, v12;
	v9 =	vbroadcast v1, $0x7;
	v15 =	vld [tilespmem:s22+$0x7BB0]  }
0xf4: {  	[tilespmem:s22+$0x7B50] =	vst v7;
	v7 =	vmul.f32 v11, v12;
	v11 =	vld [tilespmem:s22+$0x7BC0]  }
0xf5: {  	[tilespmem:s22+$0x7B60] =	vst v8;
	v8 =	vmul.f32 v14, v9;
	v12 =	vld [tilespmem:s22+$0x7BD0]  }
0xf6: {  	[tilespmem:s22+$0x7B70] =	vst v7;
	v7 =	vmul.f32 v10, v9;
	v10 =	vld [tilespmem:s22+$0x7BE0]  }
0xf7: {  	[tilespmem:s22+$0x7B80] =	vst v8;
	v8 =	vmul.f32 v13, v9;
	v13 =	vld [tilespmem:s22+$0x7BF0]  }
0xf8: {  	[tilespmem:s22+$0x7B90] =	vst v7;
	v7 =	vmul.f32 v15, v9;
	v14 =	vld [tilespmem:s22+$0x7C00]  }
0xf9: {  	[tilespmem:s22+$0x7BA0] =	vst v8;
	v8 =	vmul.f32 v11, v9;
	v11 =	vld [tilespmem:s22+$0x7C10]  }
0xfa: {  	[tilespmem:s22+$0x7BB0] =	vst v7;
	v7 =	vmul.f32 v12, v9;
	v12 =	vld [tilespmem:s22+$0x7C20]  }
0xfb: {  	[tilespmem:s22+$0x7BC0] =	vst v8;
	v8 =	vmul.f32 v10, v9;
	v10 =	vbroadcast v1, $0x8;
	v15 =	vld [tilespmem:s22+$0x7C30]  }
0xfc: {  	[tilespmem:s22+$0x7BD0] =	vst v7;
	v7 =	vmul.f32 v13, v9;
	v9 =	vld [tilespmem:s22+$0x7C40]  }
0xfd: {  	[tilespmem:s22+$0x7BE0] =	vst v8;
	v8 =	vmul.f32 v14, v10;
	v13 =	vld [tilespmem:s22+$0x7C50]  }
0xfe: {  	[tilespmem:s22+$0x7BF0] =	vst v7;
	v7 =	vmul.f32 v11, v10;
	v11 =	vld [tilespmem:s22+$0x7C60]  }
0xff: {  	[tilespmem:s22+$0x7C00] =	vst v8;
	v8 =	vmul.f32 v12, v10;
	v12 =	vld [tilespmem:s22+$0x7C70]  }
0x100: {  	[tilespmem:s22+$0x7C10] =	vst v7;
	v7 =	vmul.f32 v15, v10;
	v14 =	vld [tilespmem:s22+$0x7C80]  }
0x101: {  	[tilespmem:s22+$0x7C20] =	vst v8;
	v8 =	vmul.f32 v9, v10;
	v9 =	vld [tilespmem:s22+$0x7C90]  }
0x102: {  	[tilespmem:s22+$0x7C30] =	vst v7;
	v7 =	vmul.f32 v13, v10;
	v13 =	vld [tilespmem:s22+$0x7CA0]  }
0x103: {  	[tilespmem:s22+$0x7C40] =	vst v8;
	v8 =	vmul.f32 v11, v10;
	v11 =	vbroadcast v1, $0x9;
	v15 =	vld [tilespmem:s22+$0x7CB0]  }
0x104: {  	[tilespmem:s22+$0x7C50] =	vst v7;
	v7 =	vmul.f32 v12, v10;
	v10 =	vld [tilespmem:s22+$0x7CC0]  }
0x105: {  	[tilespmem:s22+$0x7C60] =	vst v8;
	v8 =	vmul.f32 v14, v11;
	v12 =	vld [tilespmem:s22+$0x7CD0]  }
0x106: {  	[tilespmem:s22+$0x7C70] =	vst v7;
	v7 =	vmul.f32 v9, v11;
	v9 =	vld [tilespmem:s22+$0x7CE0]  }
0x107: {  	[tilespmem:s22+$0x7C80] =	vst v8;
	v8 =	vmul.f32 v13, v11;
	v13 =	vld [tilespmem:s22+$0x7CF0]  }
0x108: {  	[tilespmem:s22+$0x7C90] =	vst v7;
	v7 =	vmul.f32 v15, v11;
	v14 =	vld [tilespmem:s22+$0x7D00]  }
0x109: {  	[tilespmem:s22+$0x7CA0] =	vst v8;
	v8 =	vmul.f32 v10, v11;
	v10 =	vld [tilespmem:s22+$0x7D10]  }
0x10a: {  	[tilespmem:s22+$0x7CB0] =	vst v7;
	v7 =	vmul.f32 v12, v11;
	v12 =	vld [tilespmem:s22+$0x7D20]  }
0x10b: {  	[tilespmem:s22+$0x7CC0] =	vst v8;
	v8 =	vmul.f32 v9, v11;
	v9 =	vld [tilespmem:s22+$0x7D30]  }
0x10c: {  	[tilespmem:s22+$0x7CD0] =	vst v7;
	v7 =	vmul.f32 v13, v11;
	v11 =	vld [tilespmem:s22+$0x7D40]  }
0x10d: {  	[tilespmem:s22+$0x7CE0] =	vst v8;
	v8 =	vmul.f32 v14, v4;
	v13 =	vld [tilespmem:s22+$0x7D50]  }
0x10e: {  	[tilespmem:s22+$0x7CF0] =	vst v7;
	v7 =	vmul.f32 v10, v4;
	v10 =	vld [tilespmem:s22+$0x7D60]  }
0x10f: {  	v14 =	vld [tilespmem:s22+$0x7800];
	[tilespmem:s22+$0x7D00] =	vst v8;
	v8 =	vmul.f32 v12, v4  }
0x110: {  	v12 =	vld [tilespmem:s22+$0x7810];
	[tilespmem:s22+$0x7D10] =	vst v7;
	v7 =	vmul.f32 v9, v4  }
0x111: {  	v9 =	vld [tilespmem:s22+$0x7840];
	[tilespmem:s22+$0x7D20] =	vst v8;
	v8 =	vmul.f32 v11, v4  }
0x112: {  	v11 =	vld [tilespmem:s22+$0x7850];
	[tilespmem:s22+$0x7D30] =	vst v7;
	v7 =	vmul.f32 v13, v4  }
0x113: {  	[tilespmem:s22+$0x7D40] =	vst v8;
	v8 =	vmul.f32 v10, v4;
	v10 =	vbroadcast v1, $0xB;
	v13 =	vld [tilespmem:s22+$0x7DA0]  }
0x114: {  	v4 =	vbroadcast v1, $0xF;
	v14 =	vmul.f32 v2, v14;
	[tilespmem:s22+$0x7D50] =	vst v7;
	v7 =	vld [tilespmem:s22+$0x7DB0]  }
0x115: {  	v12 =	vmul.f32 v12, v2;
	[tilespmem:s22+$0x7D60] =	vst v8;
	v5 =	vmul.f32 v5, v10;
	v8 =	vld [tilespmem:s22+$0x7DC0]  }
0x116: {  	v6 =	vmul.f32 v6, v10;
	[tilespmem:s22+$0x7800] =	vst v14;
	v9 =	vmul.f32 v9, v2;
	v14 =	vld [tilespmem:s22+$0x7DD0]  }
0x117: {  	v3 =	vmul.f32 v3, v4;
	v11 =	vmul.f32 v11, v2;
	[tilespmem:s22+$0x7D80] =	vst v5;
	v2 =	vld [tilespmem:s22+$0x7DE0]  }
0x118: {  	[tilespmem:s22+$0x7D90] =	vst v6;
	v5 =	vmul.f32 v13, v10;
	v6 =	vld [tilespmem:s22+$0x7DF0]  }
0x119: {  	v7 =	vmul.f32 v7, v10;
	v13 =	vld [tilespmem:s22+$0x7E00];
	[tilespmem:s22+$0x7FD0] =	vst v3  }
0x11a: {  	[tilespmem:s22+$0x7810] =	vst v12;
	v3 =	vmul.f32 v8, v10;
	v8 =	vld [tilespmem:s22+$0x7E10]  }
0x11b: {  	[tilespmem:s22+$0x7840] =	vst v9;
	v9 =	vmul.f32 v14, v10;
	v12 =	vld [tilespmem:s22+$0x7E20]  }
0x11c: {  	v14 =	vbroadcast v1, $0xC;
	[tilespmem:s22+$0x7DA0] =	vst v5;
	v5 =	vmul.f32 v2, v10;
	v15 =	vld [tilespmem:s22+$0x7E30]  }
0x11d: {  	[tilespmem:s22+$0x7DD0] =	vst v9;
	v6 =	vmul.f32 v6, v10;
	v9 =	vld [tilespmem:s22+$0x7E40]  }
0x11e: {  	[tilespmem:s22+$0x7DB0] =	vst v7;
	v2 =	vmul.f32 v13, v14;
	v7 =	vld [tilespmem:s22+$0x7E50]  }
0x11f: {  	[tilespmem:s22+$0x7DC0] =	vst v3;
	v3 =	vmul.f32 v8, v14;
	v8 =	vld [tilespmem:s22+$0x7E60]  }
0x120: {  	[tilespmem:s22+$0x7E00] =	vst v2;
	v2 =	vmul.f32 v12, v14;
	v10 =	vld [tilespmem:s22+$0x7E70]  }
0x121: {  	[tilespmem:s22+$0x7E10] =	vst v3;
	v3 =	vld [tilespmem:s22+$0x7E80]  }
0x122: {  	[tilespmem:s22+$0x7850] =	vst v11;
	v9 =	vmul.f32 v9, v14;
	v11 =	vld [tilespmem:s22+$0x7E90]  }
0x123: {  	[tilespmem:s22+$0x7DE0] =	vst v5;
	v5 =	vmul.f32 v7, v14;
	v7 =	vld [tilespmem:s22+$0x7EA0]  }
0x124: {  	[tilespmem:s22+$0x7E40] =	vst v9;
	v8 =	vmul.f32 v8, v14;
	v9 =	vbroadcast v1, $0xD;
	v12 =	vld [tilespmem:s22+$0x7EB0]  }
0x125: {  	[tilespmem:s22+$0x7E50] =	vst v5;
	v5 =	vmul.f32 v10, v14;
	v10 =	vld [tilespmem:s22+$0x7EC0]  }
0x126: {  	[tilespmem:s22+$0x7E60] =	vst v8;
	v3 =	vmul.f32 v3, v9;
	v8 =	vld [tilespmem:s22+$0x7ED0]  }
0x127: {  	[tilespmem:s22+$0x7E70] =	vst v5;
	v5 =	vmul.f32 v11, v9;
	v11 =	vld [tilespmem:s22+$0x7EE0]  }
0x128: {  	[tilespmem:s22+$0x7E80] =	vst v3;
	v3 =	vmul.f32 v7, v9;
	v7 =	vld [tilespmem:s22+$0x7EF0]  }
0x129: {  	[tilespmem:s22+$0x7E90] =	vst v5;
	v5 =	vmul.f32 v12, v9;
	v12 =	vld [tilespmem:s22+$0x7F00]  }
0x12a: {  	[tilespmem:s22+$0x7EA0] =	vst v3;
	v3 =	vmul.f32 v10, v9;
	v10 =	vld [tilespmem:s22+$0x7F10]  }
0x12b: {  	[tilespmem:s22+$0x7EB0] =	vst v5;
	v5 =	vmul.f32 v8, v9;
	v8 =	vld [tilespmem:s22+$0x7F20]  }
0x12c: {  	v1 =	vbroadcast v1, $0xE;
	[tilespmem:s22+$0x7DF0] =	vst v6;
	v6 =	vmul.f32 v11, v9;
	v11 =	vld [tilespmem:s22+$0x7F30]  }
0x12d: {  	[tilespmem:s22+$0x7ED0] =	vst v5;
	v5 =	vmul.f32 v7, v9;
	v7 =	vld [tilespmem:s22+$0x7F40]  }
0x12e: {  	[tilespmem:s22+$0x7EE0] =	vst v6;
	v6 =	vmul.f32 v12, v1;
	v9 =	vld [tilespmem:s22+$0x7F50]  }
0x12f: {  	[tilespmem:s22+$0x7EF0] =	vst v5;
	v5 =	vmul.f32 v10, v1;
	v10 =	vld [tilespmem:s22+$0x7F60]  }
0x130: {  	[tilespmem:s22+$0x7F00] =	vst v6;
	v6 =	vmul.f32 v8, v1;
	v8 =	vld [tilespmem:s22+$0x7F70]  }
0x131: {  	[tilespmem:s22+$0x7F10] =	vst v5;
	v5 =	vmul.f32 v11, v1;
	v11 =	vld [tilespmem:s22+$0x7F80]  }
0x132: {  	[tilespmem:s22+$0x7F20] =	vst v6;
	v6 =	vmul.f32 v7, v1;
	v7 =	vld [tilespmem:s22+$0x7F90]  }
0x133: {  	[tilespmem:s22+$0x7F30] =	vst v5;
	v5 =	vmul.f32 v9, v1;
	v9 =	vld [tilespmem:s22+$0x7FA0]  }
0x134: {  	[tilespmem:s22+$0x7F40] =	vst v6;
	v6 =	vmul.f32 v10, v1;
	v10 =	vld [tilespmem:s22+$0x7FB0]  }
0x135: {  	[tilespmem:s22+$0x7EC0] =	vst v3;
	v1 =	vmul.f32 v8, v1;
	v3 =	vld [tilespmem:s22+$0x7FC0]  }
0x136: {  	[tilespmem:s22+$0x7F60] =	vst v6;
	v6 =	vmul.f32 v11, v4;
	v8 =	vld [tilespmem:s22+$0x7FE0]  }
0x137: {  	[tilespmem:s22+$0x7F70] =	vst v1;
	v1 =	vmul.f32 v7, v4;
	v7 =	vld [tilespmem:s22+$0x7FF0]  }
0x138: {  	[tilespmem:s22+$0x7F80] =	vst v6;
	v6 =	vmul.f32 v9, v4  }
0x139: {  	[tilespmem:s22+$0x7F90] =	vst v1;
	v1 =	vmul.f32 v10, v4  }
0x13a: {  	v9 =	vmul.f32 v15, v14;
	[tilespmem:s22+$0x7FA0] =	vst v6  }
0x13b: {  	[tilespmem:s22+$0x7FB0] =	vst v1;
	v1 =	vmul.f32 v3, v4  }
.Ltmp0:
0x13c: {  	[tilespmem:s22+$0x7E30] =	vst v9;
	v3 =	vmul.f32 v7, v4;
	(pc) =	sbr.rel @p0 .LBB2_3-.Ltmp0, $4  }
0x13d: {  	[tilespmem:s22+$0x7FC0] =	vst v1  }
0x13e: {  	v1 =	vmul.f32 v8, v4;
	[tilespmem:s22+$0x7FF0] =	vst v3  }
0x13f: {  	[tilespmem:s22+$0x7F50] =	vst v5  }
0x140: {  	[tilespmem:s22+$0x7FE0] =	vst v1  }
0x141: {  	s20 =	sadd.s32 $0x1, s20  }
0x142: {  	p0 =	sne.s32 s20, $0x4F  }
.Ltmp1:
0x143: {  	[tilespmem:s22+$0x7E20] =	vst v2;
	s21 =	sadd.s32 $0x2800, s21;
	(pc) =	sbr.rel @p0 .LBB2_2-.Ltmp1, $4  }
0x144: {  	[spmem:s3] =	stream.indirect.scatter.add.f32 [tilespmem:s17], [sflag:$0x2], $0x80, s21, s16, $0xb8;
	[tilespmem:$0x1F400] =	vst v63  }
0x145: {  	_ =	swait.ge [sflag:s13], $0x4000  }
0x146: {  	[sflag:s13] =	ssyncset.done $0x0  }
0x147: {  	[sflag:s13] =	ssyncadd.s32 $0xFFFFC000  }
0x148: {  	s19 =	sadd.s32 $0x1, s19  }
0x149: {  	p0 =	sne.s32 s19, s11  }
.Ltmp2:
0x14a: {  	[bflag:$0x0] =	sbarrier.arrive $0xFFFF;
	(pc) =	sbr.rel @p0 .LBB2_1-.Ltmp2, $4  }
0x14b: {  	[hbm:s10], [sflag:s6] =	dma.local [spmem:s12], $0x2780  }
0x14c: {  	_ =	swait.ge [sflag:s13], $0x2780  }
0x14d: {  	[sflag:s13] =	ssyncset.done $0x0  }
0x14e: {  	[sflag:s13] =	ssyncadd.s32 $0xFFFFD880  }
0x14f: {  	_ =	sfence.sel $0x180000  }
0x150: {  	[bflag:$0x0] =	sbarrier.arrive $0xFFFF  }
0x151: {  	p0 =	sne.s32 s0, $0x0;
	_ =	strace $0x90000047  }
0x152: {  	s0 =	sadd.s32 @!p0 $0x100000, s2;
	[bflag:$0x2] =	sbarrier.arrive $0xFFFF  }
0x153: {  	[sflag:s0] =	ssyncadd.tile.s32 @!p0 $0x1;
	_ =	shalt  }
.Lfunc_end2:
_tile_overlayer_lowered:
.L_overlay_start_2:
0x154: {  	(tag) =	ssettag $0x2  }
0x155: {  	s0 =	rddreg [dreg:$0x0];
	s2 =	stileid.u32  }
0x156: {  	s1 =	rddreg [dreg:$0x1];
	p0 =	sne.s32 s2, $0x0  }
0x157: {  	s3 =	rddreg [dreg:$0x2];
	[bflag:$0x3] =	sbarrier.arrive $0xFFFF;
	s2 =	simm.s32 @!p0 $0x1C02  }
0x158: {  	[timem:s3], [sflag:s2] =	dma.local @!p0 [hbm:s0], s1  }
0x159: {  	s0 =	simm.s32 @!p0 $0x2  }
0x15a: {  	_ =	swait.ge @!p0 [sflag:s0], s1  }
0x15b: {  	s1 =	ssub.s32 @!p0 $0x0, s1;
	[sflag:s0] =	ssyncset.done @!p0 $0x0  }
0x15c: {  	[sflag:s0] =	ssyncadd.s32 @!p0 s1  }
0x15d: {  	[bflag:$0x3] =	sbarrier.arrive $0xFFFF  }
0x15e: {  	_ =	shalt  }

</sc_bundles>
